<compile_context>
chip_gen: v7x
topology: tpu7x:2x2x1
jax: 0.10.2.dev20260603
libtpu: 0.0.44.dev20260713+nightly
codegen_flags: <defaults>
</compile_context>

<pallas_src>
import functools

import jax
import jax.numpy as jnp
from jax import lax
from jax.experimental import pallas as pl
from jax.experimental.pallas import tpu as pltpu
from jax.experimental.pallas import tpu_sc as plsc

VOCAB = 100000
D = 64
S = 50
Q = 4096
NC = 2
NS = 16
NW = NC * NS
CH = 128

_mesh = plsc.VectorSubcoreMesh(core_axis_name="c", subcore_axis_name="s")


@functools.partial(
    pl.kernel,
    mesh=_mesh,
    out_type=jax.ShapeDtypeStruct((S, D // 8, NW, 8, CH), jnp.float32),
    scratch_types=[
        pltpu.VMEM((S, CH), jnp.int32),
        [pltpu.VMEM((CH, D), jnp.float32)] * 2,
        [pltpu.VMEM((D // 8, 8, CH + 1), jnp.float32)] * 2,
        [pltpu.SemaphoreType.DMA] * 2,
        [pltpu.SemaphoreType.DMA] * 2,
    ],
    compiler_params=pltpu.CompilerParams(use_tc_tiling_on_sc=False,
                                         needs_layout_passes=False),
)
def _gather(table_hbm, idxt_hbm, out_hbm, idx_v, chunks, tbufs, gsems, ssems):
    wid = lax.axis_index("s") * NC + lax.axis_index("c")
    pltpu.sync_copy(idxt_hbm.at[:, pl.ds(wid * CH, CH)], idx_v)

    zv = jnp.minimum(idx_v[0, pl.ds(0, 16)], 0)
    iot = lax.iota(jnp.int32, 16) + zv
    ftv = [(iot + 16 * k) >> 3 for k in range(4)]
    fiv = [(iot + 16 * k) & 7 for k in range(4)]

    def ig(s, b):
        pltpu.async_copy(table_hbm.at[idx_v.at[s]], chunks[b], gsems[b])

    def wg(s, b):
        pltpu.make_async_copy(table_hbm.at[idx_v.at[s]], chunks[b],
                              gsems[b]).wait()

    def iscat(s, b):
        pltpu.async_copy(tbufs[b].at[:, :, pl.ds(0, CH)],
                         out_hbm.at[s, :, wid], ssems[b])

    def wscat(s, b):
        pltpu.make_async_copy(tbufs[b].at[:, :, pl.ds(0, CH)],
                              out_hbm.at[s, :, wid], ssems[b]).wait()

    def transpose(b):
        def qstep(qo, carry):
            prev = []
            for dq in range(8):
                q = qo * 8 + dq
                qv = zv + q
                cur = [(k, qv, chunks[b][q, pl.ds(k * 16, 16)])
                       for k in range(4)]
                for k, qvp, vals in prev:
                    plsc.store_scatter(tbufs[b], [ftv[k], fiv[k], qvp], vals)
                prev = cur
            for k, qvp, vals in prev:
                plsc.store_scatter(tbufs[b], [ftv[k], fiv[k], qvp], vals)
            return carry
        lax.fori_loop(0, CH // 8, qstep, 0)

    ig(0, 0)
    ig(1, 1)
    for b in range(2):
        wg(b, b)
        transpose(b)
        iscat(b, b)
        ig(b + 2, b)

    def body(p, carry):
        for b in range(2):
            s = 2 * p + b
            wg(s, b)
            wscat(s - 2, b)
            transpose(b)
            iscat(s, b)
            ig(s + 2, b)
        return carry

    lax.fori_loop(1, S // 2 - 1, body, 0)

    for b in range(2):
        s = S - 2 + b
        wg(s, b)
        wscat(s - 2, b)
        transpose(b)
        iscat(s, b)
    for b in range(2):
        wscat(S - 2 + b, b)


def kernel(input_ids, embedding_matrix):
    idx_t = input_ids.T * 2
    tblp = jnp.pad(embedding_matrix, ((0, 0), (0, CH - D)))
    out5 = _gather(tblp.reshape(2 * VOCAB, D), idx_t)
    return out5.transpose(2, 4, 0, 1, 3).reshape(Q, S, D)

# --- scband reference (transcript-rebuilt; emitter-appended) ---
"""Pipeline reference for scband-my-embedding-90615220011269 (READ-ONLY COPY).

The authoritative reference and input builder live on the scoring server;
editing this copy changes nothing except your own understanding.
"""

import jax, jax.numpy as jnp
import numpy as np

VOCAB_SIZE = 100000
EMBED_DIM = 64

def setup_inputs(seed: int = 0) -> dict:
    key = jax.random.key(seed)
    k_idx, k_w = jax.random.split(key)
    input_ids = jax.random.randint(k_idx, (4096, 50), 0, VOCAB_SIZE, dtype=jnp.int64) if jax.config.jax_enable_x64 else jax.random.randint(k_idx, (4096, 50), 0, VOCAB_SIZE, dtype=jnp.int32)
    embedding_matrix = jax.random.normal(k_w, (VOCAB_SIZE, EMBED_DIM), dtype=jnp.float32)
    return {"input_ids": input_ids, "embedding_matrix": embedding_matrix}

def reference(input_ids, embedding_matrix):
    # Faithful translation of: self.embedding_matrix[input_ids]
    return jnp.take(embedding_matrix, input_ids, axis=0)

if __name__ == "__main__":
    import jax
    _d = setup_inputs()
    print(jax.jit(kernel)(*tuple(_d.values())))

</pallas_src>

<mosaic_0001>
#map = affine_map<(d0, d1) -> (0, 0)>
#map1 = affine_map<(d0, d1) -> (0, 0, 0, 0, 0)>
module attributes {stable_mosaic.version = 14 : i64} {
  func.func @_gather(%arg0: i32, %arg1: i32, %arg2: memref<200000x64xf32, #tpu.memory_space<hbm>>, %arg3: memref<50x4096xi32, #tpu.memory_space<hbm>>, %arg4: memref<50x8x32x8x128xf32, #tpu.memory_space<hbm>>, %arg5: memref<50x128xi32, #tpu.memory_space<vmem>>, %arg6: memref<128x64xf32, #tpu.memory_space<vmem>>, %arg7: memref<128x64xf32, #tpu.memory_space<vmem>>, %arg8: memref<8x8x129xf32, #tpu.memory_space<vmem>>, %arg9: memref<8x8x129xf32, #tpu.memory_space<vmem>>, %arg10: memref<!tpu.dma_semaphore, #tpu.memory_space<semaphore_mem>>, %arg11: memref<!tpu.dma_semaphore, #tpu.memory_space<semaphore_mem>>, %arg12: memref<!tpu.dma_semaphore, #tpu.memory_space<semaphore_mem>>, %arg13: memref<!tpu.dma_semaphore, #tpu.memory_space<semaphore_mem>>) attributes {dimension_semantics = [#tpu.dimension_semantics<core_parallel>, #tpu.dimension_semantics<subcore_parallel>], iteration_bounds = array<i64: 2, 16>, scalar_prefetch = 0 : i64, scratch_operands = 9 : i64, tpu.core_type = #tpu.core_type<sc_vector_subcore>, window_params = [{transform_indices = #map}, {transform_indices = #map}, {transform_indices = #map1}]} {
    %mul3A = arith.constant 2 : i32
    %mul3A_0 = arith.muli %arg1, %mul3A : i32
    %add3A = arith.addi %mul3A_0, %arg0 : i32
    %mul3A_1 = arith.constant 128 : i32
    %mul3A_2 = arith.muli %add3A, %mul3A_1 : i32
    "tpu.region"() ({
      %run_scoped3A = tpu.sem_alloc : memref<!tpu.dma_semaphore, #tpu.memory_space<semaphore_mem>>
      %dma_start3A_290 = arith.constant 0 : i32
      %dma_start3A_291 = tpu.memref_slice %arg3[%dma_start3A_290, %mul3A_2] : memref<50x4096xi32, #tpu.memory_space<hbm>> -> memref<50x128xi32, #tpu.memory_space<hbm>>
      %dma_start3A_292 = arith.constant 0 : i32
      %dma_start3A_293 = tpu.memref_slice %arg3[%dma_start3A_292, %mul3A_2] : memref<50x4096xi32, #tpu.memory_space<hbm>> -> memref<50x128xi32, #tpu.memory_space<hbm>>
      tpu.enqueue_dma source(%dma_start3A_293 : memref<50x128xi32, #tpu.memory_space<hbm>>) target(%arg5 : memref<50x128xi32, #tpu.memory_space<vmem>>) target_semaphore(%run_scoped3A : memref<!tpu.dma_semaphore, #tpu.memory_space<semaphore_mem>>)
      %dma_wait3A_294 = arith.constant 0 : i32
      %dma_wait3A_295 = tpu.memref_slice %arg3[%dma_wait3A_294, %mul3A_2] : memref<50x4096xi32, #tpu.memory_space<hbm>> -> memref<50x128xi32, #tpu.memory_space<hbm>>
      %dma_wait3A_296 = arith.constant 0 : i32
      %dma_wait3A_297 = tpu.memref_slice %arg3[%dma_wait3A_296, %mul3A_2] : memref<50x4096xi32, #tpu.memory_space<hbm>> -> memref<50x128xi32, #tpu.memory_space<hbm>>
      tpu.wait_dma2 semaphore(%run_scoped3A : memref<!tpu.dma_semaphore, #tpu.memory_space<semaphore_mem>>) src(%dma_wait3A_297 : memref<50x128xi32, #tpu.memory_space<hbm>>) dst(%arg5 : memref<50x128xi32, #tpu.memory_space<vmem>>)
      tpu.yield
    }) : () -> ()
    %get3A = arith.constant 0 : i32
    %get3A_3 = arith.index_cast %get3A : i32 to index
    %get3A_4 = arith.constant 0 : index
    %get3A_5 = tpu.vector_load %arg5[%get3A_3, %get3A_4] {strides = array<i32>} : memref<50x128xi32, #tpu.memory_space<vmem>>, vector<16xi32>,
    %min3A = arith.constant 0 : i32
    %min3A_6 = vector.broadcast %min3A : i32 to vector<16xi32>
    %min3A_7 = arith.minsi %get3A_5, %min3A_6 : vector<16xi32>
    %iota3A = tpu.iota {dimensions = array<i32: 0>} : vector<16xi32>
    %add3A_8 = arith.addi %iota3A, %min3A_7 : vector<16xi32>
    %add3A_9 = arith.constant 0 : i32
    %add3A_10 = vector.broadcast %add3A_9 : i32 to vector<16xi32>
    %add3A_11 = arith.addi %add3A_8, %add3A_10 : vector<16xi32>
    %shift_right_arithmetic3A = arith.constant 3 : i32
    %shift_right_arithmetic3A_12 = vector.broadcast %shift_right_arithmetic3A : i32 to vector<16xi32>
    %shift_right_arithmetic3A_13 = arith.shrsi %add3A_11, %shift_right_arithmetic3A_12 : vector<16xi32>
    %add3A_14 = arith.constant 16 : i32
    %add3A_15 = vector.broadcast %add3A_14 : i32 to vector<16xi32>
    %add3A_16 = arith.addi %add3A_8, %add3A_15 : vector<16xi32>
    %shift_right_arithmetic3A_17 = arith.constant 3 : i32
    %shift_right_arithmetic3A_18 = vector.broadcast %shift_right_arithmetic3A_17 : i32 to vector<16xi32>
    %shift_right_arithmetic3A_19 = arith.shrsi %add3A_16, %shift_right_arithmetic3A_18 : vector<16xi32>
    %add3A_20 = arith.constant 32 : i32
    %add3A_21 = vector.broadcast %add3A_20 : i32 to vector<16xi32>
    %add3A_22 = arith.addi %add3A_8, %add3A_21 : vector<16xi32>
    %shift_right_arithmetic3A_23 = arith.constant 3 : i32
    %shift_right_arithmetic3A_24 = vector.broadcast %shift_right_arithmetic3A_23 : i32 to vector<16xi32>
    %shift_right_arithmetic3A_25 = arith.shrsi %add3A_22, %shift_right_arithmetic3A_24 : vector<16xi32>
    %add3A_26 = arith.constant 48 : i32
    %add3A_27 = vector.broadcast %add3A_26 : i32 to vector<16xi32>
    %add3A_28 = arith.addi %add3A_8, %add3A_27 : vector<16xi32>
    %shift_right_arithmetic3A_29 = arith.constant 3 : i32
    %shift_right_arithmetic3A_30 = vector.broadcast %shift_right_arithmetic3A_29 : i32 to vector<16xi32>
    %shift_right_arithmetic3A_31 = arith.shrsi %add3A_28, %shift_right_arithmetic3A_30 : vector<16xi32>
    %add3A_32 = arith.constant 0 : i32
    %add3A_33 = vector.broadcast %add3A_32 : i32 to vector<16xi32>
    %add3A_34 = arith.addi %add3A_8, %add3A_33 : vector<16xi32>
    %and3A = arith.constant 7 : i32
    %and3A_35 = vector.broadcast %and3A : i32 to vector<16xi32>
    %and3A_36 = arith.andi %add3A_34, %and3A_35 : vector<16xi32>
    %add3A_37 = arith.constant 16 : i32
    %add3A_38 = vector.broadcast %add3A_37 : i32 to vector<16xi32>
    %add3A_39 = arith.addi %add3A_8, %add3A_38 : vector<16xi32>
    %and3A_40 = arith.constant 7 : i32
    %and3A_41 = vector.broadcast %and3A_40 : i32 to vector<16xi32>
    %and3A_42 = arith.andi %add3A_39, %and3A_41 : vector<16xi32>
    %add3A_43 = arith.constant 32 : i32
    %add3A_44 = vector.broadcast %add3A_43 : i32 to vector<16xi32>
    %add3A_45 = arith.addi %add3A_8, %add3A_44 : vector<16xi32>
    %and3A_46 = arith.constant 7 : i32
    %and3A_47 = vector.broadcast %and3A_46 : i32 to vector<16xi32>
    %and3A_48 = arith.andi %add3A_45, %and3A_47 : vector<16xi32>
    %add3A_49 = arith.constant 48 : i32
    %add3A_50 = vector.broadcast %add3A_49 : i32 to vector<16xi32>
    %add3A_51 = arith.addi %add3A_8, %add3A_50 : vector<16xi32>
    %and3A_52 = arith.constant 7 : i32
    %and3A_53 = vector.broadcast %and3A_52 : i32 to vector<16xi32>
    %and3A_54 = arith.andi %add3A_51, %and3A_53 : vector<16xi32>
    %dma_start3A = arith.constant 0 : i32
    %dma_start3A_55 = arith.constant 0 : i32
    %dma_start3A_56 = tpu.memref_slice %arg5[%dma_start3A, %dma_start3A_55] : memref<50x128xi32, #tpu.memory_space<vmem>> -> memref<1x128xi32, #tpu.memory_space<vmem>>
    %dma_start3A_57 = tpu.memref_squeeze %dma_start3A_56 : memref<1x128xi32, #tpu.memory_space<vmem>> -> memref<128xi32, #tpu.memory_space<vmem>>
    %dma_start3A_58 = arith.constant 0 : i32
    %dma_start3A_59 = arith.constant 0 : i32
    %dma_start3A_60 = tpu.memref_slice %arg2[%dma_start3A_58, %dma_start3A_59] : memref<200000x64xf32, #tpu.memory_space<hbm>> -> memref<200000x64xf32, #tpu.memory_space<hbm>>
    tpu.enqueue_indirect_dma source(%dma_start3A_60 : memref<200000x64xf32, #tpu.memory_space<hbm>>) target(%arg6 : memref<128x64xf32, #tpu.memory_space<vmem>>) offsets(%dma_start3A_57 : memref<128xi32, #tpu.memory_space<vmem>>) semaphore(%arg10 : memref<!tpu.dma_semaphore, #tpu.memory_space<semaphore_mem>>)
    %dma_start3A_61 = arith.constant 1 : i32
    %dma_start3A_62 = arith.constant 0 : i32
    %dma_start3A_63 = tpu.memref_slice %arg5[%dma_start3A_61, %dma_start3A_62] : memref<50x128xi32, #tpu.memory_space<vmem>> -> memref<1x128xi32, #tpu.memory_space<vmem>>
    %dma_start3A_64 = tpu.memref_squeeze %dma_start3A_63 : memref<1x128xi32, #tpu.memory_space<vmem>> -> memref<128xi32, #tpu.memory_space<vmem>>
    %dma_start3A_65 = arith.constant 0 : i32
    %dma_start3A_66 = arith.constant 0 : i32
    %dma_start3A_67 = tpu.memref_slice %arg2[%dma_start3A_65, %dma_start3A_66] : memref<200000x64xf32, #tpu.memory_space<hbm>> -> memref<200000x64xf32, #tpu.memory_space<hbm>>
    tpu.enqueue_indirect_dma source(%dma_start3A_67 : memref<200000x64xf32, #tpu.memory_space<hbm>>) target(%arg7 : memref<128x64xf32, #tpu.memory_space<vmem>>) offsets(%dma_start3A_64 : memref<128xi32, #tpu.memory_space<vmem>>) semaphore(%arg11 : memref<!tpu.dma_semaphore, #tpu.memory_space<semaphore_mem>>)
    %dma_wait3A = arith.constant 0 : i32
    %dma_wait3A_68 = arith.constant 0 : i32
    %dma_wait3A_69 = tpu.memref_slice %arg5[%dma_wait3A, %dma_wait3A_68] : memref<50x128xi32, #tpu.memory_space<vmem>> -> memref<1x128xi32, #tpu.memory_space<vmem>>
    %dma_wait3A_70 = tpu.memref_squeeze %dma_wait3A_69 : memref<1x128xi32, #tpu.memory_space<vmem>> -> memref<128xi32, #tpu.memory_space<vmem>>
    %dma_wait3A_71 = arith.constant 0 : i32
    %dma_wait3A_72 = arith.constant 0 : i32
    %dma_wait3A_73 = tpu.memref_slice %arg2[%dma_wait3A_71, %dma_wait3A_72] : memref<200000x64xf32, #tpu.memory_space<hbm>> -> memref<200000x64xf32, #tpu.memory_space<hbm>>
    tpu.wait_indirect_dma semaphore(%arg10 : memref<!tpu.dma_semaphore, #tpu.memory_space<semaphore_mem>>) src(%dma_wait3A_73 : memref<200000x64xf32, #tpu.memory_space<hbm>>) dst(%arg6 : memref<128x64xf32, #tpu.memory_space<vmem>>)
    %scan3A = arith.constant 0 : i32
    %scan3A_74 = arith.constant 0 : i32
    %scan3A_75 = arith.constant 16 : i32
    %scan3A_76 = arith.addi %scan3A_74, %scan3A_75 : i32
    %scan3A_77 = arith.constant 1 : i32
    scf.for %scan3A_290 = %scan3A_74 to %scan3A_76 step %scan3A_77  : i32 {
      %mul3A_291 = arith.constant 8 : i32
      %mul3A_292 = arith.muli %scan3A_290, %mul3A_291 : i32
      %add3A_293 = arith.constant 0 : i32
      %add3A_294 = arith.addi %mul3A_292, %add3A_293 : i32
      %add3A_295 = vector.broadcast %add3A_294 : i32 to vector<16xi32>
      %add3A_296 = arith.addi %min3A_7, %add3A_295 : vector<16xi32>
      %get3A_297 = arith.index_cast %add3A_294 : i32 to index
      %get3A_298 = arith.constant 0 : index
      %get3A_299 = tpu.vector_load %arg6[%get3A_297, %get3A_298] {strides = array<i32>} : memref<128x64xf32, #tpu.memory_space<vmem>>, vector<16xf32>,
      %get3A_300 = arith.index_cast %add3A_294 : i32 to index
      %get3A_301 = arith.constant 16 : index
      %get3A_302 = tpu.vector_load %arg6[%get3A_300, %get3A_301] {strides = array<i32>} : memref<128x64xf32, #tpu.memory_space<vmem>>, vector<16xf32>,
      %get3A_303 = arith.index_cast %add3A_294 : i32 to index
      %get3A_304 = arith.constant 32 : index
      %get3A_305 = tpu.vector_load %arg6[%get3A_303, %get3A_304] {strides = array<i32>} : memref<128x64xf32, #tpu.memory_space<vmem>>, vector<16xf32>,
      %get3A_306 = arith.index_cast %add3A_294 : i32 to index
      %get3A_307 = arith.constant 48 : index
      %get3A_308 = tpu.vector_load %arg6[%get3A_306, %get3A_307] {strides = array<i32>} : memref<128x64xf32, #tpu.memory_space<vmem>>, vector<16xf32>,
      %mul3A_309 = arith.constant 8 : i32
      %mul3A_310 = arith.muli %scan3A_290, %mul3A_309 : i32
      %add3A_311 = arith.constant 1 : i32
      %add3A_312 = arith.addi %mul3A_310, %add3A_311 : i32
      %add3A_313 = vector.broadcast %add3A_312 : i32 to vector<16xi32>
      %add3A_314 = arith.addi %min3A_7, %add3A_313 : vector<16xi32>
      %get3A_315 = arith.index_cast %add3A_312 : i32 to index
      %get3A_316 = arith.constant 0 : index
      %get3A_317 = tpu.vector_load %arg6[%get3A_315, %get3A_316] {strides = array<i32>} : memref<128x64xf32, #tpu.memory_space<vmem>>, vector<16xf32>,
      %get3A_318 = arith.index_cast %add3A_312 : i32 to index
      %get3A_319 = arith.constant 16 : index
      %get3A_320 = tpu.vector_load %arg6[%get3A_318, %get3A_319] {strides = array<i32>} : memref<128x64xf32, #tpu.memory_space<vmem>>, vector<16xf32>,
      %get3A_321 = arith.index_cast %add3A_312 : i32 to index
      %get3A_322 = arith.constant 32 : index
      %get3A_323 = tpu.vector_load %arg6[%get3A_321, %get3A_322] {strides = array<i32>} : memref<128x64xf32, #tpu.memory_space<vmem>>, vector<16xf32>,
      %get3A_324 = arith.index_cast %add3A_312 : i32 to index
      %get3A_325 = arith.constant 48 : index
      %get3A_326 = tpu.vector_load %arg6[%get3A_324, %get3A_325] {strides = array<i32>} : memref<128x64xf32, #tpu.memory_space<vmem>>, vector<16xf32>,
      tpu.vector_store_idx %arg8[%shift_right_arithmetic3A_13, %and3A_36, %add3A_296], %get3A_299 : memref<8x8x129xf32, #tpu.memory_space<vmem>>[vector<16xi32>, vector<16xi32>, vector<16xi32>], vector<16xf32>,
      tpu.vector_store_idx %arg8[%shift_right_arithmetic3A_19, %and3A_42, %add3A_296], %get3A_302 : memref<8x8x129xf32, #tpu.memory_space<vmem>>[vector<16xi32>, vector<16xi32>, vector<16xi32>], vector<16xf32>,
      tpu.vector_store_idx %arg8[%shift_right_arithmetic3A_25, %and3A_48, %add3A_296], %get3A_305 : memref<8x8x129xf32, #tpu.memory_space<vmem>>[vector<16xi32>, vector<16xi32>, vector<16xi32>], vector<16xf32>,
      tpu.vector_store_idx %arg8[%shift_right_arithmetic3A_31, %and3A_54, %add3A_296], %get3A_308 : memref<8x8x129xf32, #tpu.memory_space<vmem>>[vector<16xi32>, vector<16xi32>, vector<16xi32>], vector<16xf32>,
      %mul3A_327 = arith.constant 8 : i32
      %mul3A_328 = arith.muli %scan3A_290, %mul3A_327 : i32
      %add3A_329 = arith.constant 2 : i32
      %add3A_330 = arith.addi %mul3A_328, %add3A_329 : i32
      %add3A_331 = vector.broadcast %add3A_330 : i32 to vector<16xi32>
      %add3A_332 = arith.addi %min3A_7, %add3A_331 : vector<16xi32>
      %get3A_333 = arith.index_cast %add3A_330 : i32 to index
      %get3A_334 = arith.constant 0 : index
      %get3A_335 = tpu.vector_load %arg6[%get3A_333, %get3A_334] {strides = array<i32>} : memref<128x64xf32, #tpu.memory_space<vmem>>, vector<16xf32>,
      %get3A_336 = arith.index_cast %add3A_330 : i32 to index
      %get3A_337 = arith.constant 16 : index
      %get3A_338 = tpu.vector_load %arg6[%get3A_336, %get3A_337] {strides = array<i32>} : memref<128x64xf32, #tpu.memory_space<vmem>>, vector<16xf32>,
      %get3A_339 = arith.index_cast %add3A_330 : i32 to index
      %get3A_340 = arith.constant 32 : index
      %get3A_341 = tpu.vector_load %arg6[%get3A_339, %get3A_340] {strides = array<i32>} : memref<128x64xf32, #tpu.memory_space<vmem>>, vector<16xf32>,
      %get3A_342 = arith.index_cast %add3A_330 : i32 to index
      %get3A_343 = arith.constant 48 : index
      %get3A_344 = tpu.vector_load %arg6[%get3A_342, %get3A_343] {strides = array<i32>} : memref<128x64xf32, #tpu.memory_space<vmem>>, vector<16xf32>,
      tpu.vector_store_idx %arg8[%shift_right_arithmetic3A_13, %and3A_36, %add3A_314], %get3A_317 : memref<8x8x129xf32, #tpu.memory_space<vmem>>[vector<16xi32>, vector<16xi32>, vector<16xi32>], vector<16xf32>,
      tpu.vector_store_idx %arg8[%shift_right_arithmetic3A_19, %and3A_42, %add3A_314], %get3A_320 : memref<8x8x129xf32, #tpu.memory_space<vmem>>[vector<16xi32>, vector<16xi32>, vector<16xi32>], vector<16xf32>,
      tpu.vector_store_idx %arg8[%shift_right_arithmetic3A_25, %and3A_48, %add3A_314], %get3A_323 : memref<8x8x129xf32, #tpu.memory_space<vmem>>[vector<16xi32>, vector<16xi32>, vector<16xi32>], vector<16xf32>,
      tpu.vector_store_idx %arg8[%shift_right_arithmetic3A_31, %and3A_54, %add3A_314], %get3A_326 : memref<8x8x129xf32, #tpu.memory_space<vmem>>[vector<16xi32>, vector<16xi32>, vector<16xi32>], vector<16xf32>,
      %mul3A_345 = arith.constant 8 : i32
      %mul3A_346 = arith.muli %scan3A_290, %mul3A_345 : i32
      %add3A_347 = arith.constant 3 : i32
      %add3A_348 = arith.addi %mul3A_346, %add3A_347 : i32
      %add3A_349 = vector.broadcast %add3A_348 : i32 to vector<16xi32>
      %add3A_350 = arith.addi %min3A_7, %add3A_349 : vector<16xi32>
      %get3A_351 = arith.index_cast %add3A_348 : i32 to index
      %get3A_352 = arith.constant 0 : index
      %get3A_353 = tpu.vector_load %arg6[%get3A_351, %get3A_352] {strides = array<i32>} : memref<128x64xf32, #tpu.memory_space<vmem>>, vector<16xf32>,
      %get3A_354 = arith.index_cast %add3A_348 : i32 to index
      %get3A_355 = arith.constant 16 : index
      %get3A_356 = tpu.vector_load %arg6[%get3A_354, %get3A_355] {strides = array<i32>} : memref<128x64xf32, #tpu.memory_space<vmem>>, vector<16xf32>,
      %get3A_357 = arith.index_cast %add3A_348 : i32 to index
      %get3A_358 = arith.constant 32 : index
      %get3A_359 = tpu.vector_load %arg6[%get3A_357, %get3A_358] {strides = array<i32>} : memref<128x64xf32, #tpu.memory_space<vmem>>, vector<16xf32>,
      %get3A_360 = arith.index_cast %add3A_348 : i32 to index
      %get3A_361 = arith.constant 48 : index
      %get3A_362 = tpu.vector_load %arg6[%get3A_360, %get3A_361] {strides = array<i32>} : memref<128x64xf32, #tpu.memory_space<vmem>>, vector<16xf32>,
      tpu.vector_store_idx %arg8[%shift_right_arithmetic3A_13, %and3A_36, %add3A_332], %get3A_335 : memref<8x8x129xf32, #tpu.memory_space<vmem>>[vector<16xi32>, vector<16xi32>, vector<16xi32>], vector<16xf32>,
      tpu.vector_store_idx %arg8[%shift_right_arithmetic3A_19, %and3A_42, %add3A_332], %get3A_338 : memref<8x8x129xf32, #tpu.memory_space<vmem>>[vector<16xi32>, vector<16xi32>, vector<16xi32>], vector<16xf32>,
      tpu.vector_store_idx %arg8[%shift_right_arithmetic3A_25, %and3A_48, %add3A_332], %get3A_341 : memref<8x8x129xf32, #tpu.memory_space<vmem>>[vector<16xi32>, vector<16xi32>, vector<16xi32>], vector<16xf32>,
      tpu.vector_store_idx %arg8[%shift_right_arithmetic3A_31, %and3A_54, %add3A_332], %get3A_344 : memref<8x8x129xf32, #tpu.memory_space<vmem>>[vector<16xi32>, vector<16xi32>, vector<16xi32>], vector<16xf32>,
      %mul3A_363 = arith.constant 8 : i32
      %mul3A_364 = arith.muli %scan3A_290, %mul3A_363 : i32
      %add3A_365 = arith.constant 4 : i32
      %add3A_366 = arith.addi %mul3A_364, %add3A_365 : i32
      %add3A_367 = vector.broadcast %add3A_366 : i32 to vector<16xi32>
      %add3A_368 = arith.addi %min3A_7, %add3A_367 : vector<16xi32>
      %get3A_369 = arith.index_cast %add3A_366 : i32 to index
      %get3A_370 = arith.constant 0 : index
      %get3A_371 = tpu.vector_load %arg6[%get3A_369, %get3A_370] {strides = array<i32>} : memref<128x64xf32, #tpu.memory_space<vmem>>, vector<16xf32>,
      %get3A_372 = arith.index_cast %add3A_366 : i32 to index
      %get3A_373 = arith.constant 16 : index
      %get3A_374 = tpu.vector_load %arg6[%get3A_372, %get3A_373] {strides = array<i32>} : memref<128x64xf32, #tpu.memory_space<vmem>>, vector<16xf32>,
      %get3A_375 = arith.index_cast %add3A_366 : i32 to index
      %get3A_376 = arith.constant 32 : index
      %get3A_377 = tpu.vector_load %arg6[%get3A_375, %get3A_376] {strides = array<i32>} : memref<128x64xf32, #tpu.memory_space<vmem>>, vector<16xf32>,
      %get3A_378 = arith.index_cast %add3A_366 : i32 to index
      %get3A_379 = arith.constant 48 : index
      %get3A_380 = tpu.vector_load %arg6[%get3A_378, %get3A_379] {strides = array<i32>} : memref<128x64xf32, #tpu.memory_space<vmem>>, vector<16xf32>,
      tpu.vector_store_idx %arg8[%shift_right_arithmetic3A_13, %and3A_36, %add3A_350], %get3A_353 : memref<8x8x129xf32, #tpu.memory_space<vmem>>[vector<16xi32>, vector<16xi32>, vector<16xi32>], vector<16xf32>,
      tpu.vector_store_idx %arg8[%shift_right_arithmetic3A_19, %and3A_42, %add3A_350], %get3A_356 : memref<8x8x129xf32, #tpu.memory_space<vmem>>[vector<16xi32>, vector<16xi32>, vector<16xi32>], vector<16xf32>,
      tpu.vector_store_idx %arg8[%shift_right_arithmetic3A_25, %and3A_48, %add3A_350], %get3A_359 : memref<8x8x129xf32, #tpu.memory_space<vmem>>[vector<16xi32>, vector<16xi32>, vector<16xi32>], vector<16xf32>,
      tpu.vector_store_idx %arg8[%shift_right_arithmetic3A_31, %and3A_54, %add3A_350], %get3A_362 : memref<8x8x129xf32, #tpu.memory_space<vmem>>[vector<16xi32>, vector<16xi32>, vector<16xi32>], vector<16xf32>,
      %mul3A_381 = arith.constant 8 : i32
      %mul3A_382 = arith.muli %scan3A_290, %mul3A_381 : i32
      %add3A_383 = arith.constant 5 : i32
      %add3A_384 = arith.addi %mul3A_382, %add3A_383 : i32
      %add3A_385 = vector.broadcast %add3A_384 : i32 to vector<16xi32>
      %add3A_386 = arith.addi %min3A_7, %add3A_385 : vector<16xi32>
      %get3A_387 = arith.index_cast %add3A_384 : i32 to index
      %get3A_388 = arith.constant 0 : index
      %get3A_389 = tpu.vector_load %arg6[%get3A_387, %get3A_388] {strides = array<i32>} : memref<128x64xf32, #tpu.memory_space<vmem>>, vector<16xf32>,
      %get3A_390 = arith.index_cast %add3A_384 : i32 to index
      %get3A_391 = arith.constant 16 : index
      %get3A_392 = tpu.vector_load %arg6[%get3A_390, %get3A_391] {strides = array<i32>} : memref<128x64xf32, #tpu.memory_space<vmem>>, vector<16xf32>,
      %get3A_393 = arith.index_cast %add3A_384 : i32 to index
      %get3A_394 = arith.constant 32 : index
      %get3A_395 = tpu.vector_load %arg6[%get3A_393, %get3A_394] {strides = array<i32>} : memref<128x64xf32, #tpu.memory_space<vmem>>, vector<16xf32>,
      %get3A_396 = arith.index_cast %add3A_384 : i32 to index
      %get3A_397 = arith.constant 48 : index
      %get3A_398 = tpu.vector_load %arg6[%get3A_396, %get3A_397] {strides = array<i32>} : memref<128x64xf32, #tpu.memory_space<vmem>>, vector<16xf32>,
      tpu.vector_store_idx %arg8[%shift_right_arithmetic3A_13, %and3A_36, %add3A_368], %get3A_371 : memref<8x8x129xf32, #tpu.memory_space<vmem>>[vector<16xi32>, vector<16xi32>, vector<16xi32>], vector<16xf32>,
      tpu.vector_store_idx %arg8[%shift_right_arithmetic3A_19, %and3A_42, %add3A_368], %get3A_374 : memref<8x8x129xf32, #tpu.memory_space<vmem>>[vector<16xi32>, vector<16xi32>, vector<16xi32>], vector<16xf32>,
      tpu.vector_store_idx %arg8[%shift_right_arithmetic3A_25, %and3A_48, %add3A_368], %get3A_377 : memref<8x8x129xf32, #tpu.memory_space<vmem>>[vector<16xi32>, vector<16xi32>, vector<16xi32>], vector<16xf32>,
      tpu.vector_store_idx %arg8[%shift_right_arithmetic3A_31, %and3A_54, %add3A_368], %get3A_380 : memref<8x8x129xf32, #tpu.memory_space<vmem>>[vector<16xi32>, vector<16xi32>, vector<16xi32>], vector<16xf32>,
      %mul3A_399 = arith.constant 8 : i32
      %mul3A_400 = arith.muli %scan3A_290, %mul3A_399 : i32
      %add3A_401 = arith.constant 6 : i32
      %add3A_402 = arith.addi %mul3A_400, %add3A_401 : i32
      %add3A_403 = vector.broadcast %add3A_402 : i32 to vector<16xi32>
      %add3A_404 = arith.addi %min3A_7, %add3A_403 : vector<16xi32>
      %get3A_405 = arith.index_cast %add3A_402 : i32 to index
      %get3A_406 = arith.constant 0 : index
      %get3A_407 = tpu.vector_load %arg6[%get3A_405, %get3A_406] {strides = array<i32>} : memref<128x64xf32, #tpu.memory_space<vmem>>, vector<16xf32>,
      %get3A_408 = arith.index_cast %add3A_402 : i32 to index
      %get3A_409 = arith.constant 16 : index
      %get3A_410 = tpu.vector_load %arg6[%get3A_408, %get3A_409] {strides = array<i32>} : memref<128x64xf32, #tpu.memory_space<vmem>>, vector<16xf32>,
      %get3A_411 = arith.index_cast %add3A_402 : i32 to index
      %get3A_412 = arith.constant 32 : index
      %get3A_413 = tpu.vector_load %arg6[%get3A_411, %get3A_412] {strides = array<i32>} : memref<128x64xf32, #tpu.memory_space<vmem>>, vector<16xf32>,
      %get3A_414 = arith.index_cast %add3A_402 : i32 to index
      %get3A_415 = arith.constant 48 : index
      %get3A_416 = tpu.vector_load %arg6[%get3A_414, %get3A_415] {strides = array<i32>} : memref<128x64xf32, #tpu.memory_space<vmem>>, vector<16xf32>,
      tpu.vector_store_idx %arg8[%shift_right_arithmetic3A_13, %and3A_36, %add3A_386], %get3A_389 : memref<8x8x129xf32, #tpu.memory_space<vmem>>[vector<16xi32>, vector<16xi32>, vector<16xi32>], vector<16xf32>,
      tpu.vector_store_idx %arg8[%shift_right_arithmetic3A_19, %and3A_42, %add3A_386], %get3A_392 : memref<8x8x129xf32, #tpu.memory_space<vmem>>[vector<16xi32>, vector<16xi32>, vector<16xi32>], vector<16xf32>,
      tpu.vector_store_idx %arg8[%shift_right_arithmetic3A_25, %and3A_48, %add3A_386], %get3A_395 : memref<8x8x129xf32, #tpu.memory_space<vmem>>[vector<16xi32>, vector<16xi32>, vector<16xi32>], vector<16xf32>,
      tpu.vector_store_idx %arg8[%shift_right_arithmetic3A_31, %and3A_54, %add3A_386], %get3A_398 : memref<8x8x129xf32, #tpu.memory_space<vmem>>[vector<16xi32>, vector<16xi32>, vector<16xi32>], vector<16xf32>,
      %mul3A_417 = arith.constant 8 : i32
      %mul3A_418 = arith.muli %scan3A_290, %mul3A_417 : i32
      %add3A_419 = arith.constant 7 : i32
      %add3A_420 = arith.addi %mul3A_418, %add3A_419 : i32
      %add3A_421 = vector.broadcast %add3A_420 : i32 to vector<16xi32>
      %add3A_422 = arith.addi %min3A_7, %add3A_421 : vector<16xi32>
      %get3A_423 = arith.index_cast %add3A_420 : i32 to index
      %get3A_424 = arith.constant 0 : index
      %get3A_425 = tpu.vector_load %arg6[%get3A_423, %get3A_424] {strides = array<i32>} : memref<128x64xf32, #tpu.memory_space<vmem>>, vector<16xf32>,
      %get3A_426 = arith.index_cast %add3A_420 : i32 to index
      %get3A_427 = arith.constant 16 : index
      %get3A_428 = tpu.vector_load %arg6[%get3A_426, %get3A_427] {strides = array<i32>} : memref<128x64xf32, #tpu.memory_space<vmem>>, vector<16xf32>,
      %get3A_429 = arith.index_cast %add3A_420 : i32 to index
      %get3A_430 = arith.constant 32 : index
      %get3A_431 = tpu.vector_load %arg6[%get3A_429, %get3A_430] {strides = array<i32>} : memref<128x64xf32, #tpu.memory_space<vmem>>, vector<16xf32>,
      %get3A_432 = arith.index_cast %add3A_420 : i32 to index
      %get3A_433 = arith.constant 48 : index
      %get3A_434 = tpu.vector_load %arg6[%get3A_432, %get3A_433] {strides = array<i32>} : memref<128x64xf32, #tpu.memory_space<vmem>>, vector<16xf32>,
      tpu.vector_store_idx %arg8[%shift_right_arithmetic3A_13, %and3A_36, %add3A_404], %get3A_407 : memref<8x8x129xf32, #tpu.memory_space<vmem>>[vector<16xi32>, vector<16xi32>, vector<16xi32>], vector<16xf32>,
      tpu.vector_store_idx %arg8[%shift_right_arithmetic3A_19, %and3A_42, %add3A_404], %get3A_410 : memref<8x8x129xf32, #tpu.memory_space<vmem>>[vector<16xi32>, vector<16xi32>, vector<16xi32>], vector<16xf32>,
      tpu.vector_store_idx %arg8[%shift_right_arithmetic3A_25, %and3A_48, %add3A_404], %get3A_413 : memref<8x8x129xf32, #tpu.memory_space<vmem>>[vector<16xi32>, vector<16xi32>, vector<16xi32>], vector<16xf32>,
      tpu.vector_store_idx %arg8[%shift_right_arithmetic3A_31, %and3A_54, %add3A_404], %get3A_416 : memref<8x8x129xf32, #tpu.memory_space<vmem>>[vector<16xi32>, vector<16xi32>, vector<16xi32>], vector<16xf32>,
      tpu.vector_store_idx %arg8[%shift_right_arithmetic3A_13, %and3A_36, %add3A_422], %get3A_425 : memref<8x8x129xf32, #tpu.memory_space<vmem>>[vector<16xi32>, vector<16xi32>, vector<16xi32>], vector<16xf32>,
      tpu.vector_store_idx %arg8[%shift_right_arithmetic3A_19, %and3A_42, %add3A_422], %get3A_428 : memref<8x8x129xf32, #tpu.memory_space<vmem>>[vector<16xi32>, vector<16xi32>, vector<16xi32>], vector<16xf32>,
      tpu.vector_store_idx %arg8[%shift_right_arithmetic3A_25, %and3A_48, %add3A_422], %get3A_431 : memref<8x8x129xf32, #tpu.memory_space<vmem>>[vector<16xi32>, vector<16xi32>, vector<16xi32>], vector<16xf32>,
      tpu.vector_store_idx %arg8[%shift_right_arithmetic3A_31, %and3A_54, %add3A_422], %get3A_434 : memref<8x8x129xf32, #tpu.memory_space<vmem>>[vector<16xi32>, vector<16xi32>, vector<16xi32>], vector<16xf32>,
    }
    %scan3A_78 = arith.constant 16 : i32
    %dma_start3A_79 = arith.constant 0 : i32
    %dma_start3A_80 = arith.constant 0 : i32
    %dma_start3A_81 = arith.constant 0 : i32
    %dma_start3A_82 = arith.constant 0 : i32
    %dma_start3A_83 = tpu.memref_slice %arg8[%dma_start3A_80, %dma_start3A_81, %dma_start3A_82] : memref<8x8x129xf32, #tpu.memory_space<vmem>> -> memref<8x8x128xf32, #tpu.memory_space<vmem>>
    %dma_start3A_84 = arith.constant 0 : i32
    %dma_start3A_85 = arith.constant 0 : i32
    %dma_start3A_86 = arith.constant 0 : i32
    %dma_start3A_87 = tpu.memref_slice %arg4[%dma_start3A_79, %dma_start3A_84, %add3A, %dma_start3A_85, %dma_start3A_86] : memref<50x8x32x8x128xf32, #tpu.memory_space<hbm>> -> memref<1x8x1x8x128xf32, #tpu.memory_space<hbm>>
    %dma_start3A_88 = tpu.memref_squeeze %dma_start3A_87 : memref<1x8x1x8x128xf32, #tpu.memory_space<hbm>> -> memref<8x8x128xf32, #tpu.memory_space<hbm>>
    %dma_start3A_89 = arith.constant 0 : i32
    %dma_start3A_90 = arith.constant 0 : i32
    %dma_start3A_91 = arith.constant 0 : i32
    %dma_start3A_92 = tpu.memref_slice %arg4[%dma_start3A_79, %dma_start3A_89, %add3A, %dma_start3A_90, %dma_start3A_91] : memref<50x8x32x8x128xf32, #tpu.memory_space<hbm>> -> memref<1x8x1x8x128xf32, #tpu.memory_space<hbm>>
    %dma_start3A_93 = tpu.memref_squeeze %dma_start3A_92 : memref<1x8x1x8x128xf32, #tpu.memory_space<hbm>> -> memref<8x8x128xf32, #tpu.memory_space<hbm>>
    %dma_start3A_94 = arith.constant 0 : i32
    %dma_start3A_95 = arith.constant 0 : i32
    %dma_start3A_96 = arith.constant 0 : i32
    %dma_start3A_97 = tpu.memref_slice %arg8[%dma_start3A_94, %dma_start3A_95, %dma_start3A_96] : memref<8x8x129xf32, #tpu.memory_space<vmem>> -> memref<8x8x128xf32, #tpu.memory_space<vmem>>
    tpu.enqueue_dma source(%dma_start3A_97 : memref<8x8x128xf32, #tpu.memory_space<vmem>>) target(%dma_start3A_93 : memref<8x8x128xf32, #tpu.memory_space<hbm>>) target_semaphore(%arg12 : memref<!tpu.dma_semaphore, #tpu.memory_space<semaphore_mem>>)
    %dma_start3A_98 = arith.constant 2 : i32
    %dma_start3A_99 = arith.constant 0 : i32
    %dma_start3A_100 = tpu.memref_slice %arg5[%dma_start3A_98, %dma_start3A_99] : memref<50x128xi32, #tpu.memory_space<vmem>> -> memref<1x128xi32, #tpu.memory_space<vmem>>
    %dma_start3A_101 = tpu.memref_squeeze %dma_start3A_100 : memref<1x128xi32, #tpu.memory_space<vmem>> -> memref<128xi32, #tpu.memory_space<vmem>>
    %dma_start3A_102 = arith.constant 0 : i32
    %dma_start3A_103 = arith.constant 0 : i32
    %dma_start3A_104 = tpu.memref_slice %arg2[%dma_start3A_102, %dma_start3A_103] : memref<200000x64xf32, #tpu.memory_space<hbm>> -> memref<200000x64xf32, #tpu.memory_space<hbm>>
    tpu.enqueue_indirect_dma source(%dma_start3A_104 : memref<200000x64xf32, #tpu.memory_space<hbm>>) target(%arg6 : memref<128x64xf32, #tpu.memory_space<vmem>>) offsets(%dma_start3A_101 : memref<128xi32, #tpu.memory_space<vmem>>) semaphore(%arg10 : memref<!tpu.dma_semaphore, #tpu.memory_space<semaphore_mem>>)
    %dma_wait3A_105 = arith.constant 1 : i32
    %dma_wait3A_106 = arith.constant 0 : i32
    %dma_wait3A_107 = tpu.memref_slice %arg5[%dma_wait3A_105, %dma_wait3A_106] : memref<50x128xi32, #tpu.memory_space<vmem>> -> memref<1x128xi32, #tpu.memory_space<vmem>>
    %dma_wait3A_108 = tpu.memref_squeeze %dma_wait3A_107 : memref<1x128xi32, #tpu.memory_space<vmem>> -> memref<128xi32, #tpu.memory_space<vmem>>
    %dma_wait3A_109 = arith.constant 0 : i32
    %dma_wait3A_110 = arith.constant 0 : i32
    %dma_wait3A_111 = tpu.memref_slice %arg2[%dma_wait3A_109, %dma_wait3A_110] : memref<200000x64xf32, #tpu.memory_space<hbm>> -> memref<200000x64xf32, #tpu.memory_space<hbm>>
    tpu.wait_indirect_dma semaphore(%arg11 : memref<!tpu.dma_semaphore, #tpu.memory_space<semaphore_mem>>) src(%dma_wait3A_111 : memref<200000x64xf32, #tpu.memory_space<hbm>>) dst(%arg7 : memref<128x64xf32, #tpu.memory_space<vmem>>)
    %scan3A_112 = arith.constant 0 : i32
    %scan3A_113 = arith.constant 0 : i32
    %scan3A_114 = arith.constant 16 : i32
    %scan3A_115 = arith.addi %scan3A_113, %scan3A_114 : i32
    %scan3A_116 = arith.constant 1 : i32
    scf.for %scan3A_290 = %scan3A_113 to %scan3A_115 step %scan3A_116  : i32 {
      %mul3A_291 = arith.constant 8 : i32
      %mul3A_292 = arith.muli %scan3A_290, %mul3A_291 : i32
      %add3A_293 = arith.constant 0 : i32
      %add3A_294 = arith.addi %mul3A_292, %add3A_293 : i32
      %add3A_295 = vector.broadcast %add3A_294 : i32 to vector<16xi32>
      %add3A_296 = arith.addi %min3A_7, %add3A_295 : vector<16xi32>
      %get3A_297 = arith.index_cast %add3A_294 : i32 to index
      %get3A_298 = arith.constant 0 : index
      %get3A_299 = tpu.vector_load %arg7[%get3A_297, %get3A_298] {strides = array<i32>} : memref<128x64xf32, #tpu.memory_space<vmem>>, vector<16xf32>,
      %get3A_300 = arith.index_cast %add3A_294 : i32 to index
      %get3A_301 = arith.constant 16 : index
      %get3A_302 = tpu.vector_load %arg7[%get3A_300, %get3A_301] {strides = array<i32>} : memref<128x64xf32, #tpu.memory_space<vmem>>, vector<16xf32>,
      %get3A_303 = arith.index_cast %add3A_294 : i32 to index
      %get3A_304 = arith.constant 32 : index
      %get3A_305 = tpu.vector_load %arg7[%get3A_303, %get3A_304] {strides = array<i32>} : memref<128x64xf32, #tpu.memory_space<vmem>>, vector<16xf32>,
      %get3A_306 = arith.index_cast %add3A_294 : i32 to index
      %get3A_307 = arith.constant 48 : index
      %get3A_308 = tpu.vector_load %arg7[%get3A_306, %get3A_307] {strides = array<i32>} : memref<128x64xf32, #tpu.memory_space<vmem>>, vector<16xf32>,
      %mul3A_309 = arith.constant 8 : i32
      %mul3A_310 = arith.muli %scan3A_290, %mul3A_309 : i32
      %add3A_311 = arith.constant 1 : i32
      %add3A_312 = arith.addi %mul3A_310, %add3A_311 : i32
      %add3A_313 = vector.broadcast %add3A_312 : i32 to vector<16xi32>
      %add3A_314 = arith.addi %min3A_7, %add3A_313 : vector<16xi32>
      %get3A_315 = arith.index_cast %add3A_312 : i32 to index
      %get3A_316 = arith.constant 0 : index
      %get3A_317 = tpu.vector_load %arg7[%get3A_315, %get3A_316] {strides = array<i32>} : memref<128x64xf32, #tpu.memory_space<vmem>>, vector<16xf32>,
      %get3A_318 = arith.index_cast %add3A_312 : i32 to index
      %get3A_319 = arith.constant 16 : index
      %get3A_320 = tpu.vector_load %arg7[%get3A_318, %get3A_319] {strides = array<i32>} : memref<128x64xf32, #tpu.memory_space<vmem>>, vector<16xf32>,
      %get3A_321 = arith.index_cast %add3A_312 : i32 to index
      %get3A_322 = arith.constant 32 : index
      %get3A_323 = tpu.vector_load %arg7[%get3A_321, %get3A_322] {strides = array<i32>} : memref<128x64xf32, #tpu.memory_space<vmem>>, vector<16xf32>,
      %get3A_324 = arith.index_cast %add3A_312 : i32 to index
      %get3A_325 = arith.constant 48 : index
      %get3A_326 = tpu.vector_load %arg7[%get3A_324, %get3A_325] {strides = array<i32>} : memref<128x64xf32, #tpu.memory_space<vmem>>, vector<16xf32>,
      tpu.vector_store_idx %arg9[%shift_right_arithmetic3A_13, %and3A_36, %add3A_296], %get3A_299 : memref<8x8x129xf32, #tpu.memory_space<vmem>>[vector<16xi32>, vector<16xi32>, vector<16xi32>], vector<16xf32>,
      tpu.vector_store_idx %arg9[%shift_right_arithmetic3A_19, %and3A_42, %add3A_296], %get3A_302 : memref<8x8x129xf32, #tpu.memory_space<vmem>>[vector<16xi32>, vector<16xi32>, vector<16xi32>], vector<16xf32>,
      tpu.vector_store_idx %arg9[%shift_right_arithmetic3A_25, %and3A_48, %add3A_296], %get3A_305 : memref<8x8x129xf32, #tpu.memory_space<vmem>>[vector<16xi32>, vector<16xi32>, vector<16xi32>], vector<16xf32>,
      tpu.vector_store_idx %arg9[%shift_right_arithmetic3A_31, %and3A_54, %add3A_296], %get3A_308 : memref<8x8x129xf32, #tpu.memory_space<vmem>>[vector<16xi32>, vector<16xi32>, vector<16xi32>], vector<16xf32>,
      %mul3A_327 = arith.constant 8 : i32
      %mul3A_328 = arith.muli %scan3A_290, %mul3A_327 : i32
      %add3A_329 = arith.constant 2 : i32
      %add3A_330 = arith.addi %mul3A_328, %add3A_329 : i32
      %add3A_331 = vector.broadcast %add3A_330 : i32 to vector<16xi32>
      %add3A_332 = arith.addi %min3A_7, %add3A_331 : vector<16xi32>
      %get3A_333 = arith.index_cast %add3A_330 : i32 to index
      %get3A_334 = arith.constant 0 : index
      %get3A_335 = tpu.vector_load %arg7[%get3A_333, %get3A_334] {strides = array<i32>} : memref<128x64xf32, #tpu.memory_space<vmem>>, vector<16xf32>,
      %get3A_336 = arith.index_cast %add3A_330 : i32 to index
      %get3A_337 = arith.constant 16 : index
      %get3A_338 = tpu.vector_load %arg7[%get3A_336, %get3A_337] {strides = array<i32>} : memref<128x64xf32, #tpu.memory_space<vmem>>, vector<16xf32>,
      %get3A_339 = arith.index_cast %add3A_330 : i32 to index
      %get3A_340 = arith.constant 32 : index
      %get3A_341 = tpu.vector_load %arg7[%get3A_339, %get3A_340] {strides = array<i32>} : memref<128x64xf32, #tpu.memory_space<vmem>>, vector<16xf32>,
      %get3A_342 = arith.index_cast %add3A_330 : i32 to index
      %get3A_343 = arith.constant 48 : index
      %get3A_344 = tpu.vector_load %arg7[%get3A_342, %get3A_343] {strides = array<i32>} : memref<128x64xf32, #tpu.memory_space<vmem>>, vector<16xf32>,
      tpu.vector_store_idx %arg9[%shift_right_arithmetic3A_13, %and3A_36, %add3A_314], %get3A_317 : memref<8x8x129xf32, #tpu.memory_space<vmem>>[vector<16xi32>, vector<16xi32>, vector<16xi32>], vector<16xf32>,
      tpu.vector_store_idx %arg9[%shift_right_arithmetic3A_19, %and3A_42, %add3A_314], %get3A_320 : memref<8x8x129xf32, #tpu.memory_space<vmem>>[vector<16xi32>, vector<16xi32>, vector<16xi32>], vector<16xf32>,
      tpu.vector_store_idx %arg9[%shift_right_arithmetic3A_25, %and3A_48, %add3A_314], %get3A_323 : memref<8x8x129xf32, #tpu.memory_space<vmem>>[vector<16xi32>, vector<16xi32>, vector<16xi32>], vector<16xf32>,
      tpu.vector_store_idx %arg9[%shift_right_arithmetic3A_31, %and3A_54, %add3A_314], %get3A_326 : memref<8x8x129xf32, #tpu.memory_space<vmem>>[vector<16xi32>, vector<16xi32>, vector<16xi32>], vector<16xf32>,
      %mul3A_345 = arith.constant 8 : i32
      %mul3A_346 = arith.muli %scan3A_290, %mul3A_345 : i32
      %add3A_347 = arith.constant 3 : i32
      %add3A_348 = arith.addi %mul3A_346, %add3A_347 : i32
      %add3A_349 = vector.broadcast %add3A_348 : i32 to vector<16xi32>
      %add3A_350 = arith.addi %min3A_7, %add3A_349 : vector<16xi32>
      %get3A_351 = arith.index_cast %add3A_348 : i32 to index
      %get3A_352 = arith.constant 0 : index
      %get3A_353 = tpu.vector_load %arg7[%get3A_351, %get3A_352] {strides = array<i32>} : memref<128x64xf32, #tpu.memory_space<vmem>>, vector<16xf32>,
      %get3A_354 = arith.index_cast %add3A_348 : i32 to index
      %get3A_355 = arith.constant 16 : index
      %get3A_356 = tpu.vector_load %arg7[%get3A_354, %get3A_355] {strides = array<i32>} : memref<128x64xf32, #tpu.memory_space<vmem>>, vector<16xf32>,
      %get3A_357 = arith.index_cast %add3A_348 : i32 to index
      %get3A_358 = arith.constant 32 : index
      %get3A_359 = tpu.vector_load %arg7[%get3A_357, %get3A_358] {strides = array<i32>} : memref<128x64xf32, #tpu.memory_space<vmem>>, vector<16xf32>,
      %get3A_360 = arith.index_cast %add3A_348 : i32 to index
      %get3A_361 = arith.constant 48 : index
      %get3A_362 = tpu.vector_load %arg7[%get3A_360, %get3A_361] {strides = array<i32>} : memref<128x64xf32, #tpu.memory_space<vmem>>, vector<16xf32>,
      tpu.vector_store_idx %arg9[%shift_right_arithmetic3A_13, %and3A_36, %add3A_332], %get3A_335 : memref<8x8x129xf32, #tpu.memory_space<vmem>>[vector<16xi32>, vector<16xi32>, vector<16xi32>], vector<16xf32>,
      tpu.vector_store_idx %arg9[%shift_right_arithmetic3A_19, %and3A_42, %add3A_332], %get3A_338 : memref<8x8x129xf32, #tpu.memory_space<vmem>>[vector<16xi32>, vector<16xi32>, vector<16xi32>], vector<16xf32>,
      tpu.vector_store_idx %arg9[%shift_right_arithmetic3A_25, %and3A_48, %add3A_332], %get3A_341 : memref<8x8x129xf32, #tpu.memory_space<vmem>>[vector<16xi32>, vector<16xi32>, vector<16xi32>], vector<16xf32>,
      tpu.vector_store_idx %arg9[%shift_right_arithmetic3A_31, %and3A_54, %add3A_332], %get3A_344 : memref<8x8x129xf32, #tpu.memory_space<vmem>>[vector<16xi32>, vector<16xi32>, vector<16xi32>], vector<16xf32>,
      %mul3A_363 = arith.constant 8 : i32
      %mul3A_364 = arith.muli %scan3A_290, %mul3A_363 : i32
      %add3A_365 = arith.constant 4 : i32
      %add3A_366 = arith.addi %mul3A_364, %add3A_365 : i32
      %add3A_367 = vector.broadcast %add3A_366 : i32 to vector<16xi32>
      %add3A_368 = arith.addi %min3A_7, %add3A_367 : vector<16xi32>
      %get3A_369 = arith.index_cast %add3A_366 : i32 to index
      %get3A_370 = arith.constant 0 : index
      %get3A_371 = tpu.vector_load %arg7[%get3A_369, %get3A_370] {strides = array<i32>} : memref<128x64xf32, #tpu.memory_space<vmem>>, vector<16xf32>,
      %get3A_372 = arith.index_cast %add3A_366 : i32 to index
      %get3A_373 = arith.constant 16 : index
      %get3A_374 = tpu.vector_load %arg7[%get3A_372, %get3A_373] {strides = array<i32>} : memref<128x64xf32, #tpu.memory_space<vmem>>, vector<16xf32>,
      %get3A_375 = arith.index_cast %add3A_366 : i32 to index
      %get3A_376 = arith.constant 32 : index
      %get3A_377 = tpu.vector_load %arg7[%get3A_375, %get3A_376] {strides = array<i32>} : memref<128x64xf32, #tpu.memory_space<vmem>>, vector<16xf32>,
      %get3A_378 = arith.index_cast %add3A_366 : i32 to index
      %get3A_379 = arith.constant 48 : index
      %get3A_380 = tpu.vector_load %arg7[%get3A_378, %get3A_379] {strides = array<i32>} : memref<128x64xf32, #tpu.memory_space<vmem>>, vector<16xf32>,
      tpu.vector_store_idx %arg9[%shift_right_arithmetic3A_13, %and3A_36, %add3A_350], %get3A_353 : memref<8x8x129xf32, #tpu.memory_space<vmem>>[vector<16xi32>, vector<16xi32>, vector<16xi32>], vector<16xf32>,
      tpu.vector_store_idx %arg9[%shift_right_arithmetic3A_19, %and3A_42, %add3A_350], %get3A_356 : memref<8x8x129xf32, #tpu.memory_space<vmem>>[vector<16xi32>, vector<16xi32>, vector<16xi32>], vector<16xf32>,
      tpu.vector_store_idx %arg9[%shift_right_arithmetic3A_25, %and3A_48, %add3A_350], %get3A_359 : memref<8x8x129xf32, #tpu.memory_space<vmem>>[vector<16xi32>, vector<16xi32>, vector<16xi32>], vector<16xf32>,
      tpu.vector_store_idx %arg9[%shift_right_arithmetic3A_31, %and3A_54, %add3A_350], %get3A_362 : memref<8x8x129xf32, #tpu.memory_space<vmem>>[vector<16xi32>, vector<16xi32>, vector<16xi32>], vector<16xf32>,
      %mul3A_381 = arith.constant 8 : i32
      %mul3A_382 = arith.muli %scan3A_290, %mul3A_381 : i32
      %add3A_383 = arith.constant 5 : i32
      %add3A_384 = arith.addi %mul3A_382, %add3A_383 : i32
      %add3A_385 = vector.broadcast %add3A_384 : i32 to vector<16xi32>
      %add3A_386 = arith.addi %min3A_7, %add3A_385 : vector<16xi32>
      %get3A_387 = arith.index_cast %add3A_384 : i32 to index
      %get3A_388 = arith.constant 0 : index
      %get3A_389 = tpu.vector_load %arg7[%get3A_387, %get3A_388] {strides = array<i32>} : memref<128x64xf32, #tpu.memory_space<vmem>>, vector<16xf32>,
      %get3A_390 = arith.index_cast %add3A_384 : i32 to index
      %get3A_391 = arith.constant 16 : index
      %get3A_392 = tpu.vector_load %arg7[%get3A_390, %get3A_391] {strides = array<i32>} : memref<128x64xf32, #tpu.memory_space<vmem>>, vector<16xf32>,
      %get3A_393 = arith.index_cast %add3A_384 : i32 to index
      %get3A_394 = arith.constant 32 : index
      %get3A_395 = tpu.vector_load %arg7[%get3A_393, %get3A_394] {strides = array<i32>} : memref<128x64xf32, #tpu.memory_space<vmem>>, vector<16xf32>,
      %get3A_396 = arith.index_cast %add3A_384 : i32 to index
      %get3A_397 = arith.constant 48 : index
      %get3A_398 = tpu.vector_load %arg7[%get3A_396, %get3A_397] {strides = array<i32>} : memref<128x64xf32, #tpu.memory_space<vmem>>, vector<16xf32>,
      tpu.vector_store_idx %arg9[%shift_right_arithmetic3A_13, %and3A_36, %add3A_368], %get3A_371 : memref<8x8x129xf32, #tpu.memory_space<vmem>>[vector<16xi32>, vector<16xi32>, vector<16xi32>], vector<16xf32>,
      tpu.vector_store_idx %arg9[%shift_right_arithmetic3A_19, %and3A_42, %add3A_368], %get3A_374 : memref<8x8x129xf32, #tpu.memory_space<vmem>>[vector<16xi32>, vector<16xi32>, vector<16xi32>], vector<16xf32>,
      tpu.vector_store_idx %arg9[%shift_right_arithmetic3A_25, %and3A_48, %add3A_368], %get3A_377 : memref<8x8x129xf32, #tpu.memory_space<vmem>>[vector<16xi32>, vector<16xi32>, vector<16xi32>], vector<16xf32>,
      tpu.vector_store_idx %arg9[%shift_right_arithmetic3A_31, %and3A_54, %add3A_368], %get3A_380 : memref<8x8x129xf32, #tpu.memory_space<vmem>>[vector<16xi32>, vector<16xi32>, vector<16xi32>], vector<16xf32>,
      %mul3A_399 = arith.constant 8 : i32
      %mul3A_400 = arith.muli %scan3A_290, %mul3A_399 : i32
      %add3A_401 = arith.constant 6 : i32
      %add3A_402 = arith.addi %mul3A_400, %add3A_401 : i32
      %add3A_403 = vector.broadcast %add3A_402 : i32 to vector<16xi32>
      %add3A_404 = arith.addi %min3A_7, %add3A_403 : vector<16xi32>
      %get3A_405 = arith.index_cast %add3A_402 : i32 to index
      %get3A_406 = arith.constant 0 : index
      %get3A_407 = tpu.vector_load %arg7[%get3A_405, %get3A_406] {strides = array<i32>} : memref<128x64xf32, #tpu.memory_space<vmem>>, vector<16xf32>,
      %get3A_408 = arith.index_cast %add3A_402 : i32 to index
      %get3A_409 = arith.constant 16 : index
      %get3A_410 = tpu.vector_load %arg7[%get3A_408, %get3A_409] {strides = array<i32>} : memref<128x64xf32, #tpu.memory_space<vmem>>, vector<16xf32>,
      %get3A_411 = arith.index_cast %add3A_402 : i32 to index
      %get3A_412 = arith.constant 32 : index
      %get3A_413 = tpu.vector_load %arg7[%get3A_411, %get3A_412] {strides = array<i32>} : memref<128x64xf32, #tpu.memory_space<vmem>>, vector<16xf32>,
      %get3A_414 = arith.index_cast %add3A_402 : i32 to index
      %get3A_415 = arith.constant 48 : index
      %get3A_416 = tpu.vector_load %arg7[%get3A_414, %get3A_415] {strides = array<i32>} : memref<128x64xf32, #tpu.memory_space<vmem>>, vector<16xf32>,
      tpu.vector_store_idx %arg9[%shift_right_arithmetic3A_13, %and3A_36, %add3A_386], %get3A_389 : memref<8x8x129xf32, #tpu.memory_space<vmem>>[vector<16xi32>, vector<16xi32>, vector<16xi32>], vector<16xf32>,
      tpu.vector_store_idx %arg9[%shift_right_arithmetic3A_19, %and3A_42, %add3A_386], %get3A_392 : memref<8x8x129xf32, #tpu.memory_space<vmem>>[vector<16xi32>, vector<16xi32>, vector<16xi32>], vector<16xf32>,
      tpu.vector_store_idx %arg9[%shift_right_arithmetic3A_25, %and3A_48, %add3A_386], %get3A_395 : memref<8x8x129xf32, #tpu.memory_space<vmem>>[vector<16xi32>, vector<16xi32>, vector<16xi32>], vector<16xf32>,
      tpu.vector_store_idx %arg9[%shift_right_arithmetic3A_31, %and3A_54, %add3A_386], %get3A_398 : memref<8x8x129xf32, #tpu.memory_space<vmem>>[vector<16xi32>, vector<16xi32>, vector<16xi32>], vector<16xf32>,
      %mul3A_417 = arith.constant 8 : i32
      %mul3A_418 = arith.muli %scan3A_290, %mul3A_417 : i32
      %add3A_419 = arith.constant 7 : i32
      %add3A_420 = arith.addi %mul3A_418, %add3A_419 : i32
      %add3A_421 = vector.broadcast %add3A_420 : i32 to vector<16xi32>
      %add3A_422 = arith.addi %min3A_7, %add3A_421 : vector<16xi32>
      %get3A_423 = arith.index_cast %add3A_420 : i32 to index
      %get3A_424 = arith.constant 0 : index
      %get3A_425 = tpu.vector_load %arg7[%get3A_423, %get3A_424] {strides = array<i32>} : memref<128x64xf32, #tpu.memory_space<vmem>>, vector<16xf32>,
      %get3A_426 = arith.index_cast %add3A_420 : i32 to index
      %get3A_427 = arith.constant 16 : index
      %get3A_428 = tpu.vector_load %arg7[%get3A_426, %get3A_427] {strides = array<i32>} : memref<128x64xf32, #tpu.memory_space<vmem>>, vector<16xf32>,
      %get3A_429 = arith.index_cast %add3A_420 : i32 to index
      %get3A_430 = arith.constant 32 : index
      %get3A_431 = tpu.vector_load %arg7[%get3A_429, %get3A_430] {strides = array<i32>} : memref<128x64xf32, #tpu.memory_space<vmem>>, vector<16xf32>,
      %get3A_432 = arith.index_cast %add3A_420 : i32 to index
      %get3A_433 = arith.constant 48 : index
      %get3A_434 = tpu.vector_load %arg7[%get3A_432, %get3A_433] {strides = array<i32>} : memref<128x64xf32, #tpu.memory_space<vmem>>, vector<16xf32>,
      tpu.vector_store_idx %arg9[%shift_right_arithmetic3A_13, %and3A_36, %add3A_404], %get3A_407 : memref<8x8x129xf32, #tpu.memory_space<vmem>>[vector<16xi32>, vector<16xi32>, vector<16xi32>], vector<16xf32>,
      tpu.vector_store_idx %arg9[%shift_right_arithmetic3A_19, %and3A_42, %add3A_404], %get3A_410 : memref<8x8x129xf32, #tpu.memory_space<vmem>>[vector<16xi32>, vector<16xi32>, vector<16xi32>], vector<16xf32>,
      tpu.vector_store_idx %arg9[%shift_right_arithmetic3A_25, %and3A_48, %add3A_404], %get3A_413 : memref<8x8x129xf32, #tpu.memory_space<vmem>>[vector<16xi32>, vector<16xi32>, vector<16xi32>], vector<16xf32>,
      tpu.vector_store_idx %arg9[%shift_right_arithmetic3A_31, %and3A_54, %add3A_404], %get3A_416 : memref<8x8x129xf32, #tpu.memory_space<vmem>>[vector<16xi32>, vector<16xi32>, vector<16xi32>], vector<16xf32>,
      tpu.vector_store_idx %arg9[%shift_right_arithmetic3A_13, %and3A_36, %add3A_422], %get3A_425 : memref<8x8x129xf32, #tpu.memory_space<vmem>>[vector<16xi32>, vector<16xi32>, vector<16xi32>], vector<16xf32>,
      tpu.vector_store_idx %arg9[%shift_right_arithmetic3A_19, %and3A_42, %add3A_422], %get3A_428 : memref<8x8x129xf32, #tpu.memory_space<vmem>>[vector<16xi32>, vector<16xi32>, vector<16xi32>], vector<16xf32>,
      tpu.vector_store_idx %arg9[%shift_right_arithmetic3A_25, %and3A_48, %add3A_422], %get3A_431 : memref<8x8x129xf32, #tpu.memory_space<vmem>>[vector<16xi32>, vector<16xi32>, vector<16xi32>], vector<16xf32>,
      tpu.vector_store_idx %arg9[%shift_right_arithmetic3A_31, %and3A_54, %add3A_422], %get3A_434 : memref<8x8x129xf32, #tpu.memory_space<vmem>>[vector<16xi32>, vector<16xi32>, vector<16xi32>], vector<16xf32>,
    }
    %scan3A_117 = arith.constant 16 : i32
    %dma_start3A_118 = arith.constant 1 : i32
    %dma_start3A_119 = arith.constant 0 : i32
    %dma_start3A_120 = arith.constant 0 : i32
    %dma_start3A_121 = arith.constant 0 : i32
    %dma_start3A_122 = tpu.memref_slice %arg9[%dma_start3A_119, %dma_start3A_120, %dma_start3A_121] : memref<8x8x129xf32, #tpu.memory_space<vmem>> -> memref<8x8x128xf32, #tpu.memory_space<vmem>>
    %dma_start3A_123 = arith.constant 0 : i32
    %dma_start3A_124 = arith.constant 0 : i32
    %dma_start3A_125 = arith.constant 0 : i32
    %dma_start3A_126 = tpu.memref_slice %arg4[%dma_start3A_118, %dma_start3A_123, %add3A, %dma_start3A_124, %dma_start3A_125] : memref<50x8x32x8x128xf32, #tpu.memory_space<hbm>> -> memref<1x8x1x8x128xf32, #tpu.memory_space<hbm>>
    %dma_start3A_127 = tpu.memref_squeeze %dma_start3A_126 : memref<1x8x1x8x128xf32, #tpu.memory_space<hbm>> -> memref<8x8x128xf32, #tpu.memory_space<hbm>>
    %dma_start3A_128 = arith.constant 0 : i32
    %dma_start3A_129 = arith.constant 0 : i32
    %dma_start3A_130 = arith.constant 0 : i32
    %dma_start3A_131 = tpu.memref_slice %arg4[%dma_start3A_118, %dma_start3A_128, %add3A, %dma_start3A_129, %dma_start3A_130] : memref<50x8x32x8x128xf32, #tpu.memory_space<hbm>> -> memref<1x8x1x8x128xf32, #tpu.memory_space<hbm>>
    %dma_start3A_132 = tpu.memref_squeeze %dma_start3A_131 : memref<1x8x1x8x128xf32, #tpu.memory_space<hbm>> -> memref<8x8x128xf32, #tpu.memory_space<hbm>>
    %dma_start3A_133 = arith.constant 0 : i32
    %dma_start3A_134 = arith.constant 0 : i32
    %dma_start3A_135 = arith.constant 0 : i32
    %dma_start3A_136 = tpu.memref_slice %arg9[%dma_start3A_133, %dma_start3A_134, %dma_start3A_135] : memref<8x8x129xf32, #tpu.memory_space<vmem>> -> memref<8x8x128xf32, #tpu.memory_space<vmem>>
    tpu.enqueue_dma source(%dma_start3A_136 : memref<8x8x128xf32, #tpu.memory_space<vmem>>) target(%dma_start3A_132 : memref<8x8x128xf32, #tpu.memory_space<hbm>>) target_semaphore(%arg13 : memref<!tpu.dma_semaphore, #tpu.memory_space<semaphore_mem>>)
    %dma_start3A_137 = arith.constant 3 : i32
    %dma_start3A_138 = arith.constant 0 : i32
    %dma_start3A_139 = tpu.memref_slice %arg5[%dma_start3A_137, %dma_start3A_138] : memref<50x128xi32, #tpu.memory_space<vmem>> -> memref<1x128xi32, #tpu.memory_space<vmem>>
    %dma_start3A_140 = tpu.memref_squeeze %dma_start3A_139 : memref<1x128xi32, #tpu.memory_space<vmem>> -> memref<128xi32, #tpu.memory_space<vmem>>
    %dma_start3A_141 = arith.constant 0 : i32
    %dma_start3A_142 = arith.constant 0 : i32
    %dma_start3A_143 = tpu.memref_slice %arg2[%dma_start3A_141, %dma_start3A_142] : memref<200000x64xf32, #tpu.memory_space<hbm>> -> memref<200000x64xf32, #tpu.memory_space<hbm>>
    tpu.enqueue_indirect_dma source(%dma_start3A_143 : memref<200000x64xf32, #tpu.memory_space<hbm>>) target(%arg7 : memref<128x64xf32, #tpu.memory_space<vmem>>) offsets(%dma_start3A_140 : memref<128xi32, #tpu.memory_space<vmem>>) semaphore(%arg11 : memref<!tpu.dma_semaphore, #tpu.memory_space<semaphore_mem>>)
    %scan3A_144 = arith.constant 0 : i32
    %scan3A_145 = arith.constant 1 : i32
    %scan3A_146 = arith.constant 23 : i32
    %scan3A_147 = arith.addi %scan3A_145, %scan3A_146 : i32
    %scan3A_148 = arith.constant 1 : i32
    scf.for %scan3A_290 = %scan3A_145 to %scan3A_147 step %scan3A_148  : i32 {
      %mul3A_291 = arith.constant 2 : i32
      %mul3A_292 = arith.muli %mul3A_291, %scan3A_290 : i32
      %add3A_293 = arith.constant 0 : i32
      %add3A_294 = arith.addi %mul3A_292, %add3A_293 : i32
      %dma_wait3A_295 = arith.constant 0 : i32
      %dma_wait3A_296 = tpu.memref_slice %arg5[%add3A_294, %dma_wait3A_295] : memref<50x128xi32, #tpu.memory_space<vmem>> -> memref<1x128xi32, #tpu.memory_space<vmem>>
      %dma_wait3A_297 = tpu.memref_squeeze %dma_wait3A_296 : memref<1x128xi32, #tpu.memory_space<vmem>> -> memref<128xi32, #tpu.memory_space<vmem>>
      %dma_wait3A_298 = arith.constant 0 : i32
      %dma_wait3A_299 = arith.constant 0 : i32
      %dma_wait3A_300 = tpu.memref_slice %arg2[%dma_wait3A_298, %dma_wait3A_299] : memref<200000x64xf32, #tpu.memory_space<hbm>> -> memref<200000x64xf32, #tpu.memory_space<hbm>>
      tpu.wait_indirect_dma semaphore(%arg10 : memref<!tpu.dma_semaphore, #tpu.memory_space<semaphore_mem>>) src(%dma_wait3A_300 : memref<200000x64xf32, #tpu.memory_space<hbm>>) dst(%arg6 : memref<128x64xf32, #tpu.memory_space<vmem>>)
      %sub3A = arith.constant 2 : i32
      %sub3A_301 = arith.subi %add3A_294, %sub3A : i32
      %dma_wait3A_302 = arith.constant 0 : i32
      %dma_wait3A_303 = arith.constant 0 : i32
      %dma_wait3A_304 = arith.constant 0 : i32
      %dma_wait3A_305 = tpu.memref_slice %arg8[%dma_wait3A_302, %dma_wait3A_303, %dma_wait3A_304] : memref<8x8x129xf32, #tpu.memory_space<vmem>> -> memref<8x8x128xf32, #tpu.memory_space<vmem>>
      %dma_wait3A_306 = arith.constant 0 : i32
      %dma_wait3A_307 = arith.constant 0 : i32
      %dma_wait3A_308 = arith.constant 0 : i32
      %dma_wait3A_309 = tpu.memref_slice %arg4[%sub3A_301, %dma_wait3A_306, %add3A, %dma_wait3A_307, %dma_wait3A_308] : memref<50x8x32x8x128xf32, #tpu.memory_space<hbm>> -> memref<1x8x1x8x128xf32, #tpu.memory_space<hbm>>
      %dma_wait3A_310 = tpu.memref_squeeze %dma_wait3A_309 : memref<1x8x1x8x128xf32, #tpu.memory_space<hbm>> -> memref<8x8x128xf32, #tpu.memory_space<hbm>>
      %dma_wait3A_311 = arith.constant 0 : i32
      %dma_wait3A_312 = arith.constant 0 : i32
      %dma_wait3A_313 = arith.constant 0 : i32
      %dma_wait3A_314 = tpu.memref_slice %arg4[%sub3A_301, %dma_wait3A_311, %add3A, %dma_wait3A_312, %dma_wait3A_313] : memref<50x8x32x8x128xf32, #tpu.memory_space<hbm>> -> memref<1x8x1x8x128xf32, #tpu.memory_space<hbm>>
      %dma_wait3A_315 = tpu.memref_squeeze %dma_wait3A_314 : memref<1x8x1x8x128xf32, #tpu.memory_space<hbm>> -> memref<8x8x128xf32, #tpu.memory_space<hbm>>
      %dma_wait3A_316 = arith.constant 0 : i32
      %dma_wait3A_317 = arith.constant 0 : i32
      %dma_wait3A_318 = arith.constant 0 : i32
      %dma_wait3A_319 = tpu.memref_slice %arg8[%dma_wait3A_316, %dma_wait3A_317, %dma_wait3A_318] : memref<8x8x129xf32, #tpu.memory_space<vmem>> -> memref<8x8x128xf32, #tpu.memory_space<vmem>>
      tpu.wait_dma2 semaphore(%arg12 : memref<!tpu.dma_semaphore, #tpu.memory_space<semaphore_mem>>) src(%dma_wait3A_319 : memref<8x8x128xf32, #tpu.memory_space<vmem>>) dst(%dma_wait3A_315 : memref<8x8x128xf32, #tpu.memory_space<hbm>>)
      %scan3A_320 = arith.constant 0 : i32
      %scan3A_321 = arith.constant 0 : i32
      %scan3A_322 = arith.constant 16 : i32
      %scan3A_323 = arith.addi %scan3A_321, %scan3A_322 : i32
      %scan3A_324 = arith.constant 1 : i32
      scf.for %scan3A_414 = %scan3A_321 to %scan3A_323 step %scan3A_324  : i32 {
        %mul3A_415 = arith.constant 8 : i32
        %mul3A_416 = arith.muli %scan3A_414, %mul3A_415 : i32
        %add3A_417 = arith.constant 0 : i32
        %add3A_418 = arith.addi %mul3A_416, %add3A_417 : i32
        %add3A_419 = vector.broadcast %add3A_418 : i32 to vector<16xi32>
        %add3A_420 = arith.addi %min3A_7, %add3A_419 : vector<16xi32>
        %get3A_421 = arith.index_cast %add3A_418 : i32 to index
        %get3A_422 = arith.constant 0 : index
        %get3A_423 = tpu.vector_load %arg6[%get3A_421, %get3A_422] {strides = array<i32>} : memref<128x64xf32, #tpu.memory_space<vmem>>, vector<16xf32>,
        %get3A_424 = arith.index_cast %add3A_418 : i32 to index
        %get3A_425 = arith.constant 16 : index
        %get3A_426 = tpu.vector_load %arg6[%get3A_424, %get3A_425] {strides = array<i32>} : memref<128x64xf32, #tpu.memory_space<vmem>>, vector<16xf32>,
        %get3A_427 = arith.index_cast %add3A_418 : i32 to index
        %get3A_428 = arith.constant 32 : index
        %get3A_429 = tpu.vector_load %arg6[%get3A_427, %get3A_428] {strides = array<i32>} : memref<128x64xf32, #tpu.memory_space<vmem>>, vector<16xf32>,
        %get3A_430 = arith.index_cast %add3A_418 : i32 to index
        %get3A_431 = arith.constant 48 : index
        %get3A_432 = tpu.vector_load %arg6[%get3A_430, %get3A_431] {strides = array<i32>} : memref<128x64xf32, #tpu.memory_space<vmem>>, vector<16xf32>,
        %mul3A_433 = arith.constant 8 : i32
        %mul3A_434 = arith.muli %scan3A_414, %mul3A_433 : i32
        %add3A_435 = arith.constant 1 : i32
        %add3A_436 = arith.addi %mul3A_434, %add3A_435 : i32
        %add3A_437 = vector.broadcast %add3A_436 : i32 to vector<16xi32>
        %add3A_438 = arith.addi %min3A_7, %add3A_437 : vector<16xi32>
        %get3A_439 = arith.index_cast %add3A_436 : i32 to index
        %get3A_440 = arith.constant 0 : index
        %get3A_441 = tpu.vector_load %arg6[%get3A_439, %get3A_440] {strides = array<i32>} : memref<128x64xf32, #tpu.memory_space<vmem>>, vector<16xf32>,
        %get3A_442 = arith.index_cast %add3A_436 : i32 to index
        %get3A_443 = arith.constant 16 : index
        %get3A_444 = tpu.vector_load %arg6[%get3A_442, %get3A_443] {strides = array<i32>} : memref<128x64xf32, #tpu.memory_space<vmem>>, vector<16xf32>,
        %get3A_445 = arith.index_cast %add3A_436 : i32 to index
        %get3A_446 = arith.constant 32 : index
        %get3A_447 = tpu.vector_load %arg6[%get3A_445, %get3A_446] {strides = array<i32>} : memref<128x64xf32, #tpu.memory_space<vmem>>, vector<16xf32>,
        %get3A_448 = arith.index_cast %add3A_436 : i32 to index
        %get3A_449 = arith.constant 48 : index
        %get3A_450 = tpu.vector_load %arg6[%get3A_448, %get3A_449] {strides = array<i32>} : memref<128x64xf32, #tpu.memory_space<vmem>>, vector<16xf32>,
        tpu.vector_store_idx %arg8[%shift_right_arithmetic3A_13, %and3A_36, %add3A_420], %get3A_423 : memref<8x8x129xf32, #tpu.memory_space<vmem>>[vector<16xi32>, vector<16xi32>, vector<16xi32>], vector<16xf32>,
        tpu.vector_store_idx %arg8[%shift_right_arithmetic3A_19, %and3A_42, %add3A_420], %get3A_426 : memref<8x8x129xf32, #tpu.memory_space<vmem>>[vector<16xi32>, vector<16xi32>, vector<16xi32>], vector<16xf32>,
        tpu.vector_store_idx %arg8[%shift_right_arithmetic3A_25, %and3A_48, %add3A_420], %get3A_429 : memref<8x8x129xf32, #tpu.memory_space<vmem>>[vector<16xi32>, vector<16xi32>, vector<16xi32>], vector<16xf32>,
        tpu.vector_store_idx %arg8[%shift_right_arithmetic3A_31, %and3A_54, %add3A_420], %get3A_432 : memref<8x8x129xf32, #tpu.memory_space<vmem>>[vector<16xi32>, vector<16xi32>, vector<16xi32>], vector<16xf32>,
        %mul3A_451 = arith.constant 8 : i32
        %mul3A_452 = arith.muli %scan3A_414, %mul3A_451 : i32
        %add3A_453 = arith.constant 2 : i32
        %add3A_454 = arith.addi %mul3A_452, %add3A_453 : i32
        %add3A_455 = vector.broadcast %add3A_454 : i32 to vector<16xi32>
        %add3A_456 = arith.addi %min3A_7, %add3A_455 : vector<16xi32>
        %get3A_457 = arith.index_cast %add3A_454 : i32 to index
        %get3A_458 = arith.constant 0 : index
        %get3A_459 = tpu.vector_load %arg6[%get3A_457, %get3A_458] {strides = array<i32>} : memref<128x64xf32, #tpu.memory_space<vmem>>, vector<16xf32>,
        %get3A_460 = arith.index_cast %add3A_454 : i32 to index
        %get3A_461 = arith.constant 16 : index
        %get3A_462 = tpu.vector_load %arg6[%get3A_460, %get3A_461] {strides = array<i32>} : memref<128x64xf32, #tpu.memory_space<vmem>>, vector<16xf32>,
        %get3A_463 = arith.index_cast %add3A_454 : i32 to index
        %get3A_464 = arith.constant 32 : index
        %get3A_465 = tpu.vector_load %arg6[%get3A_463, %get3A_464] {strides = array<i32>} : memref<128x64xf32, #tpu.memory_space<vmem>>, vector<16xf32>,
        %get3A_466 = arith.index_cast %add3A_454 : i32 to index
        %get3A_467 = arith.constant 48 : index
        %get3A_468 = tpu.vector_load %arg6[%get3A_466, %get3A_467] {strides = array<i32>} : memref<128x64xf32, #tpu.memory_space<vmem>>, vector<16xf32>,
        tpu.vector_store_idx %arg8[%shift_right_arithmetic3A_13, %and3A_36, %add3A_438], %get3A_441 : memref<8x8x129xf32, #tpu.memory_space<vmem>>[vector<16xi32>, vector<16xi32>, vector<16xi32>], vector<16xf32>,
        tpu.vector_store_idx %arg8[%shift_right_arithmetic3A_19, %and3A_42, %add3A_438], %get3A_444 : memref<8x8x129xf32, #tpu.memory_space<vmem>>[vector<16xi32>, vector<16xi32>, vector<16xi32>], vector<16xf32>,
        tpu.vector_store_idx %arg8[%shift_right_arithmetic3A_25, %and3A_48, %add3A_438], %get3A_447 : memref<8x8x129xf32, #tpu.memory_space<vmem>>[vector<16xi32>, vector<16xi32>, vector<16xi32>], vector<16xf32>,
        tpu.vector_store_idx %arg8[%shift_right_arithmetic3A_31, %and3A_54, %add3A_438], %get3A_450 : memref<8x8x129xf32, #tpu.memory_space<vmem>>[vector<16xi32>, vector<16xi32>, vector<16xi32>], vector<16xf32>,
        %mul3A_469 = arith.constant 8 : i32
        %mul3A_470 = arith.muli %scan3A_414, %mul3A_469 : i32
        %add3A_471 = arith.constant 3 : i32
        %add3A_472 = arith.addi %mul3A_470, %add3A_471 : i32
        %add3A_473 = vector.broadcast %add3A_472 : i32 to vector<16xi32>
        %add3A_474 = arith.addi %min3A_7, %add3A_473 : vector<16xi32>
        %get3A_475 = arith.index_cast %add3A_472 : i32 to index
        %get3A_476 = arith.constant 0 : index
        %get3A_477 = tpu.vector_load %arg6[%get3A_475, %get3A_476] {strides = array<i32>} : memref<128x64xf32, #tpu.memory_space<vmem>>, vector<16xf32>,
        %get3A_478 = arith.index_cast %add3A_472 : i32 to index
        %get3A_479 = arith.constant 16 : index
        %get3A_480 = tpu.vector_load %arg6[%get3A_478, %get3A_479] {strides = array<i32>} : memref<128x64xf32, #tpu.memory_space<vmem>>, vector<16xf32>,
        %get3A_481 = arith.index_cast %add3A_472 : i32 to index
        %get3A_482 = arith.constant 32 : index
        %get3A_483 = tpu.vector_load %arg6[%get3A_481, %get3A_482] {strides = array<i32>} : memref<128x64xf32, #tpu.memory_space<vmem>>, vector<16xf32>,
        %get3A_484 = arith.index_cast %add3A_472 : i32 to index
        %get3A_485 = arith.constant 48 : index
        %get3A_486 = tpu.vector_load %arg6[%get3A_484, %get3A_485] {strides = array<i32>} : memref<128x64xf32, #tpu.memory_space<vmem>>, vector<16xf32>,
        tpu.vector_store_idx %arg8[%shift_right_arithmetic3A_13, %and3A_36, %add3A_456], %get3A_459 : memref<8x8x129xf32, #tpu.memory_space<vmem>>[vector<16xi32>, vector<16xi32>, vector<16xi32>], vector<16xf32>,
        tpu.vector_store_idx %arg8[%shift_right_arithmetic3A_19, %and3A_42, %add3A_456], %get3A_462 : memref<8x8x129xf32, #tpu.memory_space<vmem>>[vector<16xi32>, vector<16xi32>, vector<16xi32>], vector<16xf32>,
        tpu.vector_store_idx %arg8[%shift_right_arithmetic3A_25, %and3A_48, %add3A_456], %get3A_465 : memref<8x8x129xf32, #tpu.memory_space<vmem>>[vector<16xi32>, vector<16xi32>, vector<16xi32>], vector<16xf32>,
        tpu.vector_store_idx %arg8[%shift_right_arithmetic3A_31, %and3A_54, %add3A_456], %get3A_468 : memref<8x8x129xf32, #tpu.memory_space<vmem>>[vector<16xi32>, vector<16xi32>, vector<16xi32>], vector<16xf32>,
        %mul3A_487 = arith.constant 8 : i32
        %mul3A_488 = arith.muli %scan3A_414, %mul3A_487 : i32
        %add3A_489 = arith.constant 4 : i32
        %add3A_490 = arith.addi %mul3A_488, %add3A_489 : i32
        %add3A_491 = vector.broadcast %add3A_490 : i32 to vector<16xi32>
        %add3A_492 = arith.addi %min3A_7, %add3A_491 : vector<16xi32>
        %get3A_493 = arith.index_cast %add3A_490 : i32 to index
        %get3A_494 = arith.constant 0 : index
        %get3A_495 = tpu.vector_load %arg6[%get3A_493, %get3A_494] {strides = array<i32>} : memref<128x64xf32, #tpu.memory_space<vmem>>, vector<16xf32>,
        %get3A_496 = arith.index_cast %add3A_490 : i32 to index
        %get3A_497 = arith.constant 16 : index
        %get3A_498 = tpu.vector_load %arg6[%get3A_496, %get3A_497] {strides = array<i32>} : memref<128x64xf32, #tpu.memory_space<vmem>>, vector<16xf32>,
        %get3A_499 = arith.index_cast %add3A_490 : i32 to index
        %get3A_500 = arith.constant 32 : index
        %get3A_501 = tpu.vector_load %arg6[%get3A_499, %get3A_500] {strides = array<i32>} : memref<128x64xf32, #tpu.memory_space<vmem>>, vector<16xf32>,
        %get3A_502 = arith.index_cast %add3A_490 : i32 to index
        %get3A_503 = arith.constant 48 : index
        %get3A_504 = tpu.vector_load %arg6[%get3A_502, %get3A_503] {strides = array<i32>} : memref<128x64xf32, #tpu.memory_space<vmem>>, vector<16xf32>,
        tpu.vector_store_idx %arg8[%shift_right_arithmetic3A_13, %and3A_36, %add3A_474], %get3A_477 : memref<8x8x129xf32, #tpu.memory_space<vmem>>[vector<16xi32>, vector<16xi32>, vector<16xi32>], vector<16xf32>,
        tpu.vector_store_idx %arg8[%shift_right_arithmetic3A_19, %and3A_42, %add3A_474], %get3A_480 : memref<8x8x129xf32, #tpu.memory_space<vmem>>[vector<16xi32>, vector<16xi32>, vector<16xi32>], vector<16xf32>,
        tpu.vector_store_idx %arg8[%shift_right_arithmetic3A_25, %and3A_48, %add3A_474], %get3A_483 : memref<8x8x129xf32, #tpu.memory_space<vmem>>[vector<16xi32>, vector<16xi32>, vector<16xi32>], vector<16xf32>,
        tpu.vector_store_idx %arg8[%shift_right_arithmetic3A_31, %and3A_54, %add3A_474], %get3A_486 : memref<8x8x129xf32, #tpu.memory_space<vmem>>[vector<16xi32>, vector<16xi32>, vector<16xi32>], vector<16xf32>,
        %mul3A_505 = arith.constant 8 : i32
        %mul3A_506 = arith.muli %scan3A_414, %mul3A_505 : i32
        %add3A_507 = arith.constant 5 : i32
        %add3A_508 = arith.addi %mul3A_506, %add3A_507 : i32
        %add3A_509 = vector.broadcast %add3A_508 : i32 to vector<16xi32>
        %add3A_510 = arith.addi %min3A_7, %add3A_509 : vector<16xi32>
        %get3A_511 = arith.index_cast %add3A_508 : i32 to index
        %get3A_512 = arith.constant 0 : index
        %get3A_513 = tpu.vector_load %arg6[%get3A_511, %get3A_512] {strides = array<i32>} : memref<128x64xf32, #tpu.memory_space<vmem>>, vector<16xf32>,
        %get3A_514 = arith.index_cast %add3A_508 : i32 to index
        %get3A_515 = arith.constant 16 : index
        %get3A_516 = tpu.vector_load %arg6[%get3A_514, %get3A_515] {strides = array<i32>} : memref<128x64xf32, #tpu.memory_space<vmem>>, vector<16xf32>,
        %get3A_517 = arith.index_cast %add3A_508 : i32 to index
        %get3A_518 = arith.constant 32 : index
        %get3A_519 = tpu.vector_load %arg6[%get3A_517, %get3A_518] {strides = array<i32>} : memref<128x64xf32, #tpu.memory_space<vmem>>, vector<16xf32>,
        %get3A_520 = arith.index_cast %add3A_508 : i32 to index
        %get3A_521 = arith.constant 48 : index
        %get3A_522 = tpu.vector_load %arg6[%get3A_520, %get3A_521] {strides = array<i32>} : memref<128x64xf32, #tpu.memory_space<vmem>>, vector<16xf32>,
        tpu.vector_store_idx %arg8[%shift_right_arithmetic3A_13, %and3A_36, %add3A_492], %get3A_495 : memref<8x8x129xf32, #tpu.memory_space<vmem>>[vector<16xi32>, vector<16xi32>, vector<16xi32>], vector<16xf32>,
        tpu.vector_store_idx %arg8[%shift_right_arithmetic3A_19, %and3A_42, %add3A_492], %get3A_498 : memref<8x8x129xf32, #tpu.memory_space<vmem>>[vector<16xi32>, vector<16xi32>, vector<16xi32>], vector<16xf32>,
        tpu.vector_store_idx %arg8[%shift_right_arithmetic3A_25, %and3A_48, %add3A_492], %get3A_501 : memref<8x8x129xf32, #tpu.memory_space<vmem>>[vector<16xi32>, vector<16xi32>, vector<16xi32>], vector<16xf32>,
        tpu.vector_store_idx %arg8[%shift_right_arithmetic3A_31, %and3A_54, %add3A_492], %get3A_504 : memref<8x8x129xf32, #tpu.memory_space<vmem>>[vector<16xi32>, vector<16xi32>, vector<16xi32>], vector<16xf32>,
        %mul3A_523 = arith.constant 8 : i32
        %mul3A_524 = arith.muli %scan3A_414, %mul3A_523 : i32
        %add3A_525 = arith.constant 6 : i32
        %add3A_526 = arith.addi %mul3A_524, %add3A_525 : i32
        %add3A_527 = vector.broadcast %add3A_526 : i32 to vector<16xi32>
        %add3A_528 = arith.addi %min3A_7, %add3A_527 : vector<16xi32>
        %get3A_529 = arith.index_cast %add3A_526 : i32 to index
        %get3A_530 = arith.constant 0 : index
        %get3A_531 = tpu.vector_load %arg6[%get3A_529, %get3A_530] {strides = array<i32>} : memref<128x64xf32, #tpu.memory_space<vmem>>, vector<16xf32>,
        %get3A_532 = arith.index_cast %add3A_526 : i32 to index
        %get3A_533 = arith.constant 16 : index
        %get3A_534 = tpu.vector_load %arg6[%get3A_532, %get3A_533] {strides = array<i32>} : memref<128x64xf32, #tpu.memory_space<vmem>>, vector<16xf32>,
        %get3A_535 = arith.index_cast %add3A_526 : i32 to index
        %get3A_536 = arith.constant 32 : index
        %get3A_537 = tpu.vector_load %arg6[%get3A_535, %get3A_536] {strides = array<i32>} : memref<128x64xf32, #tpu.memory_space<vmem>>, vector<16xf32>,
        %get3A_538 = arith.index_cast %add3A_526 : i32 to index
        %get3A_539 = arith.constant 48 : index
        %get3A_540 = tpu.vector_load %arg6[%get3A_538, %get3A_539] {strides = array<i32>} : memref<128x64xf32, #tpu.memory_space<vmem>>, vector<16xf32>,
        tpu.vector_store_idx %arg8[%shift_right_arithmetic3A_13, %and3A_36, %add3A_510], %get3A_513 : memref<8x8x129xf32, #tpu.memory_space<vmem>>[vector<16xi32>, vector<16xi32>, vector<16xi32>], vector<16xf32>,
        tpu.vector_store_idx %arg8[%shift_right_arithmetic3A_19, %and3A_42, %add3A_510], %get3A_516 : memref<8x8x129xf32, #tpu.memory_space<vmem>>[vector<16xi32>, vector<16xi32>, vector<16xi32>], vector<16xf32>,
        tpu.vector_store_idx %arg8[%shift_right_arithmetic3A_25, %and3A_48, %add3A_510], %get3A_519 : memref<8x8x129xf32, #tpu.memory_space<vmem>>[vector<16xi32>, vector<16xi32>, vector<16xi32>], vector<16xf32>,
        tpu.vector_store_idx %arg8[%shift_right_arithmetic3A_31, %and3A_54, %add3A_510], %get3A_522 : memref<8x8x129xf32, #tpu.memory_space<vmem>>[vector<16xi32>, vector<16xi32>, vector<16xi32>], vector<16xf32>,
        %mul3A_541 = arith.constant 8 : i32
        %mul3A_542 = arith.muli %scan3A_414, %mul3A_541 : i32
        %add3A_543 = arith.constant 7 : i32
        %add3A_544 = arith.addi %mul3A_542, %add3A_543 : i32
        %add3A_545 = vector.broadcast %add3A_544 : i32 to vector<16xi32>
        %add3A_546 = arith.addi %min3A_7, %add3A_545 : vector<16xi32>
        %get3A_547 = arith.index_cast %add3A_544 : i32 to index
        %get3A_548 = arith.constant 0 : index
        %get3A_549 = tpu.vector_load %arg6[%get3A_547, %get3A_548] {strides = array<i32>} : memref<128x64xf32, #tpu.memory_space<vmem>>, vector<16xf32>,
        %get3A_550 = arith.index_cast %add3A_544 : i32 to index
        %get3A_551 = arith.constant 16 : index
        %get3A_552 = tpu.vector_load %arg6[%get3A_550, %get3A_551] {strides = array<i32>} : memref<128x64xf32, #tpu.memory_space<vmem>>, vector<16xf32>,
        %get3A_553 = arith.index_cast %add3A_544 : i32 to index
        %get3A_554 = arith.constant 32 : index
        %get3A_555 = tpu.vector_load %arg6[%get3A_553, %get3A_554] {strides = array<i32>} : memref<128x64xf32, #tpu.memory_space<vmem>>, vector<16xf32>,
        %get3A_556 = arith.index_cast %add3A_544 : i32 to index
        %get3A_557 = arith.constant 48 : index
        %get3A_558 = tpu.vector_load %arg6[%get3A_556, %get3A_557] {strides = array<i32>} : memref<128x64xf32, #tpu.memory_space<vmem>>, vector<16xf32>,
        tpu.vector_store_idx %arg8[%shift_right_arithmetic3A_13, %and3A_36, %add3A_528], %get3A_531 : memref<8x8x129xf32, #tpu.memory_space<vmem>>[vector<16xi32>, vector<16xi32>, vector<16xi32>], vector<16xf32>,
        tpu.vector_store_idx %arg8[%shift_right_arithmetic3A_19, %and3A_42, %add3A_528], %get3A_534 : memref<8x8x129xf32, #tpu.memory_space<vmem>>[vector<16xi32>, vector<16xi32>, vector<16xi32>], vector<16xf32>,
        tpu.vector_store_idx %arg8[%shift_right_arithmetic3A_25, %and3A_48, %add3A_528], %get3A_537 : memref<8x8x129xf32, #tpu.memory_space<vmem>>[vector<16xi32>, vector<16xi32>, vector<16xi32>], vector<16xf32>,
        tpu.vector_store_idx %arg8[%shift_right_arithmetic3A_31, %and3A_54, %add3A_528], %get3A_540 : memref<8x8x129xf32, #tpu.memory_space<vmem>>[vector<16xi32>, vector<16xi32>, vector<16xi32>], vector<16xf32>,
        tpu.vector_store_idx %arg8[%shift_right_arithmetic3A_13, %and3A_36, %add3A_546], %get3A_549 : memref<8x8x129xf32, #tpu.memory_space<vmem>>[vector<16xi32>, vector<16xi32>, vector<16xi32>], vector<16xf32>,
        tpu.vector_store_idx %arg8[%shift_right_arithmetic3A_19, %and3A_42, %add3A_546], %get3A_552 : memref<8x8x129xf32, #tpu.memory_space<vmem>>[vector<16xi32>, vector<16xi32>, vector<16xi32>], vector<16xf32>,
        tpu.vector_store_idx %arg8[%shift_right_arithmetic3A_25, %and3A_48, %add3A_546], %get3A_555 : memref<8x8x129xf32, #tpu.memory_space<vmem>>[vector<16xi32>, vector<16xi32>, vector<16xi32>], vector<16xf32>,
        tpu.vector_store_idx %arg8[%shift_right_arithmetic3A_31, %and3A_54, %add3A_546], %get3A_558 : memref<8x8x129xf32, #tpu.memory_space<vmem>>[vector<16xi32>, vector<16xi32>, vector<16xi32>], vector<16xf32>,
      }
      %scan3A_325 = arith.constant 16 : i32
      %dma_start3A_326 = arith.constant 0 : i32
      %dma_start3A_327 = arith.constant 0 : i32
      %dma_start3A_328 = arith.constant 0 : i32
      %dma_start3A_329 = tpu.memref_slice %arg8[%dma_start3A_326, %dma_start3A_327, %dma_start3A_328] : memref<8x8x129xf32, #tpu.memory_space<vmem>> -> memref<8x8x128xf32, #tpu.memory_space<vmem>>
      %dma_start3A_330 = arith.constant 0 : i32
      %dma_start3A_331 = arith.constant 0 : i32
      %dma_start3A_332 = arith.constant 0 : i32
      %dma_start3A_333 = tpu.memref_slice %arg4[%add3A_294, %dma_start3A_330, %add3A, %dma_start3A_331, %dma_start3A_332] : memref<50x8x32x8x128xf32, #tpu.memory_space<hbm>> -> memref<1x8x1x8x128xf32, #tpu.memory_space<hbm>>
      %dma_start3A_334 = tpu.memref_squeeze %dma_start3A_333 : memref<1x8x1x8x128xf32, #tpu.memory_space<hbm>> -> memref<8x8x128xf32, #tpu.memory_space<hbm>>
      %dma_start3A_335 = arith.constant 0 : i32
      %dma_start3A_336 = arith.constant 0 : i32
      %dma_start3A_337 = arith.constant 0 : i32
      %dma_start3A_338 = tpu.memref_slice %arg4[%add3A_294, %dma_start3A_335, %add3A, %dma_start3A_336, %dma_start3A_337] : memref<50x8x32x8x128xf32, #tpu.memory_space<hbm>> -> memref<1x8x1x8x128xf32, #tpu.memory_space<hbm>>
      %dma_start3A_339 = tpu.memref_squeeze %dma_start3A_338 : memref<1x8x1x8x128xf32, #tpu.memory_space<hbm>> -> memref<8x8x128xf32, #tpu.memory_space<hbm>>
      %dma_start3A_340 = arith.constant 0 : i32
      %dma_start3A_341 = arith.constant 0 : i32
      %dma_start3A_342 = arith.constant 0 : i32
      %dma_start3A_343 = tpu.memref_slice %arg8[%dma_start3A_340, %dma_start3A_341, %dma_start3A_342] : memref<8x8x129xf32, #tpu.memory_space<vmem>> -> memref<8x8x128xf32, #tpu.memory_space<vmem>>
      tpu.enqueue_dma source(%dma_start3A_343 : memref<8x8x128xf32, #tpu.memory_space<vmem>>) target(%dma_start3A_339 : memref<8x8x128xf32, #tpu.memory_space<hbm>>) target_semaphore(%arg12 : memref<!tpu.dma_semaphore, #tpu.memory_space<semaphore_mem>>)
      %add3A_344 = arith.constant 2 : i32
      %add3A_345 = arith.addi %add3A_294, %add3A_344 : i32
      %dma_start3A_346 = arith.constant 0 : i32
      %dma_start3A_347 = tpu.memref_slice %arg5[%add3A_345, %dma_start3A_346] : memref<50x128xi32, #tpu.memory_space<vmem>> -> memref<1x128xi32, #tpu.memory_space<vmem>>
      %dma_start3A_348 = tpu.memref_squeeze %dma_start3A_347 : memref<1x128xi32, #tpu.memory_space<vmem>> -> memref<128xi32, #tpu.memory_space<vmem>>
      %dma_start3A_349 = arith.constant 0 : i32
      %dma_start3A_350 = arith.constant 0 : i32
      %dma_start3A_351 = tpu.memref_slice %arg2[%dma_start3A_349, %dma_start3A_350] : memref<200000x64xf32, #tpu.memory_space<hbm>> -> memref<200000x64xf32, #tpu.memory_space<hbm>>
      tpu.enqueue_indirect_dma source(%dma_start3A_351 : memref<200000x64xf32, #tpu.memory_space<hbm>>) target(%arg6 : memref<128x64xf32, #tpu.memory_space<vmem>>) offsets(%dma_start3A_348 : memref<128xi32, #tpu.memory_space<vmem>>) semaphore(%arg10 : memref<!tpu.dma_semaphore, #tpu.memory_space<semaphore_mem>>)
      %mul3A_352 = arith.constant 2 : i32
      %mul3A_353 = arith.muli %mul3A_352, %scan3A_290 : i32
      %add3A_354 = arith.constant 1 : i32
      %add3A_355 = arith.addi %mul3A_353, %add3A_354 : i32
      %dma_wait3A_356 = arith.constant 0 : i32
      %dma_wait3A_357 = tpu.memref_slice %arg5[%add3A_355, %dma_wait3A_356] : memref<50x128xi32, #tpu.memory_space<vmem>> -> memref<1x128xi32, #tpu.memory_space<vmem>>
      %dma_wait3A_358 = tpu.memref_squeeze %dma_wait3A_357 : memref<1x128xi32, #tpu.memory_space<vmem>> -> memref<128xi32, #tpu.memory_space<vmem>>
      %dma_wait3A_359 = arith.constant 0 : i32
      %dma_wait3A_360 = arith.constant 0 : i32
      %dma_wait3A_361 = tpu.memref_slice %arg2[%dma_wait3A_359, %dma_wait3A_360] : memref<200000x64xf32, #tpu.memory_space<hbm>> -> memref<200000x64xf32, #tpu.memory_space<hbm>>
      tpu.wait_indirect_dma semaphore(%arg11 : memref<!tpu.dma_semaphore, #tpu.memory_space<semaphore_mem>>) src(%dma_wait3A_361 : memref<200000x64xf32, #tpu.memory_space<hbm>>) dst(%arg7 : memref<128x64xf32, #tpu.memory_space<vmem>>)
      %sub3A_362 = arith.constant 2 : i32
      %sub3A_363 = arith.subi %add3A_355, %sub3A_362 : i32
      %dma_wait3A_364 = arith.constant 0 : i32
      %dma_wait3A_365 = arith.constant 0 : i32
      %dma_wait3A_366 = arith.constant 0 : i32
      %dma_wait3A_367 = tpu.memref_slice %arg9[%dma_wait3A_364, %dma_wait3A_365, %dma_wait3A_366] : memref<8x8x129xf32, #tpu.memory_space<vmem>> -> memref<8x8x128xf32, #tpu.memory_space<vmem>>
      %dma_wait3A_368 = arith.constant 0 : i32
      %dma_wait3A_369 = arith.constant 0 : i32
      %dma_wait3A_370 = arith.constant 0 : i32
      %dma_wait3A_371 = tpu.memref_slice %arg4[%sub3A_363, %dma_wait3A_368, %add3A, %dma_wait3A_369, %dma_wait3A_370] : memref<50x8x32x8x128xf32, #tpu.memory_space<hbm>> -> memref<1x8x1x8x128xf32, #tpu.memory_space<hbm>>
      %dma_wait3A_372 = tpu.memref_squeeze %dma_wait3A_371 : memref<1x8x1x8x128xf32, #tpu.memory_space<hbm>> -> memref<8x8x128xf32, #tpu.memory_space<hbm>>
      %dma_wait3A_373 = arith.constant 0 : i32
      %dma_wait3A_374 = arith.constant 0 : i32
      %dma_wait3A_375 = arith.constant 0 : i32
      %dma_wait3A_376 = tpu.memref_slice %arg4[%sub3A_363, %dma_wait3A_373, %add3A, %dma_wait3A_374, %dma_wait3A_375] : memref<50x8x32x8x128xf32, #tpu.memory_space<hbm>> -> memref<1x8x1x8x128xf32, #tpu.memory_space<hbm>>
      %dma_wait3A_377 = tpu.memref_squeeze %dma_wait3A_376 : memref<1x8x1x8x128xf32, #tpu.memory_space<hbm>> -> memref<8x8x128xf32, #tpu.memory_space<hbm>>
      %dma_wait3A_378 = arith.constant 0 : i32
      %dma_wait3A_379 = arith.constant 0 : i32
      %dma_wait3A_380 = arith.constant 0 : i32
      %dma_wait3A_381 = tpu.memref_slice %arg9[%dma_wait3A_378, %dma_wait3A_379, %dma_wait3A_380] : memref<8x8x129xf32, #tpu.memory_space<vmem>> -> memref<8x8x128xf32, #tpu.memory_space<vmem>>
      tpu.wait_dma2 semaphore(%arg13 : memref<!tpu.dma_semaphore, #tpu.memory_space<semaphore_mem>>) src(%dma_wait3A_381 : memref<8x8x128xf32, #tpu.memory_space<vmem>>) dst(%dma_wait3A_377 : memref<8x8x128xf32, #tpu.memory_space<hbm>>)
      %scan3A_382 = arith.constant 0 : i32
      %scan3A_383 = arith.constant 0 : i32
      %scan3A_384 = arith.constant 16 : i32
      %scan3A_385 = arith.addi %scan3A_383, %scan3A_384 : i32
      %scan3A_386 = arith.constant 1 : i32
      scf.for %scan3A_414 = %scan3A_383 to %scan3A_385 step %scan3A_386  : i32 {
        %mul3A_415 = arith.constant 8 : i32
        %mul3A_416 = arith.muli %scan3A_414, %mul3A_415 : i32
        %add3A_417 = arith.constant 0 : i32
        %add3A_418 = arith.addi %mul3A_416, %add3A_417 : i32
        %add3A_419 = vector.broadcast %add3A_418 : i32 to vector<16xi32>
        %add3A_420 = arith.addi %min3A_7, %add3A_419 : vector<16xi32>
        %get3A_421 = arith.index_cast %add3A_418 : i32 to index
        %get3A_422 = arith.constant 0 : index
        %get3A_423 = tpu.vector_load %arg7[%get3A_421, %get3A_422] {strides = array<i32>} : memref<128x64xf32, #tpu.memory_space<vmem>>, vector<16xf32>,
        %get3A_424 = arith.index_cast %add3A_418 : i32 to index
        %get3A_425 = arith.constant 16 : index
        %get3A_426 = tpu.vector_load %arg7[%get3A_424, %get3A_425] {strides = array<i32>} : memref<128x64xf32, #tpu.memory_space<vmem>>, vector<16xf32>,
        %get3A_427 = arith.index_cast %add3A_418 : i32 to index
        %get3A_428 = arith.constant 32 : index
        %get3A_429 = tpu.vector_load %arg7[%get3A_427, %get3A_428] {strides = array<i32>} : memref<128x64xf32, #tpu.memory_space<vmem>>, vector<16xf32>,
        %get3A_430 = arith.index_cast %add3A_418 : i32 to index
        %get3A_431 = arith.constant 48 : index
        %get3A_432 = tpu.vector_load %arg7[%get3A_430, %get3A_431] {strides = array<i32>} : memref<128x64xf32, #tpu.memory_space<vmem>>, vector<16xf32>,
        %mul3A_433 = arith.constant 8 : i32
        %mul3A_434 = arith.muli %scan3A_414, %mul3A_433 : i32
        %add3A_435 = arith.constant 1 : i32
        %add3A_436 = arith.addi %mul3A_434, %add3A_435 : i32
        %add3A_437 = vector.broadcast %add3A_436 : i32 to vector<16xi32>
        %add3A_438 = arith.addi %min3A_7, %add3A_437 : vector<16xi32>
        %get3A_439 = arith.index_cast %add3A_436 : i32 to index
        %get3A_440 = arith.constant 0 : index
        %get3A_441 = tpu.vector_load %arg7[%get3A_439, %get3A_440] {strides = array<i32>} : memref<128x64xf32, #tpu.memory_space<vmem>>, vector<16xf32>,
        %get3A_442 = arith.index_cast %add3A_436 : i32 to index
        %get3A_443 = arith.constant 16 : index
        %get3A_444 = tpu.vector_load %arg7[%get3A_442, %get3A_443] {strides = array<i32>} : memref<128x64xf32, #tpu.memory_space<vmem>>, vector<16xf32>,
        %get3A_445 = arith.index_cast %add3A_436 : i32 to index
        %get3A_446 = arith.constant 32 : index
        %get3A_447 = tpu.vector_load %arg7[%get3A_445, %get3A_446] {strides = array<i32>} : memref<128x64xf32, #tpu.memory_space<vmem>>, vector<16xf32>,
        %get3A_448 = arith.index_cast %add3A_436 : i32 to index
        %get3A_449 = arith.constant 48 : index
        %get3A_450 = tpu.vector_load %arg7[%get3A_448, %get3A_449] {strides = array<i32>} : memref<128x64xf32, #tpu.memory_space<vmem>>, vector<16xf32>,
        tpu.vector_store_idx %arg9[%shift_right_arithmetic3A_13, %and3A_36, %add3A_420], %get3A_423 : memref<8x8x129xf32, #tpu.memory_space<vmem>>[vector<16xi32>, vector<16xi32>, vector<16xi32>], vector<16xf32>,
        tpu.vector_store_idx %arg9[%shift_right_arithmetic3A_19, %and3A_42, %add3A_420], %get3A_426 : memref<8x8x129xf32, #tpu.memory_space<vmem>>[vector<16xi32>, vector<16xi32>, vector<16xi32>], vector<16xf32>,
        tpu.vector_store_idx %arg9[%shift_right_arithmetic3A_25, %and3A_48, %add3A_420], %get3A_429 : memref<8x8x129xf32, #tpu.memory_space<vmem>>[vector<16xi32>, vector<16xi32>, vector<16xi32>], vector<16xf32>,
        tpu.vector_store_idx %arg9[%shift_right_arithmetic3A_31, %and3A_54, %add3A_420], %get3A_432 : memref<8x8x129xf32, #tpu.memory_space<vmem>>[vector<16xi32>, vector<16xi32>, vector<16xi32>], vector<16xf32>,
        %mul3A_451 = arith.constant 8 : i32
        %mul3A_452 = arith.muli %scan3A_414, %mul3A_451 : i32
        %add3A_453 = arith.constant 2 : i32
        %add3A_454 = arith.addi %mul3A_452, %add3A_453 : i32
        %add3A_455 = vector.broadcast %add3A_454 : i32 to vector<16xi32>
        %add3A_456 = arith.addi %min3A_7, %add3A_455 : vector<16xi32>
        %get3A_457 = arith.index_cast %add3A_454 : i32 to index
        %get3A_458 = arith.constant 0 : index
        %get3A_459 = tpu.vector_load %arg7[%get3A_457, %get3A_458] {strides = array<i32>} : memref<128x64xf32, #tpu.memory_space<vmem>>, vector<16xf32>,
        %get3A_460 = arith.index_cast %add3A_454 : i32 to index
        %get3A_461 = arith.constant 16 : index
        %get3A_462 = tpu.vector_load %arg7[%get3A_460, %get3A_461] {strides = array<i32>} : memref<128x64xf32, #tpu.memory_space<vmem>>, vector<16xf32>,
        %get3A_463 = arith.index_cast %add3A_454 : i32 to index
        %get3A_464 = arith.constant 32 : index
        %get3A_465 = tpu.vector_load %arg7[%get3A_463, %get3A_464] {strides = array<i32>} : memref<128x64xf32, #tpu.memory_space<vmem>>, vector<16xf32>,
        %get3A_466 = arith.index_cast %add3A_454 : i32 to index
        %get3A_467 = arith.constant 48 : index
        %get3A_468 = tpu.vector_load %arg7[%get3A_466, %get3A_467] {strides = array<i32>} : memref<128x64xf32, #tpu.memory_space<vmem>>, vector<16xf32>,
        tpu.vector_store_idx %arg9[%shift_right_arithmetic3A_13, %and3A_36, %add3A_438], %get3A_441 : memref<8x8x129xf32, #tpu.memory_space<vmem>>[vector<16xi32>, vector<16xi32>, vector<16xi32>], vector<16xf32>,
        tpu.vector_store_idx %arg9[%shift_right_arithmetic3A_19, %and3A_42, %add3A_438], %get3A_444 : memref<8x8x129xf32, #tpu.memory_space<vmem>>[vector<16xi32>, vector<16xi32>, vector<16xi32>], vector<16xf32>,
        tpu.vector_store_idx %arg9[%shift_right_arithmetic3A_25, %and3A_48, %add3A_438], %get3A_447 : memref<8x8x129xf32, #tpu.memory_space<vmem>>[vector<16xi32>, vector<16xi32>, vector<16xi32>], vector<16xf32>,
        tpu.vector_store_idx %arg9[%shift_right_arithmetic3A_31, %and3A_54, %add3A_438], %get3A_450 : memref<8x8x129xf32, #tpu.memory_space<vmem>>[vector<16xi32>, vector<16xi32>, vector<16xi32>], vector<16xf32>,
        %mul3A_469 = arith.constant 8 : i32
        %mul3A_470 = arith.muli %scan3A_414, %mul3A_469 : i32
        %add3A_471 = arith.constant 3 : i32
        %add3A_472 = arith.addi %mul3A_470, %add3A_471 : i32
        %add3A_473 = vector.broadcast %add3A_472 : i32 to vector<16xi32>
        %add3A_474 = arith.addi %min3A_7, %add3A_473 : vector<16xi32>
        %get3A_475 = arith.index_cast %add3A_472 : i32 to index
        %get3A_476 = arith.constant 0 : index
        %get3A_477 = tpu.vector_load %arg7[%get3A_475, %get3A_476] {strides = array<i32>} : memref<128x64xf32, #tpu.memory_space<vmem>>, vector<16xf32>,
        %get3A_478 = arith.index_cast %add3A_472 : i32 to index
        %get3A_479 = arith.constant 16 : index
        %get3A_480 = tpu.vector_load %arg7[%get3A_478, %get3A_479] {strides = array<i32>} : memref<128x64xf32, #tpu.memory_space<vmem>>, vector<16xf32>,
        %get3A_481 = arith.index_cast %add3A_472 : i32 to index
        %get3A_482 = arith.constant 32 : index
        %get3A_483 = tpu.vector_load %arg7[%get3A_481, %get3A_482] {strides = array<i32>} : memref<128x64xf32, #tpu.memory_space<vmem>>, vector<16xf32>,
        %get3A_484 = arith.index_cast %add3A_472 : i32 to index
        %get3A_485 = arith.constant 48 : index
        %get3A_486 = tpu.vector_load %arg7[%get3A_484, %get3A_485] {strides = array<i32>} : memref<128x64xf32, #tpu.memory_space<vmem>>, vector<16xf32>,
        tpu.vector_store_idx %arg9[%shift_right_arithmetic3A_13, %and3A_36, %add3A_456], %get3A_459 : memref<8x8x129xf32, #tpu.memory_space<vmem>>[vector<16xi32>, vector<16xi32>, vector<16xi32>], vector<16xf32>,
        tpu.vector_store_idx %arg9[%shift_right_arithmetic3A_19, %and3A_42, %add3A_456], %get3A_462 : memref<8x8x129xf32, #tpu.memory_space<vmem>>[vector<16xi32>, vector<16xi32>, vector<16xi32>], vector<16xf32>,
        tpu.vector_store_idx %arg9[%shift_right_arithmetic3A_25, %and3A_48, %add3A_456], %get3A_465 : memref<8x8x129xf32, #tpu.memory_space<vmem>>[vector<16xi32>, vector<16xi32>, vector<16xi32>], vector<16xf32>,
        tpu.vector_store_idx %arg9[%shift_right_arithmetic3A_31, %and3A_54, %add3A_456], %get3A_468 : memref<8x8x129xf32, #tpu.memory_space<vmem>>[vector<16xi32>, vector<16xi32>, vector<16xi32>], vector<16xf32>,
        %mul3A_487 = arith.constant 8 : i32
        %mul3A_488 = arith.muli %scan3A_414, %mul3A_487 : i32
        %add3A_489 = arith.constant 4 : i32
        %add3A_490 = arith.addi %mul3A_488, %add3A_489 : i32
        %add3A_491 = vector.broadcast %add3A_490 : i32 to vector<16xi32>
        %add3A_492 = arith.addi %min3A_7, %add3A_491 : vector<16xi32>
        %get3A_493 = arith.index_cast %add3A_490 : i32 to index
        %get3A_494 = arith.constant 0 : index
        %get3A_495 = tpu.vector_load %arg7[%get3A_493, %get3A_494] {strides = array<i32>} : memref<128x64xf32, #tpu.memory_space<vmem>>, vector<16xf32>,
        %get3A_496 = arith.index_cast %add3A_490 : i32 to index
        %get3A_497 = arith.constant 16 : index
        %get3A_498 = tpu.vector_load %arg7[%get3A_496, %get3A_497] {strides = array<i32>} : memref<128x64xf32, #tpu.memory_space<vmem>>, vector<16xf32>,
        %get3A_499 = arith.index_cast %add3A_490 : i32 to index
        %get3A_500 = arith.constant 32 : index
        %get3A_501 = tpu.vector_load %arg7[%get3A_499, %get3A_500] {strides = array<i32>} : memref<128x64xf32, #tpu.memory_space<vmem>>, vector<16xf32>,
        %get3A_502 = arith.index_cast %add3A_490 : i32 to index
        %get3A_503 = arith.constant 48 : index
        %get3A_504 = tpu.vector_load %arg7[%get3A_502, %get3A_503] {strides = array<i32>} : memref<128x64xf32, #tpu.memory_space<vmem>>, vector<16xf32>,
        tpu.vector_store_idx %arg9[%shift_right_arithmetic3A_13, %and3A_36, %add3A_474], %get3A_477 : memref<8x8x129xf32, #tpu.memory_space<vmem>>[vector<16xi32>, vector<16xi32>, vector<16xi32>], vector<16xf32>,
        tpu.vector_store_idx %arg9[%shift_right_arithmetic3A_19, %and3A_42, %add3A_474], %get3A_480 : memref<8x8x129xf32, #tpu.memory_space<vmem>>[vector<16xi32>, vector<16xi32>, vector<16xi32>], vector<16xf32>,
        tpu.vector_store_idx %arg9[%shift_right_arithmetic3A_25, %and3A_48, %add3A_474], %get3A_483 : memref<8x8x129xf32, #tpu.memory_space<vmem>>[vector<16xi32>, vector<16xi32>, vector<16xi32>], vector<16xf32>,
        tpu.vector_store_idx %arg9[%shift_right_arithmetic3A_31, %and3A_54, %add3A_474], %get3A_486 : memref<8x8x129xf32, #tpu.memory_space<vmem>>[vector<16xi32>, vector<16xi32>, vector<16xi32>], vector<16xf32>,
        %mul3A_505 = arith.constant 8 : i32
        %mul3A_506 = arith.muli %scan3A_414, %mul3A_505 : i32
        %add3A_507 = arith.constant 5 : i32
        %add3A_508 = arith.addi %mul3A_506, %add3A_507 : i32
        %add3A_509 = vector.broadcast %add3A_508 : i32 to vector<16xi32>
        %add3A_510 = arith.addi %min3A_7, %add3A_509 : vector<16xi32>
        %get3A_511 = arith.index_cast %add3A_508 : i32 to index
        %get3A_512 = arith.constant 0 : index
        %get3A_513 = tpu.vector_load %arg7[%get3A_511, %get3A_512] {strides = array<i32>} : memref<128x64xf32, #tpu.memory_space<vmem>>, vector<16xf32>,
        %get3A_514 = arith.index_cast %add3A_508 : i32 to index
        %get3A_515 = arith.constant 16 : index
        %get3A_516 = tpu.vector_load %arg7[%get3A_514, %get3A_515] {strides = array<i32>} : memref<128x64xf32, #tpu.memory_space<vmem>>, vector<16xf32>,
        %get3A_517 = arith.index_cast %add3A_508 : i32 to index
        %get3A_518 = arith.constant 32 : index
        %get3A_519 = tpu.vector_load %arg7[%get3A_517, %get3A_518] {strides = array<i32>} : memref<128x64xf32, #tpu.memory_space<vmem>>, vector<16xf32>,
        %get3A_520 = arith.index_cast %add3A_508 : i32 to index
        %get3A_521 = arith.constant 48 : index
        %get3A_522 = tpu.vector_load %arg7[%get3A_520, %get3A_521] {strides = array<i32>} : memref<128x64xf32, #tpu.memory_space<vmem>>, vector<16xf32>,
        tpu.vector_store_idx %arg9[%shift_right_arithmetic3A_13, %and3A_36, %add3A_492], %get3A_495 : memref<8x8x129xf32, #tpu.memory_space<vmem>>[vector<16xi32>, vector<16xi32>, vector<16xi32>], vector<16xf32>,
        tpu.vector_store_idx %arg9[%shift_right_arithmetic3A_19, %and3A_42, %add3A_492], %get3A_498 : memref<8x8x129xf32, #tpu.memory_space<vmem>>[vector<16xi32>, vector<16xi32>, vector<16xi32>], vector<16xf32>,
        tpu.vector_store_idx %arg9[%shift_right_arithmetic3A_25, %and3A_48, %add3A_492], %get3A_501 : memref<8x8x129xf32, #tpu.memory_space<vmem>>[vector<16xi32>, vector<16xi32>, vector<16xi32>], vector<16xf32>,
        tpu.vector_store_idx %arg9[%shift_right_arithmetic3A_31, %and3A_54, %add3A_492], %get3A_504 : memref<8x8x129xf32, #tpu.memory_space<vmem>>[vector<16xi32>, vector<16xi32>, vector<16xi32>], vector<16xf32>,
        %mul3A_523 = arith.constant 8 : i32
        %mul3A_524 = arith.muli %scan3A_414, %mul3A_523 : i32
        %add3A_525 = arith.constant 6 : i32
        %add3A_526 = arith.addi %mul3A_524, %add3A_525 : i32
        %add3A_527 = vector.broadcast %add3A_526 : i32 to vector<16xi32>
        %add3A_528 = arith.addi %min3A_7, %add3A_527 : vector<16xi32>
        %get3A_529 = arith.index_cast %add3A_526 : i32 to index
        %get3A_530 = arith.constant 0 : index
        %get3A_531 = tpu.vector_load %arg7[%get3A_529, %get3A_530] {strides = array<i32>} : memref<128x64xf32, #tpu.memory_space<vmem>>, vector<16xf32>,
        %get3A_532 = arith.index_cast %add3A_526 : i32 to index
        %get3A_533 = arith.constant 16 : index
        %get3A_534 = tpu.vector_load %arg7[%get3A_532, %get3A_533] {strides = array<i32>} : memref<128x64xf32, #tpu.memory_space<vmem>>, vector<16xf32>,
        %get3A_535 = arith.index_cast %add3A_526 : i32 to index
        %get3A_536 = arith.constant 32 : index
        %get3A_537 = tpu.vector_load %arg7[%get3A_535, %get3A_536] {strides = array<i32>} : memref<128x64xf32, #tpu.memory_space<vmem>>, vector<16xf32>,
        %get3A_538 = arith.index_cast %add3A_526 : i32 to index
        %get3A_539 = arith.constant 48 : index
        %get3A_540 = tpu.vector_load %arg7[%get3A_538, %get3A_539] {strides = array<i32>} : memref<128x64xf32, #tpu.memory_space<vmem>>, vector<16xf32>,
        tpu.vector_store_idx %arg9[%shift_right_arithmetic3A_13, %and3A_36, %add3A_510], %get3A_513 : memref<8x8x129xf32, #tpu.memory_space<vmem>>[vector<16xi32>, vector<16xi32>, vector<16xi32>], vector<16xf32>,
        tpu.vector_store_idx %arg9[%shift_right_arithmetic3A_19, %and3A_42, %add3A_510], %get3A_516 : memref<8x8x129xf32, #tpu.memory_space<vmem>>[vector<16xi32>, vector<16xi32>, vector<16xi32>], vector<16xf32>,
        tpu.vector_store_idx %arg9[%shift_right_arithmetic3A_25, %and3A_48, %add3A_510], %get3A_519 : memref<8x8x129xf32, #tpu.memory_space<vmem>>[vector<16xi32>, vector<16xi32>, vector<16xi32>], vector<16xf32>,
        tpu.vector_store_idx %arg9[%shift_right_arithmetic3A_31, %and3A_54, %add3A_510], %get3A_522 : memref<8x8x129xf32, #tpu.memory_space<vmem>>[vector<16xi32>, vector<16xi32>, vector<16xi32>], vector<16xf32>,
        %mul3A_541 = arith.constant 8 : i32
        %mul3A_542 = arith.muli %scan3A_414, %mul3A_541 : i32
        %add3A_543 = arith.constant 7 : i32
        %add3A_544 = arith.addi %mul3A_542, %add3A_543 : i32
        %add3A_545 = vector.broadcast %add3A_544 : i32 to vector<16xi32>
        %add3A_546 = arith.addi %min3A_7, %add3A_545 : vector<16xi32>
        %get3A_547 = arith.index_cast %add3A_544 : i32 to index
        %get3A_548 = arith.constant 0 : index
        %get3A_549 = tpu.vector_load %arg7[%get3A_547, %get3A_548] {strides = array<i32>} : memref<128x64xf32, #tpu.memory_space<vmem>>, vector<16xf32>,
        %get3A_550 = arith.index_cast %add3A_544 : i32 to index
        %get3A_551 = arith.constant 16 : index
        %get3A_552 = tpu.vector_load %arg7[%get3A_550, %get3A_551] {strides = array<i32>} : memref<128x64xf32, #tpu.memory_space<vmem>>, vector<16xf32>,
        %get3A_553 = arith.index_cast %add3A_544 : i32 to index
        %get3A_554 = arith.constant 32 : index
        %get3A_555 = tpu.vector_load %arg7[%get3A_553, %get3A_554] {strides = array<i32>} : memref<128x64xf32, #tpu.memory_space<vmem>>, vector<16xf32>,
        %get3A_556 = arith.index_cast %add3A_544 : i32 to index
        %get3A_557 = arith.constant 48 : index
        %get3A_558 = tpu.vector_load %arg7[%get3A_556, %get3A_557] {strides = array<i32>} : memref<128x64xf32, #tpu.memory_space<vmem>>, vector<16xf32>,
        tpu.vector_store_idx %arg9[%shift_right_arithmetic3A_13, %and3A_36, %add3A_528], %get3A_531 : memref<8x8x129xf32, #tpu.memory_space<vmem>>[vector<16xi32>, vector<16xi32>, vector<16xi32>], vector<16xf32>,
        tpu.vector_store_idx %arg9[%shift_right_arithmetic3A_19, %and3A_42, %add3A_528], %get3A_534 : memref<8x8x129xf32, #tpu.memory_space<vmem>>[vector<16xi32>, vector<16xi32>, vector<16xi32>], vector<16xf32>,
        tpu.vector_store_idx %arg9[%shift_right_arithmetic3A_25, %and3A_48, %add3A_528], %get3A_537 : memref<8x8x129xf32, #tpu.memory_space<vmem>>[vector<16xi32>, vector<16xi32>, vector<16xi32>], vector<16xf32>,
        tpu.vector_store_idx %arg9[%shift_right_arithmetic3A_31, %and3A_54, %add3A_528], %get3A_540 : memref<8x8x129xf32, #tpu.memory_space<vmem>>[vector<16xi32>, vector<16xi32>, vector<16xi32>], vector<16xf32>,
        tpu.vector_store_idx %arg9[%shift_right_arithmetic3A_13, %and3A_36, %add3A_546], %get3A_549 : memref<8x8x129xf32, #tpu.memory_space<vmem>>[vector<16xi32>, vector<16xi32>, vector<16xi32>], vector<16xf32>,
        tpu.vector_store_idx %arg9[%shift_right_arithmetic3A_19, %and3A_42, %add3A_546], %get3A_552 : memref<8x8x129xf32, #tpu.memory_space<vmem>>[vector<16xi32>, vector<16xi32>, vector<16xi32>], vector<16xf32>,
        tpu.vector_store_idx %arg9[%shift_right_arithmetic3A_25, %and3A_48, %add3A_546], %get3A_555 : memref<8x8x129xf32, #tpu.memory_space<vmem>>[vector<16xi32>, vector<16xi32>, vector<16xi32>], vector<16xf32>,
        tpu.vector_store_idx %arg9[%shift_right_arithmetic3A_31, %and3A_54, %add3A_546], %get3A_558 : memref<8x8x129xf32, #tpu.memory_space<vmem>>[vector<16xi32>, vector<16xi32>, vector<16xi32>], vector<16xf32>,
      }
      %scan3A_387 = arith.constant 16 : i32
      %dma_start3A_388 = arith.constant 0 : i32
      %dma_start3A_389 = arith.constant 0 : i32
      %dma_start3A_390 = arith.constant 0 : i32
      %dma_start3A_391 = tpu.memref_slice %arg9[%dma_start3A_388, %dma_start3A_389, %dma_start3A_390] : memref<8x8x129xf32, #tpu.memory_space<vmem>> -> memref<8x8x128xf32, #tpu.memory_space<vmem>>
      %dma_start3A_392 = arith.constant 0 : i32
      %dma_start3A_393 = arith.constant 0 : i32
      %dma_start3A_394 = arith.constant 0 : i32
      %dma_start3A_395 = tpu.memref_slice %arg4[%add3A_355, %dma_start3A_392, %add3A, %dma_start3A_393, %dma_start3A_394] : memref<50x8x32x8x128xf32, #tpu.memory_space<hbm>> -> memref<1x8x1x8x128xf32, #tpu.memory_space<hbm>>
      %dma_start3A_396 = tpu.memref_squeeze %dma_start3A_395 : memref<1x8x1x8x128xf32, #tpu.memory_space<hbm>> -> memref<8x8x128xf32, #tpu.memory_space<hbm>>
      %dma_start3A_397 = arith.constant 0 : i32
      %dma_start3A_398 = arith.constant 0 : i32
      %dma_start3A_399 = arith.constant 0 : i32
      %dma_start3A_400 = tpu.memref_slice %arg4[%add3A_355, %dma_start3A_397, %add3A, %dma_start3A_398, %dma_start3A_399] : memref<50x8x32x8x128xf32, #tpu.memory_space<hbm>> -> memref<1x8x1x8x128xf32, #tpu.memory_space<hbm>>
      %dma_start3A_401 = tpu.memref_squeeze %dma_start3A_400 : memref<1x8x1x8x128xf32, #tpu.memory_space<hbm>> -> memref<8x8x128xf32, #tpu.memory_space<hbm>>
      %dma_start3A_402 = arith.constant 0 : i32
      %dma_start3A_403 = arith.constant 0 : i32
      %dma_start3A_404 = arith.constant 0 : i32
      %dma_start3A_405 = tpu.memref_slice %arg9[%dma_start3A_402, %dma_start3A_403, %dma_start3A_404] : memref<8x8x129xf32, #tpu.memory_space<vmem>> -> memref<8x8x128xf32, #tpu.memory_space<vmem>>
      tpu.enqueue_dma source(%dma_start3A_405 : memref<8x8x128xf32, #tpu.memory_space<vmem>>) target(%dma_start3A_401 : memref<8x8x128xf32, #tpu.memory_space<hbm>>) target_semaphore(%arg13 : memref<!tpu.dma_semaphore, #tpu.memory_space<semaphore_mem>>)
      %add3A_406 = arith.constant 2 : i32
      %add3A_407 = arith.addi %add3A_355, %add3A_406 : i32
      %dma_start3A_408 = arith.constant 0 : i32
      %dma_start3A_409 = tpu.memref_slice %arg5[%add3A_407, %dma_start3A_408] : memref<50x128xi32, #tpu.memory_space<vmem>> -> memref<1x128xi32, #tpu.memory_space<vmem>>
      %dma_start3A_410 = tpu.memref_squeeze %dma_start3A_409 : memref<1x128xi32, #tpu.memory_space<vmem>> -> memref<128xi32, #tpu.memory_space<vmem>>
      %dma_start3A_411 = arith.constant 0 : i32
      %dma_start3A_412 = arith.constant 0 : i32
      %dma_start3A_413 = tpu.memref_slice %arg2[%dma_start3A_411, %dma_start3A_412] : memref<200000x64xf32, #tpu.memory_space<hbm>> -> memref<200000x64xf32, #tpu.memory_space<hbm>>
      tpu.enqueue_indirect_dma source(%dma_start3A_413 : memref<200000x64xf32, #tpu.memory_space<hbm>>) target(%arg7 : memref<128x64xf32, #tpu.memory_space<vmem>>) offsets(%dma_start3A_410 : memref<128xi32, #tpu.memory_space<vmem>>) semaphore(%arg11 : memref<!tpu.dma_semaphore, #tpu.memory_space<semaphore_mem>>)
    }
    %scan3A_149 = arith.constant 23 : i32
    %dma_wait3A_150 = arith.constant 48 : i32
    %dma_wait3A_151 = arith.constant 0 : i32
    %dma_wait3A_152 = tpu.memref_slice %arg5[%dma_wait3A_150, %dma_wait3A_151] : memref<50x128xi32, #tpu.memory_space<vmem>> -> memref<1x128xi32, #tpu.memory_space<vmem>>
    %dma_wait3A_153 = tpu.memref_squeeze %dma_wait3A_152 : memref<1x128xi32, #tpu.memory_space<vmem>> -> memref<128xi32, #tpu.memory_space<vmem>>
    %dma_wait3A_154 = arith.constant 0 : i32
    %dma_wait3A_155 = arith.constant 0 : i32
    %dma_wait3A_156 = tpu.memref_slice %arg2[%dma_wait3A_154, %dma_wait3A_155] : memref<200000x64xf32, #tpu.memory_space<hbm>> -> memref<200000x64xf32, #tpu.memory_space<hbm>>
    tpu.wait_indirect_dma semaphore(%arg10 : memref<!tpu.dma_semaphore, #tpu.memory_space<semaphore_mem>>) src(%dma_wait3A_156 : memref<200000x64xf32, #tpu.memory_space<hbm>>) dst(%arg6 : memref<128x64xf32, #tpu.memory_space<vmem>>)
    %dma_wait3A_157 = arith.constant 46 : i32
    %dma_wait3A_158 = arith.constant 0 : i32
    %dma_wait3A_159 = arith.constant 0 : i32
    %dma_wait3A_160 = arith.constant 0 : i32
    %dma_wait3A_161 = tpu.memref_slice %arg8[%dma_wait3A_158, %dma_wait3A_159, %dma_wait3A_160] : memref<8x8x129xf32, #tpu.memory_space<vmem>> -> memref<8x8x128xf32, #tpu.memory_space<vmem>>
    %dma_wait3A_162 = arith.constant 0 : i32
    %dma_wait3A_163 = arith.constant 0 : i32
    %dma_wait3A_164 = arith.constant 0 : i32
    %dma_wait3A_165 = tpu.memref_slice %arg4[%dma_wait3A_157, %dma_wait3A_162, %add3A, %dma_wait3A_163, %dma_wait3A_164] : memref<50x8x32x8x128xf32, #tpu.memory_space<hbm>> -> memref<1x8x1x8x128xf32, #tpu.memory_space<hbm>>
    %dma_wait3A_166 = tpu.memref_squeeze %dma_wait3A_165 : memref<1x8x1x8x128xf32, #tpu.memory_space<hbm>> -> memref<8x8x128xf32, #tpu.memory_space<hbm>>
    %dma_wait3A_167 = arith.constant 0 : i32
    %dma_wait3A_168 = arith.constant 0 : i32
    %dma_wait3A_169 = arith.constant 0 : i32
    %dma_wait3A_170 = tpu.memref_slice %arg4[%dma_wait3A_157, %dma_wait3A_167, %add3A, %dma_wait3A_168, %dma_wait3A_169] : memref<50x8x32x8x128xf32, #tpu.memory_space<hbm>> -> memref<1x8x1x8x128xf32, #tpu.memory_space<hbm>>
    %dma_wait3A_171 = tpu.memref_squeeze %dma_wait3A_170 : memref<1x8x1x8x128xf32, #tpu.memory_space<hbm>> -> memref<8x8x128xf32, #tpu.memory_space<hbm>>
    %dma_wait3A_172 = arith.constant 0 : i32
    %dma_wait3A_173 = arith.constant 0 : i32
    %dma_wait3A_174 = arith.constant 0 : i32
    %dma_wait3A_175 = tpu.memref_slice %arg8[%dma_wait3A_172, %dma_wait3A_173, %dma_wait3A_174] : memref<8x8x129xf32, #tpu.memory_space<vmem>> -> memref<8x8x128xf32, #tpu.memory_space<vmem>>
    tpu.wait_dma2 semaphore(%arg12 : memref<!tpu.dma_semaphore, #tpu.memory_space<semaphore_mem>>) src(%dma_wait3A_175 : memref<8x8x128xf32, #tpu.memory_space<vmem>>) dst(%dma_wait3A_171 : memref<8x8x128xf32, #tpu.memory_space<hbm>>)
    %scan3A_176 = arith.constant 0 : i32
    %scan3A_177 = arith.constant 0 : i32
    %scan3A_178 = arith.constant 16 : i32
    %scan3A_179 = arith.addi %scan3A_177, %scan3A_178 : i32
    %scan3A_180 = arith.constant 1 : i32
    scf.for %scan3A_290 = %scan3A_177 to %scan3A_179 step %scan3A_180  : i32 {
      %mul3A_291 = arith.constant 8 : i32
      %mul3A_292 = arith.muli %scan3A_290, %mul3A_291 : i32
      %add3A_293 = arith.constant 0 : i32
      %add3A_294 = arith.addi %mul3A_292, %add3A_293 : i32
      %add3A_295 = vector.broadcast %add3A_294 : i32 to vector<16xi32>
      %add3A_296 = arith.addi %min3A_7, %add3A_295 : vector<16xi32>
      %get3A_297 = arith.index_cast %add3A_294 : i32 to index
      %get3A_298 = arith.constant 0 : index
      %get3A_299 = tpu.vector_load %arg6[%get3A_297, %get3A_298] {strides = array<i32>} : memref<128x64xf32, #tpu.memory_space<vmem>>, vector<16xf32>,
      %get3A_300 = arith.index_cast %add3A_294 : i32 to index
      %get3A_301 = arith.constant 16 : index
      %get3A_302 = tpu.vector_load %arg6[%get3A_300, %get3A_301] {strides = array<i32>} : memref<128x64xf32, #tpu.memory_space<vmem>>, vector<16xf32>,
      %get3A_303 = arith.index_cast %add3A_294 : i32 to index
      %get3A_304 = arith.constant 32 : index
      %get3A_305 = tpu.vector_load %arg6[%get3A_303, %get3A_304] {strides = array<i32>} : memref<128x64xf32, #tpu.memory_space<vmem>>, vector<16xf32>,
      %get3A_306 = arith.index_cast %add3A_294 : i32 to index
      %get3A_307 = arith.constant 48 : index
      %get3A_308 = tpu.vector_load %arg6[%get3A_306, %get3A_307] {strides = array<i32>} : memref<128x64xf32, #tpu.memory_space<vmem>>, vector<16xf32>,
      %mul3A_309 = arith.constant 8 : i32
      %mul3A_310 = arith.muli %scan3A_290, %mul3A_309 : i32
      %add3A_311 = arith.constant 1 : i32
      %add3A_312 = arith.addi %mul3A_310, %add3A_311 : i32
      %add3A_313 = vector.broadcast %add3A_312 : i32 to vector<16xi32>
      %add3A_314 = arith.addi %min3A_7, %add3A_313 : vector<16xi32>
      %get3A_315 = arith.index_cast %add3A_312 : i32 to index
      %get3A_316 = arith.constant 0 : index
      %get3A_317 = tpu.vector_load %arg6[%get3A_315, %get3A_316] {strides = array<i32>} : memref<128x64xf32, #tpu.memory_space<vmem>>, vector<16xf32>,
      %get3A_318 = arith.index_cast %add3A_312 : i32 to index
      %get3A_319 = arith.constant 16 : index
      %get3A_320 = tpu.vector_load %arg6[%get3A_318, %get3A_319] {strides = array<i32>} : memref<128x64xf32, #tpu.memory_space<vmem>>, vector<16xf32>,
      %get3A_321 = arith.index_cast %add3A_312 : i32 to index
      %get3A_322 = arith.constant 32 : index
      %get3A_323 = tpu.vector_load %arg6[%get3A_321, %get3A_322] {strides = array<i32>} : memref<128x64xf32, #tpu.memory_space<vmem>>, vector<16xf32>,
      %get3A_324 = arith.index_cast %add3A_312 : i32 to index
      %get3A_325 = arith.constant 48 : index
      %get3A_326 = tpu.vector_load %arg6[%get3A_324, %get3A_325] {strides = array<i32>} : memref<128x64xf32, #tpu.memory_space<vmem>>, vector<16xf32>,
      tpu.vector_store_idx %arg8[%shift_right_arithmetic3A_13, %and3A_36, %add3A_296], %get3A_299 : memref<8x8x129xf32, #tpu.memory_space<vmem>>[vector<16xi32>, vector<16xi32>, vector<16xi32>], vector<16xf32>,
      tpu.vector_store_idx %arg8[%shift_right_arithmetic3A_19, %and3A_42, %add3A_296], %get3A_302 : memref<8x8x129xf32, #tpu.memory_space<vmem>>[vector<16xi32>, vector<16xi32>, vector<16xi32>], vector<16xf32>,
      tpu.vector_store_idx %arg8[%shift_right_arithmetic3A_25, %and3A_48, %add3A_296], %get3A_305 : memref<8x8x129xf32, #tpu.memory_space<vmem>>[vector<16xi32>, vector<16xi32>, vector<16xi32>], vector<16xf32>,
      tpu.vector_store_idx %arg8[%shift_right_arithmetic3A_31, %and3A_54, %add3A_296], %get3A_308 : memref<8x8x129xf32, #tpu.memory_space<vmem>>[vector<16xi32>, vector<16xi32>, vector<16xi32>], vector<16xf32>,
      %mul3A_327 = arith.constant 8 : i32
      %mul3A_328 = arith.muli %scan3A_290, %mul3A_327 : i32
      %add3A_329 = arith.constant 2 : i32
      %add3A_330 = arith.addi %mul3A_328, %add3A_329 : i32
      %add3A_331 = vector.broadcast %add3A_330 : i32 to vector<16xi32>
      %add3A_332 = arith.addi %min3A_7, %add3A_331 : vector<16xi32>
      %get3A_333 = arith.index_cast %add3A_330 : i32 to index
      %get3A_334 = arith.constant 0 : index
      %get3A_335 = tpu.vector_load %arg6[%get3A_333, %get3A_334] {strides = array<i32>} : memref<128x64xf32, #tpu.memory_space<vmem>>, vector<16xf32>,
      %get3A_336 = arith.index_cast %add3A_330 : i32 to index
      %get3A_337 = arith.constant 16 : index
      %get3A_338 = tpu.vector_load %arg6[%get3A_336, %get3A_337] {strides = array<i32>} : memref<128x64xf32, #tpu.memory_space<vmem>>, vector<16xf32>,
      %get3A_339 = arith.index_cast %add3A_330 : i32 to index
      %get3A_340 = arith.constant 32 : index
      %get3A_341 = tpu.vector_load %arg6[%get3A_339, %get3A_340] {strides = array<i32>} : memref<128x64xf32, #tpu.memory_space<vmem>>, vector<16xf32>,
      %get3A_342 = arith.index_cast %add3A_330 : i32 to index
      %get3A_343 = arith.constant 48 : index
      %get3A_344 = tpu.vector_load %arg6[%get3A_342, %get3A_343] {strides = array<i32>} : memref<128x64xf32, #tpu.memory_space<vmem>>, vector<16xf32>,
      tpu.vector_store_idx %arg8[%shift_right_arithmetic3A_13, %and3A_36, %add3A_314], %get3A_317 : memref<8x8x129xf32, #tpu.memory_space<vmem>>[vector<16xi32>, vector<16xi32>, vector<16xi32>], vector<16xf32>,
      tpu.vector_store_idx %arg8[%shift_right_arithmetic3A_19, %and3A_42, %add3A_314], %get3A_320 : memref<8x8x129xf32, #tpu.memory_space<vmem>>[vector<16xi32>, vector<16xi32>, vector<16xi32>], vector<16xf32>,
      tpu.vector_store_idx %arg8[%shift_right_arithmetic3A_25, %and3A_48, %add3A_314], %get3A_323 : memref<8x8x129xf32, #tpu.memory_space<vmem>>[vector<16xi32>, vector<16xi32>, vector<16xi32>], vector<16xf32>,
      tpu.vector_store_idx %arg8[%shift_right_arithmetic3A_31, %and3A_54, %add3A_314], %get3A_326 : memref<8x8x129xf32, #tpu.memory_space<vmem>>[vector<16xi32>, vector<16xi32>, vector<16xi32>], vector<16xf32>,
      %mul3A_345 = arith.constant 8 : i32
      %mul3A_346 = arith.muli %scan3A_290, %mul3A_345 : i32
      %add3A_347 = arith.constant 3 : i32
      %add3A_348 = arith.addi %mul3A_346, %add3A_347 : i32
      %add3A_349 = vector.broadcast %add3A_348 : i32 to vector<16xi32>
      %add3A_350 = arith.addi %min3A_7, %add3A_349 : vector<16xi32>
      %get3A_351 = arith.index_cast %add3A_348 : i32 to index
      %get3A_352 = arith.constant 0 : index
      %get3A_353 = tpu.vector_load %arg6[%get3A_351, %get3A_352] {strides = array<i32>} : memref<128x64xf32, #tpu.memory_space<vmem>>, vector<16xf32>,
      %get3A_354 = arith.index_cast %add3A_348 : i32 to index
      %get3A_355 = arith.constant 16 : index
      %get3A_356 = tpu.vector_load %arg6[%get3A_354, %get3A_355] {strides = array<i32>} : memref<128x64xf32, #tpu.memory_space<vmem>>, vector<16xf32>,
      %get3A_357 = arith.index_cast %add3A_348 : i32 to index
      %get3A_358 = arith.constant 32 : index
      %get3A_359 = tpu.vector_load %arg6[%get3A_357, %get3A_358] {strides = array<i32>} : memref<128x64xf32, #tpu.memory_space<vmem>>, vector<16xf32>,
      %get3A_360 = arith.index_cast %add3A_348 : i32 to index
      %get3A_361 = arith.constant 48 : index
      %get3A_362 = tpu.vector_load %arg6[%get3A_360, %get3A_361] {strides = array<i32>} : memref<128x64xf32, #tpu.memory_space<vmem>>, vector<16xf32>,
      tpu.vector_store_idx %arg8[%shift_right_arithmetic3A_13, %and3A_36, %add3A_332], %get3A_335 : memref<8x8x129xf32, #tpu.memory_space<vmem>>[vector<16xi32>, vector<16xi32>, vector<16xi32>], vector<16xf32>,
      tpu.vector_store_idx %arg8[%shift_right_arithmetic3A_19, %and3A_42, %add3A_332], %get3A_338 : memref<8x8x129xf32, #tpu.memory_space<vmem>>[vector<16xi32>, vector<16xi32>, vector<16xi32>], vector<16xf32>,
      tpu.vector_store_idx %arg8[%shift_right_arithmetic3A_25, %and3A_48, %add3A_332], %get3A_341 : memref<8x8x129xf32, #tpu.memory_space<vmem>>[vector<16xi32>, vector<16xi32>, vector<16xi32>], vector<16xf32>,
      tpu.vector_store_idx %arg8[%shift_right_arithmetic3A_31, %and3A_54, %add3A_332], %get3A_344 : memref<8x8x129xf32, #tpu.memory_space<vmem>>[vector<16xi32>, vector<16xi32>, vector<16xi32>], vector<16xf32>,
      %mul3A_363 = arith.constant 8 : i32
      %mul3A_364 = arith.muli %scan3A_290, %mul3A_363 : i32
      %add3A_365 = arith.constant 4 : i32
      %add3A_366 = arith.addi %mul3A_364, %add3A_365 : i32
      %add3A_367 = vector.broadcast %add3A_366 : i32 to vector<16xi32>
      %add3A_368 = arith.addi %min3A_7, %add3A_367 : vector<16xi32>
      %get3A_369 = arith.index_cast %add3A_366 : i32 to index
      %get3A_370 = arith.constant 0 : index
      %get3A_371 = tpu.vector_load %arg6[%get3A_369, %get3A_370] {strides = array<i32>} : memref<128x64xf32, #tpu.memory_space<vmem>>, vector<16xf32>,
      %get3A_372 = arith.index_cast %add3A_366 : i32 to index
      %get3A_373 = arith.constant 16 : index
      %get3A_374 = tpu.vector_load %arg6[%get3A_372, %get3A_373] {strides = array<i32>} : memref<128x64xf32, #tpu.memory_space<vmem>>, vector<16xf32>,
      %get3A_375 = arith.index_cast %add3A_366 : i32 to index
      %get3A_376 = arith.constant 32 : index
      %get3A_377 = tpu.vector_load %arg6[%get3A_375, %get3A_376] {strides = array<i32>} : memref<128x64xf32, #tpu.memory_space<vmem>>, vector<16xf32>,
      %get3A_378 = arith.index_cast %add3A_366 : i32 to index
      %get3A_379 = arith.constant 48 : index
      %get3A_380 = tpu.vector_load %arg6[%get3A_378, %get3A_379] {strides = array<i32>} : memref<128x64xf32, #tpu.memory_space<vmem>>, vector<16xf32>,
      tpu.vector_store_idx %arg8[%shift_right_arithmetic3A_13, %and3A_36, %add3A_350], %get3A_353 : memref<8x8x129xf32, #tpu.memory_space<vmem>>[vector<16xi32>, vector<16xi32>, vector<16xi32>], vector<16xf32>,
      tpu.vector_store_idx %arg8[%shift_right_arithmetic3A_19, %and3A_42, %add3A_350], %get3A_356 : memref<8x8x129xf32, #tpu.memory_space<vmem>>[vector<16xi32>, vector<16xi32>, vector<16xi32>], vector<16xf32>,
      tpu.vector_store_idx %arg8[%shift_right_arithmetic3A_25, %and3A_48, %add3A_350], %get3A_359 : memref<8x8x129xf32, #tpu.memory_space<vmem>>[vector<16xi32>, vector<16xi32>, vector<16xi32>], vector<16xf32>,
      tpu.vector_store_idx %arg8[%shift_right_arithmetic3A_31, %and3A_54, %add3A_350], %get3A_362 : memref<8x8x129xf32, #tpu.memory_space<vmem>>[vector<16xi32>, vector<16xi32>, vector<16xi32>], vector<16xf32>,
      %mul3A_381 = arith.constant 8 : i32
      %mul3A_382 = arith.muli %scan3A_290, %mul3A_381 : i32
      %add3A_383 = arith.constant 5 : i32
      %add3A_384 = arith.addi %mul3A_382, %add3A_383 : i32
      %add3A_385 = vector.broadcast %add3A_384 : i32 to vector<16xi32>
      %add3A_386 = arith.addi %min3A_7, %add3A_385 : vector<16xi32>
      %get3A_387 = arith.index_cast %add3A_384 : i32 to index
      %get3A_388 = arith.constant 0 : index
      %get3A_389 = tpu.vector_load %arg6[%get3A_387, %get3A_388] {strides = array<i32>} : memref<128x64xf32, #tpu.memory_space<vmem>>, vector<16xf32>,
      %get3A_390 = arith.index_cast %add3A_384 : i32 to index
      %get3A_391 = arith.constant 16 : index
      %get3A_392 = tpu.vector_load %arg6[%get3A_390, %get3A_391] {strides = array<i32>} : memref<128x64xf32, #tpu.memory_space<vmem>>, vector<16xf32>,
      %get3A_393 = arith.index_cast %add3A_384 : i32 to index
      %get3A_394 = arith.constant 32 : index
      %get3A_395 = tpu.vector_load %arg6[%get3A_393, %get3A_394] {strides = array<i32>} : memref<128x64xf32, #tpu.memory_space<vmem>>, vector<16xf32>,
      %get3A_396 = arith.index_cast %add3A_384 : i32 to index
      %get3A_397 = arith.constant 48 : index
      %get3A_398 = tpu.vector_load %arg6[%get3A_396, %get3A_397] {strides = array<i32>} : memref<128x64xf32, #tpu.memory_space<vmem>>, vector<16xf32>,
      tpu.vector_store_idx %arg8[%shift_right_arithmetic3A_13, %and3A_36, %add3A_368], %get3A_371 : memref<8x8x129xf32, #tpu.memory_space<vmem>>[vector<16xi32>, vector<16xi32>, vector<16xi32>], vector<16xf32>,
      tpu.vector_store_idx %arg8[%shift_right_arithmetic3A_19, %and3A_42, %add3A_368], %get3A_374 : memref<8x8x129xf32, #tpu.memory_space<vmem>>[vector<16xi32>, vector<16xi32>, vector<16xi32>], vector<16xf32>,
      tpu.vector_store_idx %arg8[%shift_right_arithmetic3A_25, %and3A_48, %add3A_368], %get3A_377 : memref<8x8x129xf32, #tpu.memory_space<vmem>>[vector<16xi32>, vector<16xi32>, vector<16xi32>], vector<16xf32>,
      tpu.vector_store_idx %arg8[%shift_right_arithmetic3A_31, %and3A_54, %add3A_368], %get3A_380 : memref<8x8x129xf32, #tpu.memory_space<vmem>>[vector<16xi32>, vector<16xi32>, vector<16xi32>], vector<16xf32>,
      %mul3A_399 = arith.constant 8 : i32
      %mul3A_400 = arith.muli %scan3A_290, %mul3A_399 : i32
      %add3A_401 = arith.constant 6 : i32
      %add3A_402 = arith.addi %mul3A_400, %add3A_401 : i32
      %add3A_403 = vector.broadcast %add3A_402 : i32 to vector<16xi32>
      %add3A_404 = arith.addi %min3A_7, %add3A_403 : vector<16xi32>
      %get3A_405 = arith.index_cast %add3A_402 : i32 to index
      %get3A_406 = arith.constant 0 : index
      %get3A_407 = tpu.vector_load %arg6[%get3A_405, %get3A_406] {strides = array<i32>} : memref<128x64xf32, #tpu.memory_space<vmem>>, vector<16xf32>,
      %get3A_408 = arith.index_cast %add3A_402 : i32 to index
      %get3A_409 = arith.constant 16 : index
      %get3A_410 = tpu.vector_load %arg6[%get3A_408, %get3A_409] {strides = array<i32>} : memref<128x64xf32, #tpu.memory_space<vmem>>, vector<16xf32>,
      %get3A_411 = arith.index_cast %add3A_402 : i32 to index
      %get3A_412 = arith.constant 32 : index
      %get3A_413 = tpu.vector_load %arg6[%get3A_411, %get3A_412] {strides = array<i32>} : memref<128x64xf32, #tpu.memory_space<vmem>>, vector<16xf32>,
      %get3A_414 = arith.index_cast %add3A_402 : i32 to index
      %get3A_415 = arith.constant 48 : index
      %get3A_416 = tpu.vector_load %arg6[%get3A_414, %get3A_415] {strides = array<i32>} : memref<128x64xf32, #tpu.memory_space<vmem>>, vector<16xf32>,
      tpu.vector_store_idx %arg8[%shift_right_arithmetic3A_13, %and3A_36, %add3A_386], %get3A_389 : memref<8x8x129xf32, #tpu.memory_space<vmem>>[vector<16xi32>, vector<16xi32>, vector<16xi32>], vector<16xf32>,
      tpu.vector_store_idx %arg8[%shift_right_arithmetic3A_19, %and3A_42, %add3A_386], %get3A_392 : memref<8x8x129xf32, #tpu.memory_space<vmem>>[vector<16xi32>, vector<16xi32>, vector<16xi32>], vector<16xf32>,
      tpu.vector_store_idx %arg8[%shift_right_arithmetic3A_25, %and3A_48, %add3A_386], %get3A_395 : memref<8x8x129xf32, #tpu.memory_space<vmem>>[vector<16xi32>, vector<16xi32>, vector<16xi32>], vector<16xf32>,
      tpu.vector_store_idx %arg8[%shift_right_arithmetic3A_31, %and3A_54, %add3A_386], %get3A_398 : memref<8x8x129xf32, #tpu.memory_space<vmem>>[vector<16xi32>, vector<16xi32>, vector<16xi32>], vector<16xf32>,
      %mul3A_417 = arith.constant 8 : i32
      %mul3A_418 = arith.muli %scan3A_290, %mul3A_417 : i32
      %add3A_419 = arith.constant 7 : i32
      %add3A_420 = arith.addi %mul3A_418, %add3A_419 : i32
      %add3A_421 = vector.broadcast %add3A_420 : i32 to vector<16xi32>
      %add3A_422 = arith.addi %min3A_7, %add3A_421 : vector<16xi32>
      %get3A_423 = arith.index_cast %add3A_420 : i32 to index
      %get3A_424 = arith.constant 0 : index
      %get3A_425 = tpu.vector_load %arg6[%get3A_423, %get3A_424] {strides = array<i32>} : memref<128x64xf32, #tpu.memory_space<vmem>>, vector<16xf32>,
      %get3A_426 = arith.index_cast %add3A_420 : i32 to index
      %get3A_427 = arith.constant 16 : index
      %get3A_428 = tpu.vector_load %arg6[%get3A_426, %get3A_427] {strides = array<i32>} : memref<128x64xf32, #tpu.memory_space<vmem>>, vector<16xf32>,
      %get3A_429 = arith.index_cast %add3A_420 : i32 to index
      %get3A_430 = arith.constant 32 : index
      %get3A_431 = tpu.vector_load %arg6[%get3A_429, %get3A_430] {strides = array<i32>} : memref<128x64xf32, #tpu.memory_space<vmem>>, vector<16xf32>,
      %get3A_432 = arith.index_cast %add3A_420 : i32 to index
      %get3A_433 = arith.constant 48 : index
      %get3A_434 = tpu.vector_load %arg6[%get3A_432, %get3A_433] {strides = array<i32>} : memref<128x64xf32, #tpu.memory_space<vmem>>, vector<16xf32>,
      tpu.vector_store_idx %arg8[%shift_right_arithmetic3A_13, %and3A_36, %add3A_404], %get3A_407 : memref<8x8x129xf32, #tpu.memory_space<vmem>>[vector<16xi32>, vector<16xi32>, vector<16xi32>], vector<16xf32>,
      tpu.vector_store_idx %arg8[%shift_right_arithmetic3A_19, %and3A_42, %add3A_404], %get3A_410 : memref<8x8x129xf32, #tpu.memory_space<vmem>>[vector<16xi32>, vector<16xi32>, vector<16xi32>], vector<16xf32>,
      tpu.vector_store_idx %arg8[%shift_right_arithmetic3A_25, %and3A_48, %add3A_404], %get3A_413 : memref<8x8x129xf32, #tpu.memory_space<vmem>>[vector<16xi32>, vector<16xi32>, vector<16xi32>], vector<16xf32>,
      tpu.vector_store_idx %arg8[%shift_right_arithmetic3A_31, %and3A_54, %add3A_404], %get3A_416 : memref<8x8x129xf32, #tpu.memory_space<vmem>>[vector<16xi32>, vector<16xi32>, vector<16xi32>], vector<16xf32>,
      tpu.vector_store_idx %arg8[%shift_right_arithmetic3A_13, %and3A_36, %add3A_422], %get3A_425 : memref<8x8x129xf32, #tpu.memory_space<vmem>>[vector<16xi32>, vector<16xi32>, vector<16xi32>], vector<16xf32>,
      tpu.vector_store_idx %arg8[%shift_right_arithmetic3A_19, %and3A_42, %add3A_422], %get3A_428 : memref<8x8x129xf32, #tpu.memory_space<vmem>>[vector<16xi32>, vector<16xi32>, vector<16xi32>], vector<16xf32>,
      tpu.vector_store_idx %arg8[%shift_right_arithmetic3A_25, %and3A_48, %add3A_422], %get3A_431 : memref<8x8x129xf32, #tpu.memory_space<vmem>>[vector<16xi32>, vector<16xi32>, vector<16xi32>], vector<16xf32>,
      tpu.vector_store_idx %arg8[%shift_right_arithmetic3A_31, %and3A_54, %add3A_422], %get3A_434 : memref<8x8x129xf32, #tpu.memory_space<vmem>>[vector<16xi32>, vector<16xi32>, vector<16xi32>], vector<16xf32>,
    }
    %scan3A_181 = arith.constant 16 : i32
    %dma_start3A_182 = arith.constant 48 : i32
    %dma_start3A_183 = arith.constant 0 : i32
    %dma_start3A_184 = arith.constant 0 : i32
    %dma_start3A_185 = arith.constant 0 : i32
    %dma_start3A_186 = tpu.memref_slice %arg8[%dma_start3A_183, %dma_start3A_184, %dma_start3A_185] : memref<8x8x129xf32, #tpu.memory_space<vmem>> -> memref<8x8x128xf32, #tpu.memory_space<vmem>>
    %dma_start3A_187 = arith.constant 0 : i32
    %dma_start3A_188 = arith.constant 0 : i32
    %dma_start3A_189 = arith.constant 0 : i32
    %dma_start3A_190 = tpu.memref_slice %arg4[%dma_start3A_182, %dma_start3A_187, %add3A, %dma_start3A_188, %dma_start3A_189] : memref<50x8x32x8x128xf32, #tpu.memory_space<hbm>> -> memref<1x8x1x8x128xf32, #tpu.memory_space<hbm>>
    %dma_start3A_191 = tpu.memref_squeeze %dma_start3A_190 : memref<1x8x1x8x128xf32, #tpu.memory_space<hbm>> -> memref<8x8x128xf32, #tpu.memory_space<hbm>>
    %dma_start3A_192 = arith.constant 0 : i32
    %dma_start3A_193 = arith.constant 0 : i32
    %dma_start3A_194 = arith.constant 0 : i32
    %dma_start3A_195 = tpu.memref_slice %arg4[%dma_start3A_182, %dma_start3A_192, %add3A, %dma_start3A_193, %dma_start3A_194] : memref<50x8x32x8x128xf32, #tpu.memory_space<hbm>> -> memref<1x8x1x8x128xf32, #tpu.memory_space<hbm>>
    %dma_start3A_196 = tpu.memref_squeeze %dma_start3A_195 : memref<1x8x1x8x128xf32, #tpu.memory_space<hbm>> -> memref<8x8x128xf32, #tpu.memory_space<hbm>>
    %dma_start3A_197 = arith.constant 0 : i32
    %dma_start3A_198 = arith.constant 0 : i32
    %dma_start3A_199 = arith.constant 0 : i32
    %dma_start3A_200 = tpu.memref_slice %arg8[%dma_start3A_197, %dma_start3A_198, %dma_start3A_199] : memref<8x8x129xf32, #tpu.memory_space<vmem>> -> memref<8x8x128xf32, #tpu.memory_space<vmem>>
    tpu.enqueue_dma source(%dma_start3A_200 : memref<8x8x128xf32, #tpu.memory_space<vmem>>) target(%dma_start3A_196 : memref<8x8x128xf32, #tpu.memory_space<hbm>>) target_semaphore(%arg12 : memref<!tpu.dma_semaphore, #tpu.memory_space<semaphore_mem>>)
    %dma_wait3A_201 = arith.constant 49 : i32
    %dma_wait3A_202 = arith.constant 0 : i32
    %dma_wait3A_203 = tpu.memref_slice %arg5[%dma_wait3A_201, %dma_wait3A_202] : memref<50x128xi32, #tpu.memory_space<vmem>> -> memref<1x128xi32, #tpu.memory_space<vmem>>
    %dma_wait3A_204 = tpu.memref_squeeze %dma_wait3A_203 : memref<1x128xi32, #tpu.memory_space<vmem>> -> memref<128xi32, #tpu.memory_space<vmem>>
    %dma_wait3A_205 = arith.constant 0 : i32
    %dma_wait3A_206 = arith.constant 0 : i32
    %dma_wait3A_207 = tpu.memref_slice %arg2[%dma_wait3A_205, %dma_wait3A_206] : memref<200000x64xf32, #tpu.memory_space<hbm>> -> memref<200000x64xf32, #tpu.memory_space<hbm>>
    tpu.wait_indirect_dma semaphore(%arg11 : memref<!tpu.dma_semaphore, #tpu.memory_space<semaphore_mem>>) src(%dma_wait3A_207 : memref<200000x64xf32, #tpu.memory_space<hbm>>) dst(%arg7 : memref<128x64xf32, #tpu.memory_space<vmem>>)
    %dma_wait3A_208 = arith.constant 47 : i32
    %dma_wait3A_209 = arith.constant 0 : i32
    %dma_wait3A_210 = arith.constant 0 : i32
    %dma_wait3A_211 = arith.constant 0 : i32
    %dma_wait3A_212 = tpu.memref_slice %arg9[%dma_wait3A_209, %dma_wait3A_210, %dma_wait3A_211] : memref<8x8x129xf32, #tpu.memory_space<vmem>> -> memref<8x8x128xf32, #tpu.memory_space<vmem>>
    %dma_wait3A_213 = arith.constant 0 : i32
    %dma_wait3A_214 = arith.constant 0 : i32
    %dma_wait3A_215 = arith.constant 0 : i32
    %dma_wait3A_216 = tpu.memref_slice %arg4[%dma_wait3A_208, %dma_wait3A_213, %add3A, %dma_wait3A_214, %dma_wait3A_215] : memref<50x8x32x8x128xf32, #tpu.memory_space<hbm>> -> memref<1x8x1x8x128xf32, #tpu.memory_space<hbm>>
    %dma_wait3A_217 = tpu.memref_squeeze %dma_wait3A_216 : memref<1x8x1x8x128xf32, #tpu.memory_space<hbm>> -> memref<8x8x128xf32, #tpu.memory_space<hbm>>
    %dma_wait3A_218 = arith.constant 0 : i32
    %dma_wait3A_219 = arith.constant 0 : i32
    %dma_wait3A_220 = arith.constant 0 : i32
    %dma_wait3A_221 = tpu.memref_slice %arg4[%dma_wait3A_208, %dma_wait3A_218, %add3A, %dma_wait3A_219, %dma_wait3A_220] : memref<50x8x32x8x128xf32, #tpu.memory_space<hbm>> -> memref<1x8x1x8x128xf32, #tpu.memory_space<hbm>>
    %dma_wait3A_222 = tpu.memref_squeeze %dma_wait3A_221 : memref<1x8x1x8x128xf32, #tpu.memory_space<hbm>> -> memref<8x8x128xf32, #tpu.memory_space<hbm>>
    %dma_wait3A_223 = arith.constant 0 : i32
    %dma_wait3A_224 = arith.constant 0 : i32
    %dma_wait3A_225 = arith.constant 0 : i32
    %dma_wait3A_226 = tpu.memref_slice %arg9[%dma_wait3A_223, %dma_wait3A_224, %dma_wait3A_225] : memref<8x8x129xf32, #tpu.memory_space<vmem>> -> memref<8x8x128xf32, #tpu.memory_space<vmem>>
    tpu.wait_dma2 semaphore(%arg13 : memref<!tpu.dma_semaphore, #tpu.memory_space<semaphore_mem>>) src(%dma_wait3A_226 : memref<8x8x128xf32, #tpu.memory_space<vmem>>) dst(%dma_wait3A_222 : memref<8x8x128xf32, #tpu.memory_space<hbm>>)
    %scan3A_227 = arith.constant 0 : i32
    %scan3A_228 = arith.constant 0 : i32
    %scan3A_229 = arith.constant 16 : i32
    %scan3A_230 = arith.addi %scan3A_228, %scan3A_229 : i32
    %scan3A_231 = arith.constant 1 : i32
    scf.for %scan3A_290 = %scan3A_228 to %scan3A_230 step %scan3A_231  : i32 {
      %mul3A_291 = arith.constant 8 : i32
      %mul3A_292 = arith.muli %scan3A_290, %mul3A_291 : i32
      %add3A_293 = arith.constant 0 : i32
      %add3A_294 = arith.addi %mul3A_292, %add3A_293 : i32
      %add3A_295 = vector.broadcast %add3A_294 : i32 to vector<16xi32>
      %add3A_296 = arith.addi %min3A_7, %add3A_295 : vector<16xi32>
      %get3A_297 = arith.index_cast %add3A_294 : i32 to index
      %get3A_298 = arith.constant 0 : index
      %get3A_299 = tpu.vector_load %arg7[%get3A_297, %get3A_298] {strides = array<i32>} : memref<128x64xf32, #tpu.memory_space<vmem>>, vector<16xf32>,
      %get3A_300 = arith.index_cast %add3A_294 : i32 to index
      %get3A_301 = arith.constant 16 : index
      %get3A_302 = tpu.vector_load %arg7[%get3A_300, %get3A_301] {strides = array<i32>} : memref<128x64xf32, #tpu.memory_space<vmem>>, vector<16xf32>,
      %get3A_303 = arith.index_cast %add3A_294 : i32 to index
      %get3A_304 = arith.constant 32 : index
      %get3A_305 = tpu.vector_load %arg7[%get3A_303, %get3A_304] {strides = array<i32>} : memref<128x64xf32, #tpu.memory_space<vmem>>, vector<16xf32>,
      %get3A_306 = arith.index_cast %add3A_294 : i32 to index
      %get3A_307 = arith.constant 48 : index
      %get3A_308 = tpu.vector_load %arg7[%get3A_306, %get3A_307] {strides = array<i32>} : memref<128x64xf32, #tpu.memory_space<vmem>>, vector<16xf32>,
      %mul3A_309 = arith.constant 8 : i32
      %mul3A_310 = arith.muli %scan3A_290, %mul3A_309 : i32
      %add3A_311 = arith.constant 1 : i32
      %add3A_312 = arith.addi %mul3A_310, %add3A_311 : i32
      %add3A_313 = vector.broadcast %add3A_312 : i32 to vector<16xi32>
      %add3A_314 = arith.addi %min3A_7, %add3A_313 : vector<16xi32>
      %get3A_315 = arith.index_cast %add3A_312 : i32 to index
      %get3A_316 = arith.constant 0 : index
      %get3A_317 = tpu.vector_load %arg7[%get3A_315, %get3A_316] {strides = array<i32>} : memref<128x64xf32, #tpu.memory_space<vmem>>, vector<16xf32>,
      %get3A_318 = arith.index_cast %add3A_312 : i32 to index
      %get3A_319 = arith.constant 16 : index
      %get3A_320 = tpu.vector_load %arg7[%get3A_318, %get3A_319] {strides = array<i32>} : memref<128x64xf32, #tpu.memory_space<vmem>>, vector<16xf32>,
      %get3A_321 = arith.index_cast %add3A_312 : i32 to index
      %get3A_322 = arith.constant 32 : index
      %get3A_323 = tpu.vector_load %arg7[%get3A_321, %get3A_322] {strides = array<i32>} : memref<128x64xf32, #tpu.memory_space<vmem>>, vector<16xf32>,
      %get3A_324 = arith.index_cast %add3A_312 : i32 to index
      %get3A_325 = arith.constant 48 : index
      %get3A_326 = tpu.vector_load %arg7[%get3A_324, %get3A_325] {strides = array<i32>} : memref<128x64xf32, #tpu.memory_space<vmem>>, vector<16xf32>,
      tpu.vector_store_idx %arg9[%shift_right_arithmetic3A_13, %and3A_36, %add3A_296], %get3A_299 : memref<8x8x129xf32, #tpu.memory_space<vmem>>[vector<16xi32>, vector<16xi32>, vector<16xi32>], vector<16xf32>,
      tpu.vector_store_idx %arg9[%shift_right_arithmetic3A_19, %and3A_42, %add3A_296], %get3A_302 : memref<8x8x129xf32, #tpu.memory_space<vmem>>[vector<16xi32>, vector<16xi32>, vector<16xi32>], vector<16xf32>,
      tpu.vector_store_idx %arg9[%shift_right_arithmetic3A_25, %and3A_48, %add3A_296], %get3A_305 : memref<8x8x129xf32, #tpu.memory_space<vmem>>[vector<16xi32>, vector<16xi32>, vector<16xi32>], vector<16xf32>,
      tpu.vector_store_idx %arg9[%shift_right_arithmetic3A_31, %and3A_54, %add3A_296], %get3A_308 : memref<8x8x129xf32, #tpu.memory_space<vmem>>[vector<16xi32>, vector<16xi32>, vector<16xi32>], vector<16xf32>,
      %mul3A_327 = arith.constant 8 : i32
      %mul3A_328 = arith.muli %scan3A_290, %mul3A_327 : i32
      %add3A_329 = arith.constant 2 : i32
      %add3A_330 = arith.addi %mul3A_328, %add3A_329 : i32
      %add3A_331 = vector.broadcast %add3A_330 : i32 to vector<16xi32>
      %add3A_332 = arith.addi %min3A_7, %add3A_331 : vector<16xi32>
      %get3A_333 = arith.index_cast %add3A_330 : i32 to index
      %get3A_334 = arith.constant 0 : index
      %get3A_335 = tpu.vector_load %arg7[%get3A_333, %get3A_334] {strides = array<i32>} : memref<128x64xf32, #tpu.memory_space<vmem>>, vector<16xf32>,
      %get3A_336 = arith.index_cast %add3A_330 : i32 to index
      %get3A_337 = arith.constant 16 : index
      %get3A_338 = tpu.vector_load %arg7[%get3A_336, %get3A_337] {strides = array<i32>} : memref<128x64xf32, #tpu.memory_space<vmem>>, vector<16xf32>,
      %get3A_339 = arith.index_cast %add3A_330 : i32 to index
      %get3A_340 = arith.constant 32 : index
      %get3A_341 = tpu.vector_load %arg7[%get3A_339, %get3A_340] {strides = array<i32>} : memref<128x64xf32, #tpu.memory_space<vmem>>, vector<16xf32>,
      %get3A_342 = arith.index_cast %add3A_330 : i32 to index
      %get3A_343 = arith.constant 48 : index
      %get3A_344 = tpu.vector_load %arg7[%get3A_342, %get3A_343] {strides = array<i32>} : memref<128x64xf32, #tpu.memory_space<vmem>>, vector<16xf32>,
      tpu.vector_store_idx %arg9[%shift_right_arithmetic3A_13, %and3A_36, %add3A_314], %get3A_317 : memref<8x8x129xf32, #tpu.memory_space<vmem>>[vector<16xi32>, vector<16xi32>, vector<16xi32>], vector<16xf32>,
      tpu.vector_store_idx %arg9[%shift_right_arithmetic3A_19, %and3A_42, %add3A_314], %get3A_320 : memref<8x8x129xf32, #tpu.memory_space<vmem>>[vector<16xi32>, vector<16xi32>, vector<16xi32>], vector<16xf32>,
      tpu.vector_store_idx %arg9[%shift_right_arithmetic3A_25, %and3A_48, %add3A_314], %get3A_323 : memref<8x8x129xf32, #tpu.memory_space<vmem>>[vector<16xi32>, vector<16xi32>, vector<16xi32>], vector<16xf32>,
      tpu.vector_store_idx %arg9[%shift_right_arithmetic3A_31, %and3A_54, %add3A_314], %get3A_326 : memref<8x8x129xf32, #tpu.memory_space<vmem>>[vector<16xi32>, vector<16xi32>, vector<16xi32>], vector<16xf32>,
      %mul3A_345 = arith.constant 8 : i32
      %mul3A_346 = arith.muli %scan3A_290, %mul3A_345 : i32
      %add3A_347 = arith.constant 3 : i32
      %add3A_348 = arith.addi %mul3A_346, %add3A_347 : i32
      %add3A_349 = vector.broadcast %add3A_348 : i32 to vector<16xi32>
      %add3A_350 = arith.addi %min3A_7, %add3A_349 : vector<16xi32>
      %get3A_351 = arith.index_cast %add3A_348 : i32 to index
      %get3A_352 = arith.constant 0 : index
      %get3A_353 = tpu.vector_load %arg7[%get3A_351, %get3A_352] {strides = array<i32>} : memref<128x64xf32, #tpu.memory_space<vmem>>, vector<16xf32>,
      %get3A_354 = arith.index_cast %add3A_348 : i32 to index
      %get3A_355 = arith.constant 16 : index
      %get3A_356 = tpu.vector_load %arg7[%get3A_354, %get3A_355] {strides = array<i32>} : memref<128x64xf32, #tpu.memory_space<vmem>>, vector<16xf32>,
      %get3A_357 = arith.index_cast %add3A_348 : i32 to index
      %get3A_358 = arith.constant 32 : index
      %get3A_359 = tpu.vector_load %arg7[%get3A_357, %get3A_358] {strides = array<i32>} : memref<128x64xf32, #tpu.memory_space<vmem>>, vector<16xf32>,
      %get3A_360 = arith.index_cast %add3A_348 : i32 to index
      %get3A_361 = arith.constant 48 : index
      %get3A_362 = tpu.vector_load %arg7[%get3A_360, %get3A_361] {strides = array<i32>} : memref<128x64xf32, #tpu.memory_space<vmem>>, vector<16xf32>,
      tpu.vector_store_idx %arg9[%shift_right_arithmetic3A_13, %and3A_36, %add3A_332], %get3A_335 : memref<8x8x129xf32, #tpu.memory_space<vmem>>[vector<16xi32>, vector<16xi32>, vector<16xi32>], vector<16xf32>,
      tpu.vector_store_idx %arg9[%shift_right_arithmetic3A_19, %and3A_42, %add3A_332], %get3A_338 : memref<8x8x129xf32, #tpu.memory_space<vmem>>[vector<16xi32>, vector<16xi32>, vector<16xi32>], vector<16xf32>,
      tpu.vector_store_idx %arg9[%shift_right_arithmetic3A_25, %and3A_48, %add3A_332], %get3A_341 : memref<8x8x129xf32, #tpu.memory_space<vmem>>[vector<16xi32>, vector<16xi32>, vector<16xi32>], vector<16xf32>,
      tpu.vector_store_idx %arg9[%shift_right_arithmetic3A_31, %and3A_54, %add3A_332], %get3A_344 : memref<8x8x129xf32, #tpu.memory_space<vmem>>[vector<16xi32>, vector<16xi32>, vector<16xi32>], vector<16xf32>,
      %mul3A_363 = arith.constant 8 : i32
      %mul3A_364 = arith.muli %scan3A_290, %mul3A_363 : i32
      %add3A_365 = arith.constant 4 : i32
      %add3A_366 = arith.addi %mul3A_364, %add3A_365 : i32
      %add3A_367 = vector.broadcast %add3A_366 : i32 to vector<16xi32>
      %add3A_368 = arith.addi %min3A_7, %add3A_367 : vector<16xi32>
      %get3A_369 = arith.index_cast %add3A_366 : i32 to index
      %get3A_370 = arith.constant 0 : index
      %get3A_371 = tpu.vector_load %arg7[%get3A_369, %get3A_370] {strides = array<i32>} : memref<128x64xf32, #tpu.memory_space<vmem>>, vector<16xf32>,
      %get3A_372 = arith.index_cast %add3A_366 : i32 to index
      %get3A_373 = arith.constant 16 : index
      %get3A_374 = tpu.vector_load %arg7[%get3A_372, %get3A_373] {strides = array<i32>} : memref<128x64xf32, #tpu.memory_space<vmem>>, vector<16xf32>,
      %get3A_375 = arith.index_cast %add3A_366 : i32 to index
      %get3A_376 = arith.constant 32 : index
      %get3A_377 = tpu.vector_load %arg7[%get3A_375, %get3A_376] {strides = array<i32>} : memref<128x64xf32, #tpu.memory_space<vmem>>, vector<16xf32>,
      %get3A_378 = arith.index_cast %add3A_366 : i32 to index
      %get3A_379 = arith.constant 48 : index
      %get3A_380 = tpu.vector_load %arg7[%get3A_378, %get3A_379] {strides = array<i32>} : memref<128x64xf32, #tpu.memory_space<vmem>>, vector<16xf32>,
      tpu.vector_store_idx %arg9[%shift_right_arithmetic3A_13, %and3A_36, %add3A_350], %get3A_353 : memref<8x8x129xf32, #tpu.memory_space<vmem>>[vector<16xi32>, vector<16xi32>, vector<16xi32>], vector<16xf32>,
      tpu.vector_store_idx %arg9[%shift_right_arithmetic3A_19, %and3A_42, %add3A_350], %get3A_356 : memref<8x8x129xf32, #tpu.memory_space<vmem>>[vector<16xi32>, vector<16xi32>, vector<16xi32>], vector<16xf32>,
      tpu.vector_store_idx %arg9[%shift_right_arithmetic3A_25, %and3A_48, %add3A_350], %get3A_359 : memref<8x8x129xf32, #tpu.memory_space<vmem>>[vector<16xi32>, vector<16xi32>, vector<16xi32>], vector<16xf32>,
      tpu.vector_store_idx %arg9[%shift_right_arithmetic3A_31, %and3A_54, %add3A_350], %get3A_362 : memref<8x8x129xf32, #tpu.memory_space<vmem>>[vector<16xi32>, vector<16xi32>, vector<16xi32>], vector<16xf32>,
      %mul3A_381 = arith.constant 8 : i32
      %mul3A_382 = arith.muli %scan3A_290, %mul3A_381 : i32
      %add3A_383 = arith.constant 5 : i32
      %add3A_384 = arith.addi %mul3A_382, %add3A_383 : i32
      %add3A_385 = vector.broadcast %add3A_384 : i32 to vector<16xi32>
      %add3A_386 = arith.addi %min3A_7, %add3A_385 : vector<16xi32>
      %get3A_387 = arith.index_cast %add3A_384 : i32 to index
      %get3A_388 = arith.constant 0 : index
      %get3A_389 = tpu.vector_load %arg7[%get3A_387, %get3A_388] {strides = array<i32>} : memref<128x64xf32, #tpu.memory_space<vmem>>, vector<16xf32>,
      %get3A_390 = arith.index_cast %add3A_384 : i32 to index
      %get3A_391 = arith.constant 16 : index
      %get3A_392 = tpu.vector_load %arg7[%get3A_390, %get3A_391] {strides = array<i32>} : memref<128x64xf32, #tpu.memory_space<vmem>>, vector<16xf32>,
      %get3A_393 = arith.index_cast %add3A_384 : i32 to index
      %get3A_394 = arith.constant 32 : index
      %get3A_395 = tpu.vector_load %arg7[%get3A_393, %get3A_394] {strides = array<i32>} : memref<128x64xf32, #tpu.memory_space<vmem>>, vector<16xf32>,
      %get3A_396 = arith.index_cast %add3A_384 : i32 to index
      %get3A_397 = arith.constant 48 : index
      %get3A_398 = tpu.vector_load %arg7[%get3A_396, %get3A_397] {strides = array<i32>} : memref<128x64xf32, #tpu.memory_space<vmem>>, vector<16xf32>,
      tpu.vector_store_idx %arg9[%shift_right_arithmetic3A_13, %and3A_36, %add3A_368], %get3A_371 : memref<8x8x129xf32, #tpu.memory_space<vmem>>[vector<16xi32>, vector<16xi32>, vector<16xi32>], vector<16xf32>,
      tpu.vector_store_idx %arg9[%shift_right_arithmetic3A_19, %and3A_42, %add3A_368], %get3A_374 : memref<8x8x129xf32, #tpu.memory_space<vmem>>[vector<16xi32>, vector<16xi32>, vector<16xi32>], vector<16xf32>,
      tpu.vector_store_idx %arg9[%shift_right_arithmetic3A_25, %and3A_48, %add3A_368], %get3A_377 : memref<8x8x129xf32, #tpu.memory_space<vmem>>[vector<16xi32>, vector<16xi32>, vector<16xi32>], vector<16xf32>,
      tpu.vector_store_idx %arg9[%shift_right_arithmetic3A_31, %and3A_54, %add3A_368], %get3A_380 : memref<8x8x129xf32, #tpu.memory_space<vmem>>[vector<16xi32>, vector<16xi32>, vector<16xi32>], vector<16xf32>,
      %mul3A_399 = arith.constant 8 : i32
      %mul3A_400 = arith.muli %scan3A_290, %mul3A_399 : i32
      %add3A_401 = arith.constant 6 : i32
      %add3A_402 = arith.addi %mul3A_400, %add3A_401 : i32
      %add3A_403 = vector.broadcast %add3A_402 : i32 to vector<16xi32>
      %add3A_404 = arith.addi %min3A_7, %add3A_403 : vector<16xi32>
      %get3A_405 = arith.index_cast %add3A_402 : i32 to index
      %get3A_406 = arith.constant 0 : index
      %get3A_407 = tpu.vector_load %arg7[%get3A_405, %get3A_406] {strides = array<i32>} : memref<128x64xf32, #tpu.memory_space<vmem>>, vector<16xf32>,
      %get3A_408 = arith.index_cast %add3A_402 : i32 to index
      %get3A_409 = arith.constant 16 : index
      %get3A_410 = tpu.vector_load %arg7[%get3A_408, %get3A_409] {strides = array<i32>} : memref<128x64xf32, #tpu.memory_space<vmem>>, vector<16xf32>,
      %get3A_411 = arith.index_cast %add3A_402 : i32 to index
      %get3A_412 = arith.constant 32 : index
      %get3A_413 = tpu.vector_load %arg7[%get3A_411, %get3A_412] {strides = array<i32>} : memref<128x64xf32, #tpu.memory_space<vmem>>, vector<16xf32>,
      %get3A_414 = arith.index_cast %add3A_402 : i32 to index
      %get3A_415 = arith.constant 48 : index
      %get3A_416 = tpu.vector_load %arg7[%get3A_414, %get3A_415] {strides = array<i32>} : memref<128x64xf32, #tpu.memory_space<vmem>>, vector<16xf32>,
      tpu.vector_store_idx %arg9[%shift_right_arithmetic3A_13, %and3A_36, %add3A_386], %get3A_389 : memref<8x8x129xf32, #tpu.memory_space<vmem>>[vector<16xi32>, vector<16xi32>, vector<16xi32>], vector<16xf32>,
      tpu.vector_store_idx %arg9[%shift_right_arithmetic3A_19, %and3A_42, %add3A_386], %get3A_392 : memref<8x8x129xf32, #tpu.memory_space<vmem>>[vector<16xi32>, vector<16xi32>, vector<16xi32>], vector<16xf32>,
      tpu.vector_store_idx %arg9[%shift_right_arithmetic3A_25, %and3A_48, %add3A_386], %get3A_395 : memref<8x8x129xf32, #tpu.memory_space<vmem>>[vector<16xi32>, vector<16xi32>, vector<16xi32>], vector<16xf32>,
      tpu.vector_store_idx %arg9[%shift_right_arithmetic3A_31, %and3A_54, %add3A_386], %get3A_398 : memref<8x8x129xf32, #tpu.memory_space<vmem>>[vector<16xi32>, vector<16xi32>, vector<16xi32>], vector<16xf32>,
      %mul3A_417 = arith.constant 8 : i32
      %mul3A_418 = arith.muli %scan3A_290, %mul3A_417 : i32
      %add3A_419 = arith.constant 7 : i32
      %add3A_420 = arith.addi %mul3A_418, %add3A_419 : i32
      %add3A_421 = vector.broadcast %add3A_420 : i32 to vector<16xi32>
      %add3A_422 = arith.addi %min3A_7, %add3A_421 : vector<16xi32>
      %get3A_423 = arith.index_cast %add3A_420 : i32 to index
      %get3A_424 = arith.constant 0 : index
      %get3A_425 = tpu.vector_load %arg7[%get3A_423, %get3A_424] {strides = array<i32>} : memref<128x64xf32, #tpu.memory_space<vmem>>, vector<16xf32>,
      %get3A_426 = arith.index_cast %add3A_420 : i32 to index
      %get3A_427 = arith.constant 16 : index
      %get3A_428 = tpu.vector_load %arg7[%get3A_426, %get3A_427] {strides = array<i32>} : memref<128x64xf32, #tpu.memory_space<vmem>>, vector<16xf32>,
      %get3A_429 = arith.index_cast %add3A_420 : i32 to index
      %get3A_430 = arith.constant 32 : index
      %get3A_431 = tpu.vector_load %arg7[%get3A_429, %get3A_430] {strides = array<i32>} : memref<128x64xf32, #tpu.memory_space<vmem>>, vector<16xf32>,
      %get3A_432 = arith.index_cast %add3A_420 : i32 to index
      %get3A_433 = arith.constant 48 : index
      %get3A_434 = tpu.vector_load %arg7[%get3A_432, %get3A_433] {strides = array<i32>} : memref<128x64xf32, #tpu.memory_space<vmem>>, vector<16xf32>,
      tpu.vector_store_idx %arg9[%shift_right_arithmetic3A_13, %and3A_36, %add3A_404], %get3A_407 : memref<8x8x129xf32, #tpu.memory_space<vmem>>[vector<16xi32>, vector<16xi32>, vector<16xi32>], vector<16xf32>,
      tpu.vector_store_idx %arg9[%shift_right_arithmetic3A_19, %and3A_42, %add3A_404], %get3A_410 : memref<8x8x129xf32, #tpu.memory_space<vmem>>[vector<16xi32>, vector<16xi32>, vector<16xi32>], vector<16xf32>,
      tpu.vector_store_idx %arg9[%shift_right_arithmetic3A_25, %and3A_48, %add3A_404], %get3A_413 : memref<8x8x129xf32, #tpu.memory_space<vmem>>[vector<16xi32>, vector<16xi32>, vector<16xi32>], vector<16xf32>,
      tpu.vector_store_idx %arg9[%shift_right_arithmetic3A_31, %and3A_54, %add3A_404], %get3A_416 : memref<8x8x129xf32, #tpu.memory_space<vmem>>[vector<16xi32>, vector<16xi32>, vector<16xi32>], vector<16xf32>,
      tpu.vector_store_idx %arg9[%shift_right_arithmetic3A_13, %and3A_36, %add3A_422], %get3A_425 : memref<8x8x129xf32, #tpu.memory_space<vmem>>[vector<16xi32>, vector<16xi32>, vector<16xi32>], vector<16xf32>,
      tpu.vector_store_idx %arg9[%shift_right_arithmetic3A_19, %and3A_42, %add3A_422], %get3A_428 : memref<8x8x129xf32, #tpu.memory_space<vmem>>[vector<16xi32>, vector<16xi32>, vector<16xi32>], vector<16xf32>,
      tpu.vector_store_idx %arg9[%shift_right_arithmetic3A_25, %and3A_48, %add3A_422], %get3A_431 : memref<8x8x129xf32, #tpu.memory_space<vmem>>[vector<16xi32>, vector<16xi32>, vector<16xi32>], vector<16xf32>,
      tpu.vector_store_idx %arg9[%shift_right_arithmetic3A_31, %and3A_54, %add3A_422], %get3A_434 : memref<8x8x129xf32, #tpu.memory_space<vmem>>[vector<16xi32>, vector<16xi32>, vector<16xi32>], vector<16xf32>,
    }
    %scan3A_232 = arith.constant 16 : i32
    %dma_start3A_233 = arith.constant 49 : i32
    %dma_start3A_234 = arith.constant 0 : i32
    %dma_start3A_235 = arith.constant 0 : i32
    %dma_start3A_236 = arith.constant 0 : i32
    %dma_start3A_237 = tpu.memref_slice %arg9[%dma_start3A_234, %dma_start3A_235, %dma_start3A_236] : memref<8x8x129xf32, #tpu.memory_space<vmem>> -> memref<8x8x128xf32, #tpu.memory_space<vmem>>
    %dma_start3A_238 = arith.constant 0 : i32
    %dma_start3A_239 = arith.constant 0 : i32
    %dma_start3A_240 = arith.constant 0 : i32
    %dma_start3A_241 = tpu.memref_slice %arg4[%dma_start3A_233, %dma_start3A_238, %add3A, %dma_start3A_239, %dma_start3A_240] : memref<50x8x32x8x128xf32, #tpu.memory_space<hbm>> -> memref<1x8x1x8x128xf32, #tpu.memory_space<hbm>>
    %dma_start3A_242 = tpu.memref_squeeze %dma_start3A_241 : memref<1x8x1x8x128xf32, #tpu.memory_space<hbm>> -> memref<8x8x128xf32, #tpu.memory_space<hbm>>
    %dma_start3A_243 = arith.constant 0 : i32
    %dma_start3A_244 = arith.constant 0 : i32
    %dma_start3A_245 = arith.constant 0 : i32
    %dma_start3A_246 = tpu.memref_slice %arg4[%dma_start3A_233, %dma_start3A_243, %add3A, %dma_start3A_244, %dma_start3A_245] : memref<50x8x32x8x128xf32, #tpu.memory_space<hbm>> -> memref<1x8x1x8x128xf32, #tpu.memory_space<hbm>>
    %dma_start3A_247 = tpu.memref_squeeze %dma_start3A_246 : memref<1x8x1x8x128xf32, #tpu.memory_space<hbm>> -> memref<8x8x128xf32, #tpu.memory_space<hbm>>
    %dma_start3A_248 = arith.constant 0 : i32
    %dma_start3A_249 = arith.constant 0 : i32
    %dma_start3A_250 = arith.constant 0 : i32
    %dma_start3A_251 = tpu.memref_slice %arg9[%dma_start3A_248, %dma_start3A_249, %dma_start3A_250] : memref<8x8x129xf32, #tpu.memory_space<vmem>> -> memref<8x8x128xf32, #tpu.memory_space<vmem>>
    tpu.enqueue_dma source(%dma_start3A_251 : memref<8x8x128xf32, #tpu.memory_space<vmem>>) target(%dma_start3A_247 : memref<8x8x128xf32, #tpu.memory_space<hbm>>) target_semaphore(%arg13 : memref<!tpu.dma_semaphore, #tpu.memory_space<semaphore_mem>>)
    %dma_wait3A_252 = arith.constant 48 : i32
    %dma_wait3A_253 = arith.constant 0 : i32
    %dma_wait3A_254 = arith.constant 0 : i32
    %dma_wait3A_255 = arith.constant 0 : i32
    %dma_wait3A_256 = tpu.memref_slice %arg8[%dma_wait3A_253, %dma_wait3A_254, %dma_wait3A_255] : memref<8x8x129xf32, #tpu.memory_space<vmem>> -> memref<8x8x128xf32, #tpu.memory_space<vmem>>
    %dma_wait3A_257 = arith.constant 0 : i32
    %dma_wait3A_258 = arith.constant 0 : i32
    %dma_wait3A_259 = arith.constant 0 : i32
    %dma_wait3A_260 = tpu.memref_slice %arg4[%dma_wait3A_252, %dma_wait3A_257, %add3A, %dma_wait3A_258, %dma_wait3A_259] : memref<50x8x32x8x128xf32, #tpu.memory_space<hbm>> -> memref<1x8x1x8x128xf32, #tpu.memory_space<hbm>>
    %dma_wait3A_261 = tpu.memref_squeeze %dma_wait3A_260 : memref<1x8x1x8x128xf32, #tpu.memory_space<hbm>> -> memref<8x8x128xf32, #tpu.memory_space<hbm>>
    %dma_wait3A_262 = arith.constant 0 : i32
    %dma_wait3A_263 = arith.constant 0 : i32
    %dma_wait3A_264 = arith.constant 0 : i32
    %dma_wait3A_265 = tpu.memref_slice %arg4[%dma_wait3A_252, %dma_wait3A_262, %add3A, %dma_wait3A_263, %dma_wait3A_264] : memref<50x8x32x8x128xf32, #tpu.memory_space<hbm>> -> memref<1x8x1x8x128xf32, #tpu.memory_space<hbm>>
    %dma_wait3A_266 = tpu.memref_squeeze %dma_wait3A_265 : memref<1x8x1x8x128xf32, #tpu.memory_space<hbm>> -> memref<8x8x128xf32, #tpu.memory_space<hbm>>
    %dma_wait3A_267 = arith.constant 0 : i32
    %dma_wait3A_268 = arith.constant 0 : i32
    %dma_wait3A_269 = arith.constant 0 : i32
    %dma_wait3A_270 = tpu.memref_slice %arg8[%dma_wait3A_267, %dma_wait3A_268, %dma_wait3A_269] : memref<8x8x129xf32, #tpu.memory_space<vmem>> -> memref<8x8x128xf32, #tpu.memory_space<vmem>>
    tpu.wait_dma2 semaphore(%arg12 : memref<!tpu.dma_semaphore, #tpu.memory_space<semaphore_mem>>) src(%dma_wait3A_270 : memref<8x8x128xf32, #tpu.memory_space<vmem>>) dst(%dma_wait3A_266 : memref<8x8x128xf32, #tpu.memory_space<hbm>>)
    %dma_wait3A_271 = arith.constant 49 : i32
    %dma_wait3A_272 = arith.constant 0 : i32
    %dma_wait3A_273 = arith.constant 0 : i32
    %dma_wait3A_274 = arith.constant 0 : i32
    %dma_wait3A_275 = tpu.memref_slice %arg9[%dma_wait3A_272, %dma_wait3A_273, %dma_wait3A_274] : memref<8x8x129xf32, #tpu.memory_space<vmem>> -> memref<8x8x128xf32, #tpu.memory_space<vmem>>
    %dma_wait3A_276 = arith.constant 0 : i32
    %dma_wait3A_277 = arith.constant 0 : i32
    %dma_wait3A_278 = arith.constant 0 : i32
    %dma_wait3A_279 = tpu.memref_slice %arg4[%dma_wait3A_271, %dma_wait3A_276, %add3A, %dma_wait3A_277, %dma_wait3A_278] : memref<50x8x32x8x128xf32, #tpu.memory_space<hbm>> -> memref<1x8x1x8x128xf32, #tpu.memory_space<hbm>>
    %dma_wait3A_280 = tpu.memref_squeeze %dma_wait3A_279 : memref<1x8x1x8x128xf32, #tpu.memory_space<hbm>> -> memref<8x8x128xf32, #tpu.memory_space<hbm>>
    %dma_wait3A_281 = arith.constant 0 : i32
    %dma_wait3A_282 = arith.constant 0 : i32
    %dma_wait3A_283 = arith.constant 0 : i32
    %dma_wait3A_284 = tpu.memref_slice %arg4[%dma_wait3A_271, %dma_wait3A_281, %add3A, %dma_wait3A_282, %dma_wait3A_283] : memref<50x8x32x8x128xf32, #tpu.memory_space<hbm>> -> memref<1x8x1x8x128xf32, #tpu.memory_space<hbm>>
    %dma_wait3A_285 = tpu.memref_squeeze %dma_wait3A_284 : memref<1x8x1x8x128xf32, #tpu.memory_space<hbm>> -> memref<8x8x128xf32, #tpu.memory_space<hbm>>
    %dma_wait3A_286 = arith.constant 0 : i32
    %dma_wait3A_287 = arith.constant 0 : i32
    %dma_wait3A_288 = arith.constant 0 : i32
    %dma_wait3A_289 = tpu.memref_slice %arg9[%dma_wait3A_286, %dma_wait3A_287, %dma_wait3A_288] : memref<8x8x129xf32, #tpu.memory_space<vmem>> -> memref<8x8x128xf32, #tpu.memory_space<vmem>>
    tpu.wait_dma2 semaphore(%arg13 : memref<!tpu.dma_semaphore, #tpu.memory_space<semaphore_mem>>) src(%dma_wait3A_289 : memref<8x8x128xf32, #tpu.memory_space<vmem>>) dst(%dma_wait3A_285 : memref<8x8x128xf32, #tpu.memory_space<hbm>>)
    return
  }
}

</mosaic_0001>

<sc_bundles>
// kernel: kernel.3.cloned.1.call-start
scs
__scs_entry_jumppad:
0x0: {  	(pc) =	sbr.rel $0x88, $3  }
0x1: {  	(tag) =	ssettag $0x0;
	lr =	simm.s32 $0x1  }
0x2: {  	[smem:$0x3F9F] =	sst lr;
	_ =	strace $0xD0000000  }
0x3: {  	_ = 	snop  }
0x4: {  	_ = 	snop  }
0x5: {  	_ = 	snop  }
0x6: {  	_ = 	snop  }
0x7: {  	_ = 	snop  }
__scs_overlays_trampoline_lowered:
0x8: {  	[smem:$0x3FAE] =	sst s0  }
0x9: {  	[smem:$0x3FAF] =	sst s1  }
0xa: {  	[smem:$0x3FB0] =	sst s2  }
0xb: {  	[smem:$0x3FB1] =	sst s3  }
0xc: {  	[smem:$0x3FB2] =	sst s4  }
0xd: {  	[smem:$0x3FB3] =	sst s5  }
0xe: {  	[smem:$0x3FB4] =	sst s6  }
0xf: {  	[smem:$0x3FB5] =	sst s7  }
0x10: {  	[smem:$0x3FB6] =	sst s8  }
0x11: {  	[smem:$0x3FB7] =	sst s9;
	s0 =	simm.s32 @!p0 $0x0  }
0x12: {  	s1 =	sld [smem:$0x3F9D];
	s0 =	simm.s32 @p0 $0x1  }
0x13: {  	[smem:$0x3FB8] =	sst s0;
	s0 =	simm.s32 @!p1 $0x0  }
0x14: {  	s2 =	sld [smem:$0x3F9C];
	s0 =	simm.s32 @p1 $0x1  }
0x15: {  	[smem:$0x3FB9] =	sst s0;
	s0 =	simm.s32 @!p2 $0x0  }
0x16: {  	s3 =	sld [smem:$0x3FDB];
	s0 =	simm.s32 @p2 $0x1  }
0x17: {  	s4 =	simm.s32 $0x1BF5;
	[smem:$0x3FBB] =	sst s0  }
0x18: {  	s0 =	sld [smem:$0x3F9E];
	_ =	swait.ge [sflag:s4], $0x0  }
0x19: {  	s7 =	sld [smem:$0x3F9F]  }
0x1a: {  	s8 =	sadd.s32 $0xFFFFE003, lr  }
0x1b: {  	s9 =	sadd.s32 $0xFFFFFEF7, lr;
	s5 =	simm.s32 $0xFFFFFFFF;
	p2 =	slt.u32 s8, $0xFFFFF086  }
0x1c: {  	p1 =	slt.u32 s9, $0xF7A;
	s5 =	simm.s32 @!p2 $0x0  }
0x1d: {  	s5 =	simm.s32 @p1 $0x1;
	p0 =	seq.s32 s7, s2  }
0x1e: {  	s7 =	smul.u32 @!p0 $0xF7A, s2;
	p2 =	seq.s32 @!p0 s5, $0x0  }
0x1f: {  	s9 =	smul.u32 $0xF7A, s1;
	s8 =	simm.s32 @!p0 $0x1BF5;
	p2 =	por !p2, p0  }
0x20: {  	[sflag:s8] =	ssyncset.s32 @!p0 $0xFFFFF086;
	s6 =	sadd.s32 @!p0 s3, s7;
	s7 =	simm.s32 @!p0 $0x108  }
0x21: {  	s3 =	sadd.s32 s3, s9;
	s6 =	sadd.s32 @!p0 $0x88, s6;
	s7 =	simm.s32 @p2 $0x1082  }
0x22: {  	[simem:s7], [sflag:s8] =	dma.local @!p0 [hbm:s6], $0xF7A  }
0x23: {  	s9 =	sor.u32 $0xD0000000, s2;
	s6 =	simm.s32 $0x108;
	_ =	swait.ge @!p0 [sflag:s8], $0x0  }
0x24: {  	s3 =	sadd.s32 $0x88, s3;
	s6 =	simm.s32 @!p1 $0x1082;
	[sflag:s4] =	ssyncset.s32 $0xFFFFF086  }
0x25: {  	[simem:s6], [sflag:s4] =	dma.local [hbm:s3], $0xF7A  }
0x26: {  	[smem:$0x3F9F] =	sst s1;
	(tag) =	ssettag s2;
	_ =	strace s9  }
0x27: {  	s1 =	sld [smem:$0x3FAF]  }
0x28: {  	s2 =	sld [smem:$0x3FB0]  }
0x29: {  	s4 =	sld [smem:$0x3FB2]  }
0x2a: {  	p0 =	seq.s32 s5, $0x0;
	s5 =	sld [smem:$0x3FB3]  }
0x2b: {  	s6 =	sld [smem:$0x3FB4]  }
0x2c: {  	s7 =	sld [smem:$0x3FB5]  }
0x2d: {  	s3 =	simm.s32 $0x108;
	s8 =	sld [smem:$0x3FB6]  }
0x2e: {  	s3 =	simm.s32 @!p0 $0x1082;
	s9 =	sld [smem:$0x3FB7]  }
0x2f: {  	lr =	sadd.s32 s0, s3;
	s0 =	sld [smem:$0x3FAE]  }
0x30: {  	s3 =	sld [smem:$0x3FB1]  }
0x31: {  	[smem:$0x3FBA] =	sst s10  }
0x32: {  	s10 =	sld [smem:$0x3FB8];
	_ =	sdelay $0x3  }
0x33: {  	p0 =	seq.s32 s10, $0x1;
	s10 =	sld [smem:$0x3FBA];
	_ =	sdelay $0x3  }
0x34: {  	[smem:$0x3FBA] =	sst s10  }
0x35: {  	s10 =	sld [smem:$0x3FB9];
	_ =	sdelay $0x3  }
0x36: {  	p1 =	seq.s32 s10, $0x1;
	s10 =	sld [smem:$0x3FBA];
	_ =	sdelay $0x3  }
0x37: {  	[smem:$0x3FBA] =	sst s10  }
0x38: {  	s10 =	sld [smem:$0x3FBB]  }
0x39: {  	_ = 	snop;
	(pc) =	sbr.ind lr, $3  }
0x3a: {  	_ = 	snop  }
0x3b: {  	_ = 	snop  }
0x3c: {  	p2 =	seq.s32 s10, $0x1;
	s10 =	sld [smem:$0x3FBA]  }
0x3d: {  	_ =	shalt  }
0x3e: {  	_ =	shalt  }
0x3f: {  	_ =	shalt  }
0x40: {  	_ =	shalt  }
0x41: {  	_ =	shalt  }
0x42: {  	_ =	shalt  }
0x43: {  	_ =	shalt  }
0x44: {  	_ =	shalt  }
0x45: {  	_ =	shalt  }
0x46: {  	_ =	shalt  }
0x47: {  	_ =	shalt  }
0x48: {  	_ =	shalt  }
0x49: {  	_ =	shalt  }
0x4a: {  	_ =	shalt  }
0x4b: {  	_ =	shalt  }
0x4c: {  	_ =	shalt  }
0x4d: {  	_ =	shalt  }
0x4e: {  	_ =	shalt  }
0x4f: {  	_ =	shalt  }
0x50: {  	_ =	shalt  }
0x51: {  	_ =	shalt  }
0x52: {  	_ =	shalt  }
0x53: {  	_ =	shalt  }
0x54: {  	_ =	shalt  }
0x55: {  	_ =	shalt  }
0x56: {  	_ =	shalt  }
0x57: {  	_ =	shalt  }
0x58: {  	_ =	shalt  }
0x59: {  	_ =	shalt  }
0x5a: {  	_ =	shalt  }
0x5b: {  	_ =	shalt  }
0x5c: {  	_ =	shalt  }
0x5d: {  	_ =	shalt  }
0x5e: {  	_ =	shalt  }
0x5f: {  	_ =	shalt  }
0x60: {  	_ =	shalt  }
0x61: {  	_ =	shalt  }
0x62: {  	_ =	shalt  }
0x63: {  	_ =	shalt  }
0x64: {  	_ =	shalt  }
0x65: {  	_ =	shalt  }
0x66: {  	_ =	shalt  }
0x67: {  	_ =	shalt  }
0x68: {  	_ =	shalt  }
0x69: {  	_ =	shalt  }
0x6a: {  	_ =	shalt  }
0x6b: {  	_ =	shalt  }
0x6c: {  	_ =	shalt  }
0x6d: {  	_ =	shalt  }
0x6e: {  	_ =	shalt  }
0x6f: {  	_ =	shalt  }
0x70: {  	_ =	shalt  }
0x71: {  	_ =	shalt  }
0x72: {  	_ =	shalt  }
0x73: {  	_ =	shalt  }
0x74: {  	_ =	shalt  }
0x75: {  	_ =	shalt  }
0x76: {  	_ =	shalt  }
0x77: {  	_ =	shalt  }
0x78: {  	_ =	shalt  }
0x79: {  	_ =	shalt  }
0x7a: {  	_ =	shalt  }
0x7b: {  	_ =	shalt  }
0x7c: {  	_ =	shalt  }
0x7d: {  	_ =	shalt  }
0x7e: {  	_ =	shalt  }
0x7f: {  	_ =	shalt  }
0x80: {  	_ =	shalt  }
0x81: {  	_ =	shalt  }
0x82: {  	_ =	shalt  }
0x83: {  	_ =	shalt  }
0x84: {  	_ =	shalt  }
0x85: {  	_ =	shalt  }
0x86: {  	_ =	shalt  }
0x87: {  	_ =	shalt  }
.Lfunc_end0:
.L_simem_size_0:
called_computation_lowered:
.L_overlay_start_0:
0x88: {  	s2 =	sld [smem:$0x3FD9]  }
0x89: {  	s3 =	sld [smem:$0x3FFE];
	_ =	sdelay $0x1  }
0x8a: {  	s1 =	srdreg.scid  }
0x8b: {  	s0 =	sand.u32 $0x1, s1  }
0x8c: {  	s17 =	sshll.u32 s0, $0xA;
	s2 =	sadd.s32 s3, s2  }
0x8d: {  	s2 =	sadd.s32 s2, s17  }
0x8e: {  	[smem:$0x3FC6] =	sst s2  }
0x8f: {  	_ = 	snop  }
0x90: {  	s2 =	sld [smem:$0x3FD0];
	(tm) =	ssettm $0x1  }
0x91: {  	s18 =	sld [smem:$0x3FFB];
	_ =	sdelay $0x3  }
0x92: {  	_ =	strace s18  }
0x93: {  	s3 =	sld [smem:$0x3FFC];
	_ =	sdelay $0x3  }
0x94: {  	_ =	strace s3  }
0x95: {  	s3 =	sld [smem:$0x3FFD];
	_ =	sdelay $0x3  }
0x96: {  	_ =	strace s3  }
0x97: {  	_ =	strace $0x8FFFFFFF  }
0x98: {  	s19 =	sld [smem:$0x3FDB];
	_ =	sdelay $0x1  }
0x99: {  	s4 =	simm.s32 $_scs_section_size  }
0x9a: {  	s5 =	simm.s32 $_size__tile_overlayer_lowered;
	s6 =	simm.s32 $_tile_overlayer_lowered  }
0x9b: {  	s22 =	simm.s32 $0x1BFF;
	s21 =	sshll.u32 s6, $0x1;
	s3 =	sadd.s32 s4, s19  }
0x9c: {  	s7 =	simm.s32 $0x0;
	s20 =	sshll.u32 s5, $0x1;
	s5 =	sadd.s32 s21, s3  }
0x9d: {  	[timem:s7], [sflag:s22] =	dma.local [hbm:s5], s20  }
0x9e: {  	_ =	swait.ge [sflag:s22], s20  }
0x9f: {  	s4 =	ssub.s32 $0x0, s20;
	[sflag:s22] =	ssyncset.done $0x0  }
0xa0: {  	[sflag:s22] =	ssyncadd.s32 s4;
	_ =	sdelay $0x1  }
0xa1: {  	s23 =	simm.s32 $0x1B8B  }
0xa2: {  	_ =	swait.ge [sflag:s23], $0x1  }
0xa3: {  	[sflag:s23] =	ssyncset.done $0x0  }
0xa4: {  	s25 =	simm.s32 $0x1B8E;
	s24 =	sld [smem:$0x3FFE];
	[sflag:s23] =	ssyncadd.s32 $0xFFFFFFFF  }
0xa5: {  	s26 =	simm.s32 $execute0_lowered;
	[smem:$0x3FD2] =	sst s25  }
0xa6: {  	s5 =	sshll.u32 s26, $0x1;
	_ =	strace $0x80000046;
	[dreg:$0x1] =	wrdreg $0xFFFFFFFF  }
0xa7: {  	s28 =	simm.s32 $_size_execute0_lowered;
	s3 =	sadd.s32 s3, s5;
	[dreg:$0x0] =	wrdreg $0x0  }
0xa8: {  	s5 =	sshll.u32 s28, $0x1;
	[dreg:$0x2] =	wrdreg s3  }
0xa9: {  	[dreg:$0x3] =	wrdreg s5  }
0xaa: {  	[dreg:$0x4] =	wrdreg $0xC0  }
0xab: {  	_ =	task [dreg:s7], $0x5FFFF  }
0xac: {  	[dreg:$0x1] =	wrdreg $0xFFFFFFFF  }
0xad: {  	[dreg:$0x0] =	wrdreg $0x60  }
0xae: {  	[dreg:$0x2] =	wrdreg s24  }
0xaf: {  	[dreg:$0x3] =	wrdreg s2  }
0xb0: {  	[dreg:$0x4] =	wrdreg $0x9  }
0xb1: {  	_ =	task.clear_ibuf [dreg:s7], $0x5FFFF;
	_ =	strace $0x90000046  }
0xb2: {  	s29 =	simm.s32 $0x9;
	_ =	strace $0x80000048  }
0xb3: {  	_ =	swait.ge [sflag:s29], $0x1  }
0xb4: {  	[sflag:s29] =	ssyncadd.s32 $0xFFFFFFFF  }
0xb5: {  	_ =	strace $0x90000048  }
0xb6: {  	_ =	sfence  }
0xb7: {  	s30 =	sld [smem:$0x0];
	_ =	sdelay $0x2  }
0xb8: {  	s31 =	sshll.u32 s1, $0xD;
	s1 =	sshrl.u32 s1, $0x2  }
0xb9: {  	s3 =	sand.u32 $0x4000, s31;
	s1 =	sadd.s32 s1, s30  }
0xba: {  	s0 =	sor.u32 s3, s0;
	s1 =	sshll.u32 s1, $0x11  }
0xbb: {  	s0 =	sor.u32 s1, s0  }
0xbc: {  	s0 =	sadd.s32 $0x8F2B, s0  }
0xbd: {  	[sflag:s0] =	ssyncadd.remote.s32 $0x1  }
0xbe: {  	_ =	sfence.sel $0xFFFF  }
0xbf: {  	[dreg:$0x0] =	wrdreg $0xFFFFFFFF;
	(pc) =	sbr.abs _section_cstart, $3  }
0xc0: {  	[dreg:$0x1] =	wrdreg $0xFFFFFFFF  }
0xc1: {  	_ =	task.clear_ibuf [dreg:s7], $0x2FFFF;
	_ =	strace $0x9FFFFFFF  }
0xc2: {  	(tm) =	ssettm $0x7FFFFFFF  }
0xc3: {  	_ =	shalt  }
tec
execute0_lowered:
.L_overlay_start_1:
0x0: {  	(tag) =	ssettag $0x1  }
0x1: {  	s0 =	rddreg [dreg:$0x0]  }
0x2: {  	s2 =	rddreg [dreg:$0x1];
	s3 =	simm.s32 $0x0  }
0x3: {  	s1 =	srdreg.scid;
	s4 =	stileid.u32;
	s13 =	simm.s32 $0x80  }
0x4: {  	s15 =	simm.s32 $0x5;
	s16 =	simm.s32 $0x1900;
	s17 =	simm.s32 $0x3900  }
0x5: {  	s18 =	simm.s32 $0x1;
	s19 =	simm.s32 $0x5900;
	s21 =	simm.s32 $0x2  }
0x6: {  	s22 =	simm.s32 $0x7B00;
	s23 =	simm.s32 $0x180;
	s24 =	simm.s32 $0x3  }
0x7: {  	s25 =	simm.s32 $0x4;
	s26 =	simm.s32 $0x0;
	[smem:$0x7FF] =	sst s3  }
0x8: {  	s1 =	sand.u32 $0x1, s1;
	s4 =	sshll.u32 s4, $0x1;
	s8 =	sadd.s32 $0x8000, s2  }
0x9: {  	_ =	strace $0x80000047;
	s5 =	sor.u32 s1, s4;
	s1 =	ssub.s32 $0x2, s1  }
0xa: {  	s4 =	sadd.s32 $0x6800, s0;
	s6 =	sshll.u32 s5, $0x4;
	s7 =	sshrl.u32 s1, $0x1  }
0xb: {  	s5 =	sshll.u32 s5, $0x7;
	s0 =	sadd.s32 s6, s0;
	s1 =	ssub.s32 s1, s7  }
0xc: {  	v0 =	vlaneseq.u32;
	s7 =	sadd.s32 s2, s5;
	s9 =	sadd.s32 s5, s8;
	s6 =	sadd.s32 $0x400, s0  }
0xd: {  	v1 =	vor.u32 $0x10, v0;
	v2 =	vor.u32 $0x20, v0;
	v3 =	vor.u32 $0x30, v0;
	s10 =	sadd.s32 $0x180000, s7;
	s11 =	sadd.s32 $0x188000, s7;
	s12 =	smax.u32 s1, $0x1  }
.LBB2_1:
0xe: {  	s0 =	simm.s32 $0x1000  }
0xf: {  	[tilespmem:s3], [sflag:$0x5] =	stream.strided.gather [hbm4b:s6+s13], $0x1900, s0, s13, $0x38;
	[tilespmem:$0x9D00] =	vst v63  }
0x10: {  	_ =	swait.ge [sflag:s15], $0x1900  }
0x11: {  	[sflag:s15] =	ssyncset.done $0x0  }
0x12: {  	[sflag:s15] =	ssyncadd.s32 $0xFFFFE700  }
0x13: {  	v4 =	vld [tilespmem:$0x0];
	_ =	sdelay $0x4  }
0x14: {  	v5 =	vshra.s32 v4, $0x1F  }
0x15: {  	v4 =	vand.u32 v5, v4  }
0x16: {  	v5 =	vadd.s32 v0, v4;
	v7 =	vadd.s32 v1, v4  }
0x17: {  	v8 =	vadd.s32 v2, v4;
	v11 =	vadd.s32 v3, v4;
	v6 =	vshrl.u32 v5, $0x3  }
0x18: {  	v9 =	vshrl.u32 v7, $0x3;
	v10 =	vshrl.u32 v8, $0x3;
	v5 =	vand.u32 $0x7, v5  }
0x19: {  	v12 =	vshrl.u32 v11, $0x3;
	v7 =	vand.u32 $0x7, v7;
	v8 =	vand.u32 $0x7, v8  }
0x1a: {  	[tilespmem:s16], [sflag:$0x1] =	stream.indirect.gather [hbm4b:s4+s13], $0x40, s3, s13, $0xb8;
	v11 =	vand.u32 $0x7, v11;
	v6 =	vmul.u32 $0x440, v6;
	v5 =	vmul.u32 $0x88, v5;
	[tilespmem:$0x9D00] =	vst v63  }
0x1b: {  	v9 =	vmul.u32 $0x440, v9;
	v7 =	vmul.u32 $0x88, v7;
	v10 =	vmul.u32 $0x440, v10  }
0x1c: {  	[tilespmem:s17], [sflag:$0x2] =	stream.indirect.gather [hbm4b:s4+s13], $0x40, s13, s13, $0xb8;
	v8 =	vmul.u32 $0x88, v8;
	v12 =	vmul.u32 $0x440, v12;
	v11 =	vmul.u32 $0x88, v11;
	[tilespmem:$0x9D00] =	vst v63  }
0x1d: {  	_ =	swait.ge [sflag:s18], $0x2000;
	v13 =	vand.u32 $0x7, v4;
	v5 =	vadd.s32 v5, v6;
	v7 =	vadd.s32 v7, v9  }
0x1e: {  	[sflag:s18] =	ssyncset.done $0x0;
	v8 =	vadd.s32 v8, v10;
	v9 =	vadd.s32 v11, v12;
	v6 =	vor.u32 v13, v5  }
0x1f: {  	s28 =	simm.s32 $0x7;
	s29 =	simm.s32 $0x1A00;
	[sflag:s18] =	ssyncadd.s32 $0xFFFFE000;
	v10 =	vor.u32 v13, v7;
	v11 =	vor.u32 v13, v8;
	v12 =	vor.u32 v13, v9  }
.LBB2_2:
0x20: {  	s0 =	sadd.s32 $0xFFFFFFF9, s28  }
0x21: {  	v13 =	vld [tilespmem:s29+$0xFFFFFF00];
	v14 =	vadd.s32 s0, v4  }
0x22: {  	v15 =	vld [tilespmem:s29+$0xFFFFFF10];
	v14 =	vand.u32 $0xFFFFFFF8, v14  }
0x23: {  	v16 =	vld [tilespmem:s29+$0xFFFFFF20];
	v18 =	vadd.s32 v6, v14  }
0x24: {  	v17 =	vld [tilespmem:s29+$0xFFFFFF30];
	v20 =	vadd.s32 v10, v14  }
0x25: {  	v19 =	vld [tilespmem:s29+$0xFFFFFF40];
	v22 =	vadd.s32 v11, v14  }
0x26: {  	v21 =	vld [tilespmem:s29+$0xFFFFFF50];
	v14 =	vadd.s32 v12, v14  }
0x27: {  	v23 =	vld [tilespmem:s29+$0xFFFFFF60];
	s31 =	sadd.s32 $0xFFFFFFFA, s28  }
0x28: {  	v24 =	vld [tilespmem:s29+$0xFFFFFF70];
	v25 =	vadd.s32 s31, v4;
	[tilespmem:v18+s19+$0x0] =	vst.idx.msk $0xffff, v13  }
0x29: {  	v13 =	vand.u32 $0xFFFFFFF8, v25;
	[tilespmem:v20+s19+$0x0] =	vst.idx.msk $0xffff, v15  }
0x2a: {  	v15 =	vand.u32 $0x7, v25;
	v27 =	vadd.s32 v5, v13;
	[tilespmem:v22+s19+$0x0] =	vst.idx.msk $0xffff, v16  }
0x2b: {  	v28 =	vadd.s32 v7, v13;
	[tilespmem:v14+s19+$0x0] =	vst.idx.msk $0xffff, v17;
	v14 =	vor.u32 v15, v27  }
0x2c: {  	v29 =	vadd.s32 v8, v13;
	v16 =	vor.u32 v15, v28  }
0x2d: {  	v13 =	vadd.s32 v9, v13;
	v18 =	vor.u32 v15, v29;
	v17 =	vld [tilespmem:s29+$0xFFFFFF80]  }
0x2e: {  	v13 =	vor.u32 v15, v13;
	v20 =	vld [tilespmem:s29+$0xFFFFFF90]  }
0x2f: {  	s1 =	sadd.s32 $0xFFFFFFFB, s28;
	v22 =	vld [tilespmem:s29+$0xFFFFFFA0]  }
0x30: {  	v30 =	vadd.s32 s1, v4;
	v15 =	vld [tilespmem:s29+$0xFFFFFFB0];
	[tilespmem:v14+s19+$0x0] =	vst.idx.msk $0xffff, v19  }
0x31: {  	v14 =	vand.u32 $0xFFFFFFF8, v30;
	[tilespmem:v16+s19+$0x0] =	vst.idx.msk $0xffff, v21  }
0x32: {  	v31 =	vand.u32 $0x7, v30;
	v32 =	vadd.s32 v5, v14;
	[tilespmem:v18+s19+$0x0] =	vst.idx.msk $0xffff, v23  }
0x33: {  	v33 =	vadd.s32 v7, v14;
	[tilespmem:v13+s19+$0x0] =	vst.idx.msk $0xffff, v24;
	v13 =	vor.u32 v31, v32  }
0x34: {  	v34 =	vadd.s32 v8, v14;
	v18 =	vor.u32 v31, v33  }
0x35: {  	v14 =	vadd.s32 v9, v14;
	v21 =	vor.u32 v31, v34;
	v19 =	vld [tilespmem:s29+$0xFFFFFFC0]  }
0x36: {  	v14 =	vor.u32 v31, v14;
	v23 =	vld [tilespmem:s29+$0xFFFFFFD0]  }
0x37: {  	s14 =	sadd.s32 $0xFFFFFFFC, s28;
	v24 =	vld [tilespmem:s29+$0xFFFFFFE0]  }
0x38: {  	v36 =	vadd.s32 s14, v4;
	v35 =	vld [tilespmem:s29+$0xFFFFFFF0];
	[tilespmem:v13+s19+$0x0] =	vst.idx.msk $0xffff, v17  }
0x39: {  	v13 =	vand.u32 $0xFFFFFFF8, v36;
	[tilespmem:v18+s19+$0x0] =	vst.idx.msk $0xffff, v20  }
0x3a: {  	v37 =	vand.u32 $0x7, v36;
	v38 =	vadd.s32 v5, v13;
	[tilespmem:v21+s19+$0x0] =	vst.idx.msk $0xffff, v22  }
0x3b: {  	[tilespmem:v14+s19+$0x0] =	vst.idx.msk $0xffff, v15;
	v14 =	vor.u32 v37, v38;
	v15 =	vadd.s32 v7, v13  }
0x3c: {  	v40 =	vadd.s32 v8, v13;
	v15 =	vor.u32 v37, v15  }
0x3d: {  	v20 =	vor.u32 v37, v40;
	v13 =	vadd.s32 v9, v13;
	v39 =	vld [tilespmem:s29+$0x0]  }
0x3e: {  	v21 =	vld [tilespmem:s29+$0x10];
	v13 =	vor.u32 v37, v13  }
0x3f: {  	s20 =	sadd.s32 $0xFFFFFFFD, s28;
	v22 =	vld [tilespmem:s29+$0x20]  }
0x40: {  	v42 =	vadd.s32 s20, v4;
	v41 =	vld [tilespmem:s29+$0x30];
	[tilespmem:v14+s19+$0x0] =	vst.idx.msk $0xffff, v19  }
0x41: {  	v14 =	vand.u32 $0xFFFFFFF8, v42;
	[tilespmem:v15+s19+$0x0] =	vst.idx.msk $0xffff, v23  }
0x42: {  	v15 =	vand.u32 $0x7, v42;
	v43 =	vadd.s32 v5, v14;
	[tilespmem:v20+s19+$0x0] =	vst.idx.msk $0xffff, v24  }
0x43: {  	v44 =	vadd.s32 v7, v14;
	[tilespmem:v13+s19+$0x0] =	vst.idx.msk $0xffff, v35;
	v13 =	vor.u32 v15, v43  }
0x44: {  	v46 =	vadd.s32 v8, v14;
	v16 =	vor.u32 v15, v44  }
0x45: {  	v14 =	vadd.s32 v9, v14;
	v20 =	vor.u32 v15, v46;
	v45 =	vld [tilespmem:s29+$0x40]  }
0x46: {  	v14 =	vor.u32 v15, v14;
	v23 =	vld [tilespmem:s29+$0x50]  }
0x47: {  	s30 =	sadd.s32 $0xFFFFFFFE, s28;
	v24 =	vld [tilespmem:s29+$0x60]  }
0x48: {  	v47 =	vadd.s32 s30, v4;
	v15 =	vld [tilespmem:s29+$0x70];
	[tilespmem:v13+s19+$0x0] =	vst.idx.msk $0xffff, v39  }
0x49: {  	v13 =	vand.u32 $0xFFFFFFF8, v47;
	[tilespmem:v16+s19+$0x0] =	vst.idx.msk $0xffff, v21  }
0x4a: {  	v48 =	vand.u32 $0x7, v47;
	v49 =	vadd.s32 v5, v13;
	[tilespmem:v20+s19+$0x0] =	vst.idx.msk $0xffff, v22  }
0x4b: {  	v50 =	vadd.s32 v7, v13;
	[tilespmem:v14+s19+$0x0] =	vst.idx.msk $0xffff, v41;
	v14 =	vor.u32 v48, v49  }
0x4c: {  	v52 =	vadd.s32 v8, v13;
	v17 =	vor.u32 v48, v50  }
0x4d: {  	v13 =	vadd.s32 v9, v13;
	v20 =	vor.u32 v48, v52;
	v51 =	vld [tilespmem:s29+$0x80]  }
0x4e: {  	v13 =	vor.u32 v48, v13;
	v21 =	vld [tilespmem:s29+$0x90]  }
0x4f: {  	s31 =	sadd.s32 $0xFFFFFFFF, s28;
	v22 =	vld [tilespmem:s29+$0xA0]  }
0x50: {  	v54 =	vadd.s32 s31, v4;
	v53 =	vld [tilespmem:s29+$0xB0];
	[tilespmem:v14+s19+$0x0] =	vst.idx.msk $0xffff, v45  }
0x51: {  	v14 =	vand.u32 $0xFFFFFFF8, v54;
	[tilespmem:v17+s19+$0x0] =	vst.idx.msk $0xffff, v23  }
0x52: {  	v55 =	vand.u32 $0x7, v54;
	v56 =	vadd.s32 v5, v14;
	[tilespmem:v20+s19+$0x0] =	vst.idx.msk $0xffff, v24  }
0x53: {  	[tilespmem:v13+s19+$0x0] =	vst.idx.msk $0xffff, v15;
	v13 =	vor.u32 v55, v56;
	v15 =	vadd.s32 v7, v14  }
0x54: {  	v57 =	vadd.s32 s28, v4;
	v58 =	vadd.s32 v8, v14;
	v15 =	vor.u32 v55, v15  }
0x55: {  	v59 =	vand.u32 $0xFFFFFFF8, v57;
	v23 =	vor.u32 v55, v58;
	v14 =	vadd.s32 v9, v14;
	v20 =	vld [tilespmem:s29+$0xC0]  }
0x56: {  	v60 =	vand.u32 $0x7, v57;
	v61 =	vadd.s32 v5, v59;
	v24 =	vld [tilespmem:s29+$0xD0];
	v14 =	vor.u32 v55, v14  }
0x57: {  	v28 =	vadd.s32 v7, v59;
	v19 =	vor.u32 v60, v61;
	v26 =	vld [tilespmem:s29+$0xE0]  }
0x58: {  	v62 =	vadd.s32 v8, v59;
	v27 =	vld [tilespmem:s29+$0xF0];
	[tilespmem:v13+s19+$0x0] =	vst.idx.msk $0xffff, v51;
	v13 =	vor.u32 v60, v28  }
0x59: {  	v63 =	vadd.s32 v9, v59;
	[tilespmem:v15+s19+$0x0] =	vst.idx.msk $0xffff, v21;
	v15 =	vor.u32 v60, v62  }
0x5a: {  	p0 =	sne.s32 s28, $0x7F;
	v17 =	vor.u32 v60, v63;
	[tilespmem:v23+s19+$0x0] =	vst.idx.msk $0xffff, v22  }
.Ltmp0:
0x5b: {  	[tilespmem:v14+s19+$0x0] =	vst.idx.msk $0xffff, v53;
	(pc) =	sbr.rel @p0 .LBB2_2-.Ltmp0, $4  }
0x5c: {  	[tilespmem:v19+s19+$0x0] =	vst.idx.msk $0xffff, v20  }
0x5d: {  	[tilespmem:v13+s19+$0x0] =	vst.idx.msk $0xffff, v24  }
0x5e: {  	[tilespmem:v15+s19+$0x0] =	vst.idx.msk $0xffff, v26  }
0x5f: {  	s28 =	sadd.s32 $0x8, s28;
	s29 =	sadd.s32 $0x200, s29;
	[tilespmem:v17+s19+$0x0] =	vst.idx.msk $0xffff, v27  }
0x60: {  	s0 =	simm.s32 $0x5900  }
0x61: {  	[hbm4b:s7+s3] =	stream.linear.scatter [tilespmem:s0], [sflag:$0x3], $0x80, $0x38;
	[tilespmem:$0x9D00] =	vst v63  }
0x62: {  	s14 =	simm.s32 $0x5988;
	s1 =	sadd.s32 $0x10, s7  }
0x63: {  	[hbm4b:s1+s3] =	stream.linear.scatter [tilespmem:s14], [sflag:$0x3], $0x80, $0x38;
	[tilespmem:$0x9D00] =	vst v63  }
0x64: {  	s20 =	simm.s32 $0x5A10;
	s31 =	sadd.s32 $0x20, s7;
	s29 =	simm.s32 $0x2200  }
0x65: {  	[hbm4b:s31+s3] =	stream.linear.scatter [tilespmem:s20], [sflag:$0x3], $0x80, $0x38;
	[tilespmem:$0x9D00] =	vst v63  }
0x66: {  	s30 =	simm.s32 $0x5CB8;
	s1 =	simm.s32 $0x5A98;
	s14 =	sadd.s32 $0x30, s7  }
0x67: {  	[hbm4b:s14+s3] =	stream.linear.scatter [tilespmem:s1], [sflag:$0x3], $0x80, $0x38;
	[tilespmem:$0x9D00] =	vst v63  }
0x68: {  	s28 =	sadd.s32 $0x1000, s7;
	s20 =	simm.s32 $0x5B20;
	s31 =	sadd.s32 $0x40, s7  }
0x69: {  	[hbm4b:s31+s3] =	stream.linear.scatter [tilespmem:s20], [sflag:$0x3], $0x80, $0x38;
	[tilespmem:$0x9D00] =	vst v63  }
0x6a: {  	s0 =	simm.s32 $0x440;
	s1 =	simm.s32 $0x5BA8;
	s14 =	sadd.s32 $0x50, s7  }
0x6b: {  	[hbm4b:s14+s3] =	stream.linear.scatter [tilespmem:s1], [sflag:$0x3], $0x80, $0x38;
	[tilespmem:$0x9D00] =	vst v63  }
0x6c: {  	s20 =	simm.s32 $0x5C30;
	s31 =	sadd.s32 $0x60, s7;
	s1 =	sadd.s32 $0x70, s7  }
0x6d: {  	[hbm4b:s31+s3] =	stream.linear.scatter [tilespmem:s20], [sflag:$0x3], $0x80, $0x38;
	[tilespmem:$0x9D00] =	vst v63  }
.LBB2_4:
0x6e: {  	[hbm4b:s1+s3] =	stream.linear.scatter [tilespmem:s30], [sflag:$0x3], $0x80, $0x38;
	[tilespmem:$0x9D00] =	vst v63  }
0x6f: {  	s1 =	smov.u32 s0;
	s0 =	smov.u32 s29  }
0x70: {  	s14 =	sadd.s32 $0x1100, s29;
	s0 =	sshra.s32 s0, $0x2;
	s30 =	sadd.s32 $0x5900, s1  }
0x71: {  	[hbm4b:s28+s3] =	stream.linear.scatter [tilespmem:s30], [sflag:$0x3], $0x80, $0x38;
	[tilespmem:$0x9D00] =	vst v63  }
0x72: {  	p0 =	sne.s32 s29, $0x7700;
	s29 =	sadd.s32 $0x5988, s1;
	s30 =	sadd.s32 $0x10, s28  }
0x73: {  	[hbm4b:s30+s3] =	stream.linear.scatter [tilespmem:s29], [sflag:$0x3], $0x80, $0x38;
	[tilespmem:$0x9D00] =	vst v63  }
0x74: {  	s29 =	sadd.s32 $0x5A10, s1;
	s30 =	sadd.s32 $0x20, s28  }
0x75: {  	[hbm4b:s30+s3] =	stream.linear.scatter [tilespmem:s29], [sflag:$0x3], $0x80, $0x38;
	[tilespmem:$0x9D00] =	vst v63  }
0x76: {  	s29 =	sadd.s32 $0x5A98, s1;
	s30 =	sadd.s32 $0x30, s28  }
0x77: {  	[hbm4b:s30+s3] =	stream.linear.scatter [tilespmem:s29], [sflag:$0x3], $0x80, $0x38;
	[tilespmem:$0x9D00] =	vst v63  }
0x78: {  	s29 =	sadd.s32 $0x5B20, s1;
	s30 =	sadd.s32 $0x40, s28  }
0x79: {  	[hbm4b:s30+s3] =	stream.linear.scatter [tilespmem:s29], [sflag:$0x3], $0x80, $0x38;
	[tilespmem:$0x9D00] =	vst v63  }
0x7a: {  	s29 =	sadd.s32 $0x5BA8, s1;
	s30 =	sadd.s32 $0x50, s28  }
0x7b: {  	[hbm4b:s30+s3] =	stream.linear.scatter [tilespmem:s29], [sflag:$0x3], $0x80, $0x38;
	[tilespmem:$0x9D00] =	vst v63  }
.Ltmp1:
0x7c: {  	_ = 	snop;
	(pc) =	sbr.rel @p0 .LBB2_4-.Ltmp1, $4  }
0x7d: {  	s29 =	sadd.s32 $0x5C30, s1;
	s30 =	sadd.s32 $0x60, s28  }
0x7e: {  	[hbm4b:s30+s3] =	stream.linear.scatter [tilespmem:s29], [sflag:$0x3], $0x80, $0x38;
	[tilespmem:$0x9D00] =	vst v63  }
0x7f: {  	s30 =	sadd.s32 $0x5CB8, s1  }
0x80: {  	s1 =	sadd.s32 $0x70, s28;
	s28 =	sadd.s32 $0x1000, s28;
	s29 =	smov.u32 s14  }
0x81: {  	[hbm4b:s1+s3] =	stream.linear.scatter [tilespmem:s30], [sflag:$0x3], $0x80, $0x38;
	[tilespmem:$0x9D00] =	vst v63  }
0x82: {  	s14 =	sadd.s32 $0x5900, s0  }
0x83: {  	[hbm4b:s28+s3] =	stream.linear.scatter [tilespmem:s14], [sflag:$0x3], $0x80, $0x38;
	[tilespmem:$0x9D00] =	vst v63  }
0x84: {  	s20 =	sadd.s32 $0x5988, s0;
	s14 =	sadd.s32 $0x10, s28  }
0x85: {  	[hbm4b:s14+s3] =	stream.linear.scatter [tilespmem:s20], [sflag:$0x3], $0x80, $0x38;
	[tilespmem:$0x9D00] =	vst v63  }
0x86: {  	s30 =	sadd.s32 $0x5A10, s0;
	s31 =	sadd.s32 $0x20, s28  }
0x87: {  	[hbm4b:s31+s3] =	stream.linear.scatter [tilespmem:s30], [sflag:$0x3], $0x80, $0x38;
	[tilespmem:$0x9D00] =	vst v63  }
0x88: {  	s14 =	sadd.s32 $0x5A98, s0;
	s20 =	sadd.s32 $0x30, s28  }
0x89: {  	[hbm4b:s20+s3] =	stream.linear.scatter [tilespmem:s14], [sflag:$0x3], $0x80, $0x38;
	[tilespmem:$0x9D00] =	vst v63  }
0x8a: {  	s30 =	sadd.s32 $0x5B20, s0;
	s31 =	sadd.s32 $0x40, s28  }
0x8b: {  	[hbm4b:s31+s3] =	stream.linear.scatter [tilespmem:s30], [sflag:$0x3], $0x80, $0x38;
	[tilespmem:$0x9D00] =	vst v63  }
0x8c: {  	s14 =	sadd.s32 $0x5BA8, s0;
	s20 =	sadd.s32 $0x50, s28  }
0x8d: {  	[hbm4b:s20+s3] =	stream.linear.scatter [tilespmem:s14], [sflag:$0x3], $0x80, $0x38;
	[tilespmem:$0x9D00] =	vst v63  }
0x8e: {  	s30 =	sadd.s32 $0x5C30, s0;
	s31 =	sadd.s32 $0x60, s28  }
0x8f: {  	[hbm4b:s31+s3] =	stream.linear.scatter [tilespmem:s30], [sflag:$0x3], $0x80, $0x38;
	[tilespmem:$0x9D00] =	vst v63  }
0x90: {  	s20 =	sadd.s32 $0x5CB8, s0;
	s30 =	sadd.s32 $0x70, s28  }
0x91: {  	[hbm4b:s30+s3] =	stream.linear.scatter [tilespmem:s20], [sflag:$0x3], $0x80, $0x38;
	[tilespmem:$0x9D00] =	vst v63  }
0x92: {  	s31 =	simm.s32 $0x100  }
0x93: {  	[tilespmem:s16], [sflag:$0x1] =	stream.indirect.gather [hbm4b:s4+s13], $0x40, s31, s13, $0xb8;
	[tilespmem:$0x9D00] =	vst v63  }
0x94: {  	_ =	swait.ge [sflag:s21], $0x2000  }
0x95: {  	[sflag:s21] =	ssyncset.done $0x0  }
0x96: {  	s29 =	simm.s32 $0x3A00;
	s28 =	simm.s32 $0x7;
	[sflag:s21] =	ssyncadd.s32 $0xFFFFE000  }
.LBB2_6:
0x97: {  	s0 =	sadd.s32 $0xFFFFFFF9, s28  }
0x98: {  	v13 =	vld [tilespmem:s29+$0xFFFFFF00];
	v14 =	vadd.s32 s0, v4  }
0x99: {  	v15 =	vld [tilespmem:s29+$0xFFFFFF10];
	v14 =	vand.u32 $0xFFFFFFF8, v14  }
0x9a: {  	v16 =	vld [tilespmem:s29+$0xFFFFFF20];
	v18 =	vadd.s32 v6, v14  }
0x9b: {  	v17 =	vld [tilespmem:s29+$0xFFFFFF30];
	v20 =	vadd.s32 v10, v14  }
0x9c: {  	v19 =	vld [tilespmem:s29+$0xFFFFFF40];
	v22 =	vadd.s32 v11, v14  }
0x9d: {  	v21 =	vld [tilespmem:s29+$0xFFFFFF50];
	v14 =	vadd.s32 v12, v14  }
0x9e: {  	v23 =	vld [tilespmem:s29+$0xFFFFFF60];
	s31 =	sadd.s32 $0xFFFFFFFA, s28  }
0x9f: {  	v24 =	vld [tilespmem:s29+$0xFFFFFF70];
	v25 =	vadd.s32 s31, v4;
	[tilespmem:v18+s22+$0x0] =	vst.idx.msk $0xffff, v13  }
0xa0: {  	v13 =	vand.u32 $0xFFFFFFF8, v25;
	[tilespmem:v20+s22+$0x0] =	vst.idx.msk $0xffff, v15  }
0xa1: {  	v15 =	vand.u32 $0x7, v25;
	v27 =	vadd.s32 v5, v13;
	[tilespmem:v22+s22+$0x0] =	vst.idx.msk $0xffff, v16  }
0xa2: {  	v28 =	vadd.s32 v7, v13;
	[tilespmem:v14+s22+$0x0] =	vst.idx.msk $0xffff, v17;
	v14 =	vor.u32 v15, v27  }
0xa3: {  	v29 =	vadd.s32 v8, v13;
	v16 =	vor.u32 v15, v28  }
0xa4: {  	v13 =	vadd.s32 v9, v13;
	v18 =	vor.u32 v15, v29;
	v17 =	vld [tilespmem:s29+$0xFFFFFF80]  }
0xa5: {  	v13 =	vor.u32 v15, v13;
	v20 =	vld [tilespmem:s29+$0xFFFFFF90]  }
0xa6: {  	s1 =	sadd.s32 $0xFFFFFFFB, s28;
	v22 =	vld [tilespmem:s29+$0xFFFFFFA0]  }
0xa7: {  	v30 =	vadd.s32 s1, v4;
	v15 =	vld [tilespmem:s29+$0xFFFFFFB0];
	[tilespmem:v14+s22+$0x0] =	vst.idx.msk $0xffff, v19  }
0xa8: {  	v14 =	vand.u32 $0xFFFFFFF8, v30;
	[tilespmem:v16+s22+$0x0] =	vst.idx.msk $0xffff, v21  }
0xa9: {  	v31 =	vand.u32 $0x7, v30;
	v32 =	vadd.s32 v5, v14;
	[tilespmem:v18+s22+$0x0] =	vst.idx.msk $0xffff, v23  }
0xaa: {  	v33 =	vadd.s32 v7, v14;
	[tilespmem:v13+s22+$0x0] =	vst.idx.msk $0xffff, v24;
	v13 =	vor.u32 v31, v32  }
0xab: {  	v34 =	vadd.s32 v8, v14;
	v18 =	vor.u32 v31, v33  }
0xac: {  	v14 =	vadd.s32 v9, v14;
	v21 =	vor.u32 v31, v34;
	v19 =	vld [tilespmem:s29+$0xFFFFFFC0]  }
0xad: {  	v14 =	vor.u32 v31, v14;
	v23 =	vld [tilespmem:s29+$0xFFFFFFD0]  }
0xae: {  	s14 =	sadd.s32 $0xFFFFFFFC, s28;
	v24 =	vld [tilespmem:s29+$0xFFFFFFE0]  }
0xaf: {  	v36 =	vadd.s32 s14, v4;
	v35 =	vld [tilespmem:s29+$0xFFFFFFF0];
	[tilespmem:v13+s22+$0x0] =	vst.idx.msk $0xffff, v17  }
0xb0: {  	v13 =	vand.u32 $0xFFFFFFF8, v36;
	[tilespmem:v18+s22+$0x0] =	vst.idx.msk $0xffff, v20  }
0xb1: {  	v37 =	vand.u32 $0x7, v36;
	v38 =	vadd.s32 v5, v13;
	[tilespmem:v21+s22+$0x0] =	vst.idx.msk $0xffff, v22  }
0xb2: {  	[tilespmem:v14+s22+$0x0] =	vst.idx.msk $0xffff, v15;
	v14 =	vor.u32 v37, v38;
	v15 =	vadd.s32 v7, v13  }
0xb3: {  	v40 =	vadd.s32 v8, v13;
	v15 =	vor.u32 v37, v15  }
0xb4: {  	v20 =	vor.u32 v37, v40;
	v13 =	vadd.s32 v9, v13;
	v39 =	vld [tilespmem:s29+$0x0]  }
0xb5: {  	v21 =	vld [tilespmem:s29+$0x10];
	v13 =	vor.u32 v37, v13  }
0xb6: {  	s20 =	sadd.s32 $0xFFFFFFFD, s28;
	v22 =	vld [tilespmem:s29+$0x20]  }
0xb7: {  	v42 =	vadd.s32 s20, v4;
	v41 =	vld [tilespmem:s29+$0x30];
	[tilespmem:v14+s22+$0x0] =	vst.idx.msk $0xffff, v19  }
0xb8: {  	v14 =	vand.u32 $0xFFFFFFF8, v42;
	[tilespmem:v15+s22+$0x0] =	vst.idx.msk $0xffff, v23  }
0xb9: {  	v15 =	vand.u32 $0x7, v42;
	v43 =	vadd.s32 v5, v14;
	[tilespmem:v20+s22+$0x0] =	vst.idx.msk $0xffff, v24  }
0xba: {  	v44 =	vadd.s32 v7, v14;
	[tilespmem:v13+s22+$0x0] =	vst.idx.msk $0xffff, v35;
	v13 =	vor.u32 v15, v43  }
0xbb: {  	v46 =	vadd.s32 v8, v14;
	v16 =	vor.u32 v15, v44  }
0xbc: {  	v14 =	vadd.s32 v9, v14;
	v20 =	vor.u32 v15, v46;
	v45 =	vld [tilespmem:s29+$0x40]  }
0xbd: {  	v14 =	vor.u32 v15, v14;
	v23 =	vld [tilespmem:s29+$0x50]  }
0xbe: {  	s30 =	sadd.s32 $0xFFFFFFFE, s28;
	v24 =	vld [tilespmem:s29+$0x60]  }
0xbf: {  	v47 =	vadd.s32 s30, v4;
	v15 =	vld [tilespmem:s29+$0x70];
	[tilespmem:v13+s22+$0x0] =	vst.idx.msk $0xffff, v39  }
0xc0: {  	v13 =	vand.u32 $0xFFFFFFF8, v47;
	[tilespmem:v16+s22+$0x0] =	vst.idx.msk $0xffff, v21  }
0xc1: {  	v48 =	vand.u32 $0x7, v47;
	v49 =	vadd.s32 v5, v13;
	[tilespmem:v20+s22+$0x0] =	vst.idx.msk $0xffff, v22  }
0xc2: {  	v50 =	vadd.s32 v7, v13;
	[tilespmem:v14+s22+$0x0] =	vst.idx.msk $0xffff, v41;
	v14 =	vor.u32 v48, v49  }
0xc3: {  	v52 =	vadd.s32 v8, v13;
	v17 =	vor.u32 v48, v50  }
0xc4: {  	v13 =	vadd.s32 v9, v13;
	v20 =	vor.u32 v48, v52;
	v51 =	vld [tilespmem:s29+$0x80]  }
0xc5: {  	v13 =	vor.u32 v48, v13;
	v21 =	vld [tilespmem:s29+$0x90]  }
0xc6: {  	s31 =	sadd.s32 $0xFFFFFFFF, s28;
	v22 =	vld [tilespmem:s29+$0xA0]  }
0xc7: {  	v54 =	vadd.s32 s31, v4;
	v53 =	vld [tilespmem:s29+$0xB0];
	[tilespmem:v14+s22+$0x0] =	vst.idx.msk $0xffff, v45  }
0xc8: {  	v14 =	vand.u32 $0xFFFFFFF8, v54;
	[tilespmem:v17+s22+$0x0] =	vst.idx.msk $0xffff, v23  }
0xc9: {  	v55 =	vand.u32 $0x7, v54;
	v56 =	vadd.s32 v5, v14;
	[tilespmem:v20+s22+$0x0] =	vst.idx.msk $0xffff, v24  }
0xca: {  	[tilespmem:v13+s22+$0x0] =	vst.idx.msk $0xffff, v15;
	v13 =	vor.u32 v55, v56;
	v15 =	vadd.s32 v7, v14  }
0xcb: {  	v57 =	vadd.s32 s28, v4;
	v58 =	vadd.s32 v8, v14;
	v15 =	vor.u32 v55, v15  }
0xcc: {  	v59 =	vand.u32 $0xFFFFFFF8, v57;
	v23 =	vor.u32 v55, v58;
	v14 =	vadd.s32 v9, v14;
	v20 =	vld [tilespmem:s29+$0xC0]  }
0xcd: {  	v60 =	vand.u32 $0x7, v57;
	v61 =	vadd.s32 v5, v59;
	v24 =	vld [tilespmem:s29+$0xD0];
	v14 =	vor.u32 v55, v14  }
0xce: {  	v28 =	vadd.s32 v7, v59;
	v19 =	vor.u32 v60, v61;
	v26 =	vld [tilespmem:s29+$0xE0]  }
0xcf: {  	v62 =	vadd.s32 v8, v59;
	v27 =	vld [tilespmem:s29+$0xF0];
	[tilespmem:v13+s22+$0x0] =	vst.idx.msk $0xffff, v51;
	v13 =	vor.u32 v60, v28  }
0xd0: {  	v63 =	vadd.s32 v9, v59;
	[tilespmem:v15+s22+$0x0] =	vst.idx.msk $0xffff, v21;
	v15 =	vor.u32 v60, v62  }
0xd1: {  	p0 =	sne.s32 s28, $0x7F;
	v17 =	vor.u32 v60, v63;
	[tilespmem:v23+s22+$0x0] =	vst.idx.msk $0xffff, v22  }
.Ltmp2:
0xd2: {  	[tilespmem:v14+s22+$0x0] =	vst.idx.msk $0xffff, v53;
	(pc) =	sbr.rel @p0 .LBB2_6-.Ltmp2, $4  }
0xd3: {  	[tilespmem:v19+s22+$0x0] =	vst.idx.msk $0xffff, v20  }
0xd4: {  	[tilespmem:v13+s22+$0x0] =	vst.idx.msk $0xffff, v24  }
0xd5: {  	[tilespmem:v15+s22+$0x0] =	vst.idx.msk $0xffff, v26  }
0xd6: {  	s28 =	sadd.s32 $0x8, s28;
	s29 =	sadd.s32 $0x200, s29;
	[tilespmem:v17+s22+$0x0] =	vst.idx.msk $0xffff, v27  }
0xd7: {  	s0 =	simm.s32 $0x7B00  }
0xd8: {  	[hbm4b:s9+s3] =	stream.linear.scatter [tilespmem:s0], [sflag:$0x4], $0x80, $0x38;
	[tilespmem:$0x9D00] =	vst v63  }
0xd9: {  	s14 =	simm.s32 $0x7B88;
	s1 =	sadd.s32 $0x10, s9  }
0xda: {  	[hbm4b:s1+s3] =	stream.linear.scatter [tilespmem:s14], [sflag:$0x4], $0x80, $0x38;
	[tilespmem:$0x9D00] =	vst v63  }
0xdb: {  	s20 =	simm.s32 $0x7C10;
	s31 =	sadd.s32 $0x20, s9;
	s29 =	simm.s32 $0x2200  }
0xdc: {  	[hbm4b:s31+s3] =	stream.linear.scatter [tilespmem:s20], [sflag:$0x4], $0x80, $0x38;
	[tilespmem:$0x9D00] =	vst v63  }
0xdd: {  	s30 =	simm.s32 $0x7EB8;
	s1 =	simm.s32 $0x7C98;
	s14 =	sadd.s32 $0x30, s9  }
0xde: {  	[hbm4b:s14+s3] =	stream.linear.scatter [tilespmem:s1], [sflag:$0x4], $0x80, $0x38;
	[tilespmem:$0x9D00] =	vst v63  }
0xdf: {  	s28 =	sadd.s32 $0x1000, s9;
	s20 =	simm.s32 $0x7D20;
	s31 =	sadd.s32 $0x40, s9  }
0xe0: {  	[hbm4b:s31+s3] =	stream.linear.scatter [tilespmem:s20], [sflag:$0x4], $0x80, $0x38;
	[tilespmem:$0x9D00] =	vst v63  }
0xe1: {  	s0 =	simm.s32 $0x440;
	s1 =	simm.s32 $0x7DA8;
	s14 =	sadd.s32 $0x50, s9  }
0xe2: {  	[hbm4b:s14+s3] =	stream.linear.scatter [tilespmem:s1], [sflag:$0x4], $0x80, $0x38;
	[tilespmem:$0x9D00] =	vst v63  }
0xe3: {  	s20 =	simm.s32 $0x7E30;
	s31 =	sadd.s32 $0x60, s9;
	s1 =	sadd.s32 $0x70, s9  }
0xe4: {  	[hbm4b:s31+s3] =	stream.linear.scatter [tilespmem:s20], [sflag:$0x4], $0x80, $0x38;
	[tilespmem:$0x9D00] =	vst v63  }
.LBB2_8:
0xe5: {  	[hbm4b:s1+s3] =	stream.linear.scatter [tilespmem:s30], [sflag:$0x4], $0x80, $0x38;
	[tilespmem:$0x9D00] =	vst v63  }
0xe6: {  	s1 =	smov.u32 s0;
	s0 =	smov.u32 s29  }
0xe7: {  	s14 =	sadd.s32 $0x1100, s29;
	s0 =	sshra.s32 s0, $0x2;
	s30 =	sadd.s32 $0x7B00, s1  }
0xe8: {  	[hbm4b:s28+s3] =	stream.linear.scatter [tilespmem:s30], [sflag:$0x4], $0x80, $0x38;
	[tilespmem:$0x9D00] =	vst v63  }
0xe9: {  	p0 =	sne.s32 s29, $0x7700;
	s29 =	sadd.s32 $0x7B88, s1;
	s30 =	sadd.s32 $0x10, s28  }
0xea: {  	[hbm4b:s30+s3] =	stream.linear.scatter [tilespmem:s29], [sflag:$0x4], $0x80, $0x38;
	[tilespmem:$0x9D00] =	vst v63  }
0xeb: {  	s29 =	sadd.s32 $0x7C10, s1;
	s30 =	sadd.s32 $0x20, s28  }
0xec: {  	[hbm4b:s30+s3] =	stream.linear.scatter [tilespmem:s29], [sflag:$0x4], $0x80, $0x38;
	[tilespmem:$0x9D00] =	vst v63  }
0xed: {  	s29 =	sadd.s32 $0x7C98, s1;
	s30 =	sadd.s32 $0x30, s28  }
0xee: {  	[hbm4b:s30+s3] =	stream.linear.scatter [tilespmem:s29], [sflag:$0x4], $0x80, $0x38;
	[tilespmem:$0x9D00] =	vst v63  }
0xef: {  	s29 =	sadd.s32 $0x7D20, s1;
	s30 =	sadd.s32 $0x40, s28  }
0xf0: {  	[hbm4b:s30+s3] =	stream.linear.scatter [tilespmem:s29], [sflag:$0x4], $0x80, $0x38;
	[tilespmem:$0x9D00] =	vst v63  }
0xf1: {  	s29 =	sadd.s32 $0x7DA8, s1;
	s30 =	sadd.s32 $0x50, s28  }
0xf2: {  	[hbm4b:s30+s3] =	stream.linear.scatter [tilespmem:s29], [sflag:$0x4], $0x80, $0x38;
	[tilespmem:$0x9D00] =	vst v63  }
.Ltmp3:
0xf3: {  	_ = 	snop;
	(pc) =	sbr.rel @p0 .LBB2_8-.Ltmp3, $4  }
0xf4: {  	s29 =	sadd.s32 $0x7E30, s1;
	s30 =	sadd.s32 $0x60, s28  }
0xf5: {  	[hbm4b:s30+s3] =	stream.linear.scatter [tilespmem:s29], [sflag:$0x4], $0x80, $0x38;
	[tilespmem:$0x9D00] =	vst v63  }
0xf6: {  	s30 =	sadd.s32 $0x7EB8, s1  }
0xf7: {  	s1 =	sadd.s32 $0x70, s28;
	s28 =	sadd.s32 $0x1000, s28;
	s29 =	smov.u32 s14  }
0xf8: {  	[hbm4b:s1+s3] =	stream.linear.scatter [tilespmem:s30], [sflag:$0x4], $0x80, $0x38;
	[tilespmem:$0x9D00] =	vst v63  }
0xf9: {  	s30 =	sadd.s32 $0x7B00, s0  }
0xfa: {  	[hbm4b:s28+s3] =	stream.linear.scatter [tilespmem:s30], [sflag:$0x4], $0x80, $0x38;
	[tilespmem:$0x9D00] =	vst v63  }
0xfb: {  	s31 =	sadd.s32 $0x7B88, s0;
	s14 =	sadd.s32 $0x10, s28  }
0xfc: {  	[hbm4b:s14+s3] =	stream.linear.scatter [tilespmem:s31], [sflag:$0x4], $0x80, $0x38;
	[tilespmem:$0x9D00] =	vst v63  }
0xfd: {  	s20 =	sadd.s32 $0x7C10, s0;
	s29 =	sadd.s32 $0x20, s28  }
0xfe: {  	[hbm4b:s29+s3] =	stream.linear.scatter [tilespmem:s20], [sflag:$0x4], $0x80, $0x38;
	[tilespmem:$0x9D00] =	vst v63  }
0xff: {  	s30 =	sadd.s32 $0x7C98, s0;
	s31 =	sadd.s32 $0x30, s28  }
0x100: {  	[hbm4b:s31+s3] =	stream.linear.scatter [tilespmem:s30], [sflag:$0x4], $0x80, $0x38;
	[tilespmem:$0x9D00] =	vst v63  }
0x101: {  	s20 =	sadd.s32 $0x7D20, s0;
	s29 =	sadd.s32 $0x40, s28  }
0x102: {  	[hbm4b:s29+s3] =	stream.linear.scatter [tilespmem:s20], [sflag:$0x4], $0x80, $0x38;
	[tilespmem:$0x9D00] =	vst v63  }
0x103: {  	s30 =	sadd.s32 $0x7DA8, s0;
	s31 =	sadd.s32 $0x50, s28  }
0x104: {  	[hbm4b:s31+s3] =	stream.linear.scatter [tilespmem:s30], [sflag:$0x4], $0x80, $0x38;
	[tilespmem:$0x9D00] =	vst v63  }
0x105: {  	s20 =	sadd.s32 $0x7E30, s0;
	s29 =	sadd.s32 $0x60, s28  }
0x106: {  	[hbm4b:s29+s3] =	stream.linear.scatter [tilespmem:s20], [sflag:$0x4], $0x80, $0x38;
	[tilespmem:$0x9D00] =	vst v63  }
0x107: {  	s30 =	sadd.s32 $0x7EB8, s0;
	s31 =	sadd.s32 $0x70, s28  }
0x108: {  	[hbm4b:s31+s3] =	stream.linear.scatter [tilespmem:s30], [sflag:$0x4], $0x80, $0x38;
	[tilespmem:$0x9D00] =	vst v63  }
0x109: {  	s28 =	simm.s32 $0x1  }
0x10a: {  	[tilespmem:s17], [sflag:$0x2] =	stream.indirect.gather [hbm4b:s4+s13], $0x40, s23, s13, $0xb8;
	[tilespmem:$0x9D00] =	vst v63  }
.LBB2_10:
0x10b: {  	_ =	swait.ge [sflag:s18], $0x2000  }
0x10c: {  	[sflag:s18] =	ssyncset.done $0x0  }
0x10d: {  	[sflag:s18] =	ssyncadd.s32 $0xFFFFE000  }
0x10e: {  	_ =	swait.ge [sflag:s24], $0x2000  }
0x10f: {  	[sflag:s24] =	ssyncset.done $0x0  }
0x110: {  	s29 =	simm.s32 $0x7;
	s30 =	simm.s32 $0x1A00;
	[sflag:s24] =	ssyncadd.s32 $0xFFFFE000  }
.LBB2_11:
0x111: {  	s0 =	sadd.s32 $0xFFFFFFF9, s29  }
0x112: {  	v13 =	vld [tilespmem:s30+$0xFFFFFF00];
	v14 =	vadd.s32 s0, v4  }
0x113: {  	v15 =	vld [tilespmem:s30+$0xFFFFFF10];
	v14 =	vand.u32 $0xFFFFFFF8, v14  }
0x114: {  	v16 =	vld [tilespmem:s30+$0xFFFFFF20];
	v18 =	vadd.s32 v6, v14  }
0x115: {  	v17 =	vld [tilespmem:s30+$0xFFFFFF30];
	v20 =	vadd.s32 v10, v14  }
0x116: {  	v19 =	vld [tilespmem:s30+$0xFFFFFF40];
	v22 =	vadd.s32 v11, v14  }
0x117: {  	v21 =	vld [tilespmem:s30+$0xFFFFFF50];
	v14 =	vadd.s32 v12, v14  }
0x118: {  	v23 =	vld [tilespmem:s30+$0xFFFFFF60];
	s20 =	sadd.s32 $0xFFFFFFFA, s29  }
0x119: {  	v24 =	vld [tilespmem:s30+$0xFFFFFF70];
	v25 =	vadd.s32 s20, v4;
	[tilespmem:v18+s19+$0x0] =	vst.idx.msk $0xffff, v13  }
0x11a: {  	v13 =	vand.u32 $0xFFFFFFF8, v25;
	[tilespmem:v20+s19+$0x0] =	vst.idx.msk $0xffff, v15  }
0x11b: {  	v15 =	vand.u32 $0x7, v25;
	v27 =	vadd.s32 v5, v13;
	[tilespmem:v22+s19+$0x0] =	vst.idx.msk $0xffff, v16  }
0x11c: {  	v28 =	vadd.s32 v7, v13;
	[tilespmem:v14+s19+$0x0] =	vst.idx.msk $0xffff, v17;
	v14 =	vor.u32 v15, v27  }
0x11d: {  	v29 =	vadd.s32 v8, v13;
	v16 =	vor.u32 v15, v28  }
0x11e: {  	v13 =	vadd.s32 v9, v13;
	v18 =	vor.u32 v15, v29;
	v17 =	vld [tilespmem:s30+$0xFFFFFF80]  }
0x11f: {  	v13 =	vor.u32 v15, v13;
	v20 =	vld [tilespmem:s30+$0xFFFFFF90]  }
0x120: {  	s31 =	sadd.s32 $0xFFFFFFFB, s29;
	v22 =	vld [tilespmem:s30+$0xFFFFFFA0]  }
0x121: {  	v30 =	vadd.s32 s31, v4;
	v15 =	vld [tilespmem:s30+$0xFFFFFFB0];
	[tilespmem:v14+s19+$0x0] =	vst.idx.msk $0xffff, v19  }
0x122: {  	v14 =	vand.u32 $0xFFFFFFF8, v30;
	[tilespmem:v16+s19+$0x0] =	vst.idx.msk $0xffff, v21  }
0x123: {  	v31 =	vand.u32 $0x7, v30;
	v32 =	vadd.s32 v5, v14;
	[tilespmem:v18+s19+$0x0] =	vst.idx.msk $0xffff, v23  }
0x124: {  	v33 =	vadd.s32 v7, v14;
	[tilespmem:v13+s19+$0x0] =	vst.idx.msk $0xffff, v24;
	v13 =	vor.u32 v31, v32  }
0x125: {  	v34 =	vadd.s32 v8, v14;
	v18 =	vor.u32 v31, v33  }
0x126: {  	v14 =	vadd.s32 v9, v14;
	v21 =	vor.u32 v31, v34;
	v19 =	vld [tilespmem:s30+$0xFFFFFFC0]  }
0x127: {  	v14 =	vor.u32 v31, v14;
	v23 =	vld [tilespmem:s30+$0xFFFFFFD0]  }
0x128: {  	s1 =	sadd.s32 $0xFFFFFFFC, s29;
	v24 =	vld [tilespmem:s30+$0xFFFFFFE0]  }
0x129: {  	v36 =	vadd.s32 s1, v4;
	v35 =	vld [tilespmem:s30+$0xFFFFFFF0];
	[tilespmem:v13+s19+$0x0] =	vst.idx.msk $0xffff, v17  }
0x12a: {  	v13 =	vand.u32 $0xFFFFFFF8, v36;
	[tilespmem:v18+s19+$0x0] =	vst.idx.msk $0xffff, v20  }
0x12b: {  	v37 =	vand.u32 $0x7, v36;
	v38 =	vadd.s32 v5, v13;
	[tilespmem:v21+s19+$0x0] =	vst.idx.msk $0xffff, v22  }
0x12c: {  	[tilespmem:v14+s19+$0x0] =	vst.idx.msk $0xffff, v15;
	v14 =	vor.u32 v37, v38;
	v15 =	vadd.s32 v7, v13  }
0x12d: {  	v40 =	vadd.s32 v8, v13;
	v15 =	vor.u32 v37, v15  }
0x12e: {  	v20 =	vor.u32 v37, v40;
	v13 =	vadd.s32 v9, v13;
	v39 =	vld [tilespmem:s30+$0x0]  }
0x12f: {  	v21 =	vld [tilespmem:s30+$0x10];
	v13 =	vor.u32 v37, v13  }
0x130: {  	s14 =	sadd.s32 $0xFFFFFFFD, s29;
	v22 =	vld [tilespmem:s30+$0x20]  }
0x131: {  	v42 =	vadd.s32 s14, v4;
	v41 =	vld [tilespmem:s30+$0x30];
	[tilespmem:v14+s19+$0x0] =	vst.idx.msk $0xffff, v19  }
0x132: {  	v14 =	vand.u32 $0xFFFFFFF8, v42;
	[tilespmem:v15+s19+$0x0] =	vst.idx.msk $0xffff, v23  }
0x133: {  	v15 =	vand.u32 $0x7, v42;
	v43 =	vadd.s32 v5, v14;
	[tilespmem:v20+s19+$0x0] =	vst.idx.msk $0xffff, v24  }
0x134: {  	v44 =	vadd.s32 v7, v14;
	[tilespmem:v13+s19+$0x0] =	vst.idx.msk $0xffff, v35;
	v13 =	vor.u32 v15, v43  }
0x135: {  	v46 =	vadd.s32 v8, v14;
	v16 =	vor.u32 v15, v44  }
0x136: {  	v14 =	vadd.s32 v9, v14;
	v20 =	vor.u32 v15, v46;
	v45 =	vld [tilespmem:s30+$0x40]  }
0x137: {  	v14 =	vor.u32 v15, v14;
	v23 =	vld [tilespmem:s30+$0x50]  }
0x138: {  	s20 =	sadd.s32 $0xFFFFFFFE, s29;
	v24 =	vld [tilespmem:s30+$0x60]  }
0x139: {  	v47 =	vadd.s32 s20, v4;
	v15 =	vld [tilespmem:s30+$0x70];
	[tilespmem:v13+s19+$0x0] =	vst.idx.msk $0xffff, v39  }
0x13a: {  	v13 =	vand.u32 $0xFFFFFFF8, v47;
	[tilespmem:v16+s19+$0x0] =	vst.idx.msk $0xffff, v21  }
0x13b: {  	v48 =	vand.u32 $0x7, v47;
	v49 =	vadd.s32 v5, v13;
	[tilespmem:v20+s19+$0x0] =	vst.idx.msk $0xffff, v22  }
0x13c: {  	v50 =	vadd.s32 v7, v13;
	[tilespmem:v14+s19+$0x0] =	vst.idx.msk $0xffff, v41;
	v14 =	vor.u32 v48, v49  }
0x13d: {  	v52 =	vadd.s32 v8, v13;
	v17 =	vor.u32 v48, v50  }
0x13e: {  	v13 =	vadd.s32 v9, v13;
	v20 =	vor.u32 v48, v52;
	v51 =	vld [tilespmem:s30+$0x80]  }
0x13f: {  	v13 =	vor.u32 v48, v13;
	v21 =	vld [tilespmem:s30+$0x90]  }
0x140: {  	s31 =	sadd.s32 $0xFFFFFFFF, s29;
	v22 =	vld [tilespmem:s30+$0xA0]  }
0x141: {  	v54 =	vadd.s32 s31, v4;
	v53 =	vld [tilespmem:s30+$0xB0];
	[tilespmem:v14+s19+$0x0] =	vst.idx.msk $0xffff, v45  }
0x142: {  	v14 =	vand.u32 $0xFFFFFFF8, v54;
	[tilespmem:v17+s19+$0x0] =	vst.idx.msk $0xffff, v23  }
0x143: {  	v55 =	vand.u32 $0x7, v54;
	v56 =	vadd.s32 v5, v14;
	[tilespmem:v20+s19+$0x0] =	vst.idx.msk $0xffff, v24  }
0x144: {  	[tilespmem:v13+s19+$0x0] =	vst.idx.msk $0xffff, v15;
	v13 =	vor.u32 v55, v56;
	v15 =	vadd.s32 v7, v14  }
0x145: {  	v57 =	vadd.s32 s29, v4;
	v58 =	vadd.s32 v8, v14;
	v15 =	vor.u32 v55, v15  }
0x146: {  	v59 =	vand.u32 $0xFFFFFFF8, v57;
	v23 =	vor.u32 v55, v58;
	v14 =	vadd.s32 v9, v14;
	v20 =	vld [tilespmem:s30+$0xC0]  }
0x147: {  	v60 =	vand.u32 $0x7, v57;
	v61 =	vadd.s32 v5, v59;
	v24 =	vld [tilespmem:s30+$0xD0];
	v14 =	vor.u32 v55, v14  }
0x148: {  	v28 =	vadd.s32 v7, v59;
	v19 =	vor.u32 v60, v61;
	v26 =	vld [tilespmem:s30+$0xE0]  }
0x149: {  	v62 =	vadd.s32 v8, v59;
	v27 =	vld [tilespmem:s30+$0xF0];
	[tilespmem:v13+s19+$0x0] =	vst.idx.msk $0xffff, v51;
	v13 =	vor.u32 v60, v28  }
0x14a: {  	v63 =	vadd.s32 v9, v59;
	[tilespmem:v15+s19+$0x0] =	vst.idx.msk $0xffff, v21;
	v15 =	vor.u32 v60, v62  }
0x14b: {  	p0 =	sne.s32 s29, $0x7F;
	v17 =	vor.u32 v60, v63;
	[tilespmem:v23+s19+$0x0] =	vst.idx.msk $0xffff, v22  }
.Ltmp4:
0x14c: {  	[tilespmem:v14+s19+$0x0] =	vst.idx.msk $0xffff, v53;
	(pc) =	sbr.rel @p0 .LBB2_11-.Ltmp4, $4  }
0x14d: {  	[tilespmem:v19+s19+$0x0] =	vst.idx.msk $0xffff, v20  }
0x14e: {  	[tilespmem:v13+s19+$0x0] =	vst.idx.msk $0xffff, v24  }
0x14f: {  	[tilespmem:v15+s19+$0x0] =	vst.idx.msk $0xffff, v26  }
0x150: {  	s29 =	sadd.s32 $0x8, s29;
	s30 =	sadd.s32 $0x200, s30;
	[tilespmem:v17+s19+$0x0] =	vst.idx.msk $0xffff, v27  }
0x151: {  	s0 =	sshll.u32 s28, $0x10  }
0x152: {  	s29 =	sor.u32 s5, s0  }
0x153: {  	s14 =	simm.s32 $0x5900;
	s30 =	sadd.s32 s2, s29  }
0x154: {  	[hbm4b:s30+s3] =	stream.linear.scatter [tilespmem:s14], [sflag:$0x3], $0x80, $0x38;
	[tilespmem:$0x9D00] =	vst v63  }
0x155: {  	s20 =	simm.s32 $0x5988;
	s1 =	sadd.s32 $0x10, s30  }
0x156: {  	[hbm4b:s1+s3] =	stream.linear.scatter [tilespmem:s20], [sflag:$0x3], $0x80, $0x38;
	[tilespmem:$0x9D00] =	vst v63  }
0x157: {  	s14 =	simm.s32 $0x5A10;
	s20 =	sadd.s32 $0x20, s30  }
0x158: {  	[hbm4b:s20+s3] =	stream.linear.scatter [tilespmem:s14], [sflag:$0x3], $0x80, $0x38;
	[tilespmem:$0x9D00] =	vst v63  }
0x159: {  	s14 =	simm.s32 $0x5A98;
	s20 =	sadd.s32 $0x30, s30  }
0x15a: {  	[hbm4b:s20+s3] =	stream.linear.scatter [tilespmem:s14], [sflag:$0x3], $0x80, $0x38;
	[tilespmem:$0x9D00] =	vst v63  }
0x15b: {  	s14 =	simm.s32 $0x5B20;
	s20 =	sadd.s32 $0x40, s30  }
0x15c: {  	[hbm4b:s20+s3] =	stream.linear.scatter [tilespmem:s14], [sflag:$0x3], $0x80, $0x38;
	[tilespmem:$0x9D00] =	vst v63  }
0x15d: {  	s31 =	simm.s32 $0x2200;
	s14 =	simm.s32 $0x5BA8;
	s20 =	sadd.s32 $0x50, s30  }
0x15e: {  	[hbm4b:s20+s3] =	stream.linear.scatter [tilespmem:s14], [sflag:$0x3], $0x80, $0x38;
	[tilespmem:$0x9D00] =	vst v63  }
0x15f: {  	s0 =	simm.s32 $0x440;
	s14 =	simm.s32 $0x5C30;
	s20 =	sadd.s32 $0x60, s30  }
0x160: {  	[hbm4b:s20+s3] =	stream.linear.scatter [tilespmem:s14], [sflag:$0x3], $0x80, $0x38;
	[tilespmem:$0x9D00] =	vst v63  }
0x161: {  	s1 =	simm.s32 $0x5CB8;
	s14 =	sadd.s32 $0x70, s30;
	s30 =	sadd.s32 $0x1000, s30  }
.LBB2_13:
0x162: {  	[hbm4b:s14+s3] =	stream.linear.scatter [tilespmem:s1], [sflag:$0x3], $0x80, $0x38;
	[tilespmem:$0x9D00] =	vst v63  }
0x163: {  	s1 =	smov.u32 s0;
	s0 =	smov.u32 s31  }
0x164: {  	s20 =	sadd.s32 $0x1100, s31;
	s0 =	sshra.s32 s0, $0x2;
	s14 =	sadd.s32 $0x5900, s1  }
0x165: {  	[hbm4b:s30+s3] =	stream.linear.scatter [tilespmem:s14], [sflag:$0x3], $0x80, $0x38;
	[tilespmem:$0x9D00] =	vst v63  }
0x166: {  	p0 =	sne.s32 s31, $0x7700;
	s31 =	sadd.s32 $0x10, s30;
	s14 =	sadd.s32 $0x5988, s1  }
0x167: {  	[hbm4b:s31+s3] =	stream.linear.scatter [tilespmem:s14], [sflag:$0x3], $0x80, $0x38;
	[tilespmem:$0x9D00] =	vst v63  }
0x168: {  	s14 =	sadd.s32 $0x5A10, s1;
	s31 =	sadd.s32 $0x20, s30  }
0x169: {  	[hbm4b:s31+s3] =	stream.linear.scatter [tilespmem:s14], [sflag:$0x3], $0x80, $0x38;
	[tilespmem:$0x9D00] =	vst v63  }
0x16a: {  	s14 =	sadd.s32 $0x5A98, s1;
	s31 =	sadd.s32 $0x30, s30  }
0x16b: {  	[hbm4b:s31+s3] =	stream.linear.scatter [tilespmem:s14], [sflag:$0x3], $0x80, $0x38;
	[tilespmem:$0x9D00] =	vst v63  }
0x16c: {  	s14 =	sadd.s32 $0x5B20, s1;
	s31 =	sadd.s32 $0x40, s30  }
0x16d: {  	[hbm4b:s31+s3] =	stream.linear.scatter [tilespmem:s14], [sflag:$0x3], $0x80, $0x38;
	[tilespmem:$0x9D00] =	vst v63  }
.Ltmp5:
0x16e: {  	s14 =	sadd.s32 $0x5BA8, s1;
	s31 =	sadd.s32 $0x50, s30;
	(pc) =	sbr.rel @p0 .LBB2_13-.Ltmp5, $4  }
0x16f: {  	[hbm4b:s31+s3] =	stream.linear.scatter [tilespmem:s14], [sflag:$0x3], $0x80, $0x38;
	[tilespmem:$0x9D00] =	vst v63  }
0x170: {  	s14 =	sadd.s32 $0x5C30, s1;
	s31 =	sadd.s32 $0x60, s30;
	s1 =	sadd.s32 $0x5CB8, s1  }
0x171: {  	[hbm4b:s31+s3] =	stream.linear.scatter [tilespmem:s14], [sflag:$0x3], $0x80, $0x38;
	[tilespmem:$0x9D00] =	vst v63  }
0x172: {  	s14 =	sadd.s32 $0x70, s30;
	s30 =	sadd.s32 $0x1000, s30;
	s31 =	smov.u32 s20  }
0x173: {  	[hbm4b:s14+s3] =	stream.linear.scatter [tilespmem:s1], [sflag:$0x3], $0x80, $0x38;
	[tilespmem:$0x9D00] =	vst v63  }
0x174: {  	s20 =	sadd.s32 $0x5900, s0  }
0x175: {  	[hbm4b:s30+s3] =	stream.linear.scatter [tilespmem:s20], [sflag:$0x3], $0x80, $0x38;
	[tilespmem:$0x9D00] =	vst v63  }
0x176: {  	s14 =	sadd.s32 $0x5988, s0;
	s20 =	sadd.s32 $0x10, s30  }
0x177: {  	[hbm4b:s20+s3] =	stream.linear.scatter [tilespmem:s14], [sflag:$0x3], $0x80, $0x38;
	[tilespmem:$0x9D00] =	vst v63  }
0x178: {  	s14 =	sadd.s32 $0x5A10, s0;
	s20 =	sadd.s32 $0x20, s30  }
0x179: {  	[hbm4b:s20+s3] =	stream.linear.scatter [tilespmem:s14], [sflag:$0x3], $0x80, $0x38;
	[tilespmem:$0x9D00] =	vst v63  }
0x17a: {  	s14 =	sadd.s32 $0x5A98, s0;
	s20 =	sadd.s32 $0x30, s30  }
0x17b: {  	[hbm4b:s20+s3] =	stream.linear.scatter [tilespmem:s14], [sflag:$0x3], $0x80, $0x38;
	[tilespmem:$0x9D00] =	vst v63  }
0x17c: {  	s14 =	sadd.s32 $0x5B20, s0;
	s20 =	sadd.s32 $0x40, s30  }
0x17d: {  	[hbm4b:s20+s3] =	stream.linear.scatter [tilespmem:s14], [sflag:$0x3], $0x80, $0x38;
	[tilespmem:$0x9D00] =	vst v63  }
0x17e: {  	s14 =	sadd.s32 $0x5BA8, s0;
	s20 =	sadd.s32 $0x50, s30  }
0x17f: {  	[hbm4b:s20+s3] =	stream.linear.scatter [tilespmem:s14], [sflag:$0x3], $0x80, $0x38;
	[tilespmem:$0x9D00] =	vst v63  }
0x180: {  	s14 =	sadd.s32 $0x5C30, s0;
	s20 =	sadd.s32 $0x60, s30  }
0x181: {  	[hbm4b:s20+s3] =	stream.linear.scatter [tilespmem:s14], [sflag:$0x3], $0x80, $0x38;
	[tilespmem:$0x9D00] =	vst v63  }
0x182: {  	s20 =	sshll.u32 s28, $0x8  }
0x183: {  	s1 =	sadd.s32 $0x5CB8, s0;
	s14 =	sadd.s32 $0x70, s30;
	s30 =	sand.u32 $0x3FFFFF00, s20  }
0x184: {  	[hbm4b:s14+s3] =	stream.linear.scatter [tilespmem:s1], [sflag:$0x3], $0x80, $0x38;
	[tilespmem:$0x9D00] =	vst v63  }
0x185: {  	s0 =	sadd.s32 $0x100, s30  }
0x186: {  	[tilespmem:s16], [sflag:$0x1] =	stream.indirect.gather [hbm4b:s4+s13], $0x40, s0, s13, $0xb8;
	[tilespmem:$0x9D00] =	vst v63  }
0x187: {  	_ =	swait.ge [sflag:s21], $0x2000  }
0x188: {  	[sflag:s21] =	ssyncset.done $0x0  }
0x189: {  	[sflag:s21] =	ssyncadd.s32 $0xFFFFE000  }
0x18a: {  	_ =	swait.ge [sflag:s25], $0x2000  }
0x18b: {  	[sflag:s25] =	ssyncset.done $0x0  }
0x18c: {  	s31 =	simm.s32 $0x7;
	s0 =	simm.s32 $0x3A00;
	[sflag:s25] =	ssyncadd.s32 $0xFFFFE000  }
.LBB2_15:
0x18d: {  	s1 =	sadd.s32 $0xFFFFFFF9, s31  }
0x18e: {  	v13 =	vld [tilespmem:s0+$0xFFFFFF00];
	v14 =	vadd.s32 s1, v4  }
0x18f: {  	v15 =	vld [tilespmem:s0+$0xFFFFFF10];
	v14 =	vand.u32 $0xFFFFFFF8, v14  }
0x190: {  	v16 =	vld [tilespmem:s0+$0xFFFFFF20];
	v18 =	vadd.s32 v6, v14  }
0x191: {  	v17 =	vld [tilespmem:s0+$0xFFFFFF30];
	v20 =	vadd.s32 v10, v14  }
0x192: {  	v19 =	vld [tilespmem:s0+$0xFFFFFF40];
	v22 =	vadd.s32 v11, v14  }
0x193: {  	v21 =	vld [tilespmem:s0+$0xFFFFFF50];
	v14 =	vadd.s32 v12, v14  }
0x194: {  	v23 =	vld [tilespmem:s0+$0xFFFFFF60];
	s14 =	sadd.s32 $0xFFFFFFFA, s31  }
0x195: {  	v24 =	vld [tilespmem:s0+$0xFFFFFF70];
	v25 =	vadd.s32 s14, v4;
	[tilespmem:v18+s22+$0x0] =	vst.idx.msk $0xffff, v13  }
0x196: {  	v13 =	vand.u32 $0xFFFFFFF8, v25;
	[tilespmem:v20+s22+$0x0] =	vst.idx.msk $0xffff, v15  }
0x197: {  	v15 =	vand.u32 $0x7, v25;
	v27 =	vadd.s32 v5, v13;
	[tilespmem:v22+s22+$0x0] =	vst.idx.msk $0xffff, v16  }
0x198: {  	v28 =	vadd.s32 v7, v13;
	[tilespmem:v14+s22+$0x0] =	vst.idx.msk $0xffff, v17;
	v14 =	vor.u32 v15, v27  }
0x199: {  	v29 =	vadd.s32 v8, v13;
	v16 =	vor.u32 v15, v28  }
0x19a: {  	v13 =	vadd.s32 v9, v13;
	v18 =	vor.u32 v15, v29;
	v17 =	vld [tilespmem:s0+$0xFFFFFF80]  }
0x19b: {  	v13 =	vor.u32 v15, v13;
	v20 =	vld [tilespmem:s0+$0xFFFFFF90]  }
0x19c: {  	s20 =	sadd.s32 $0xFFFFFFFB, s31;
	v22 =	vld [tilespmem:s0+$0xFFFFFFA0]  }
0x19d: {  	v30 =	vadd.s32 s20, v4;
	v15 =	vld [tilespmem:s0+$0xFFFFFFB0];
	[tilespmem:v14+s22+$0x0] =	vst.idx.msk $0xffff, v19  }
0x19e: {  	v14 =	vand.u32 $0xFFFFFFF8, v30;
	[tilespmem:v16+s22+$0x0] =	vst.idx.msk $0xffff, v21  }
0x19f: {  	v31 =	vand.u32 $0x7, v30;
	v32 =	vadd.s32 v5, v14;
	[tilespmem:v18+s22+$0x0] =	vst.idx.msk $0xffff, v23  }
0x1a0: {  	v33 =	vadd.s32 v7, v14;
	[tilespmem:v13+s22+$0x0] =	vst.idx.msk $0xffff, v24;
	v13 =	vor.u32 v31, v32  }
0x1a1: {  	v34 =	vadd.s32 v8, v14;
	v18 =	vor.u32 v31, v33  }
0x1a2: {  	v14 =	vadd.s32 v9, v14;
	v21 =	vor.u32 v31, v34;
	v19 =	vld [tilespmem:s0+$0xFFFFFFC0]  }
0x1a3: {  	v14 =	vor.u32 v31, v14;
	v23 =	vld [tilespmem:s0+$0xFFFFFFD0]  }
0x1a4: {  	s14 =	sadd.s32 $0xFFFFFFFC, s31;
	v24 =	vld [tilespmem:s0+$0xFFFFFFE0]  }
0x1a5: {  	v36 =	vadd.s32 s14, v4;
	v35 =	vld [tilespmem:s0+$0xFFFFFFF0];
	[tilespmem:v13+s22+$0x0] =	vst.idx.msk $0xffff, v17  }
0x1a6: {  	v13 =	vand.u32 $0xFFFFFFF8, v36;
	[tilespmem:v18+s22+$0x0] =	vst.idx.msk $0xffff, v20  }
0x1a7: {  	v37 =	vand.u32 $0x7, v36;
	v38 =	vadd.s32 v5, v13;
	[tilespmem:v21+s22+$0x0] =	vst.idx.msk $0xffff, v22  }
0x1a8: {  	[tilespmem:v14+s22+$0x0] =	vst.idx.msk $0xffff, v15;
	v14 =	vor.u32 v37, v38;
	v15 =	vadd.s32 v7, v13  }
0x1a9: {  	v40 =	vadd.s32 v8, v13;
	v15 =	vor.u32 v37, v15  }
0x1aa: {  	v20 =	vor.u32 v37, v40;
	v13 =	vadd.s32 v9, v13;
	v39 =	vld [tilespmem:s0+$0x0]  }
0x1ab: {  	v21 =	vld [tilespmem:s0+$0x10];
	v13 =	vor.u32 v37, v13  }
0x1ac: {  	s20 =	sadd.s32 $0xFFFFFFFD, s31;
	v22 =	vld [tilespmem:s0+$0x20]  }
0x1ad: {  	v42 =	vadd.s32 s20, v4;
	v41 =	vld [tilespmem:s0+$0x30];
	[tilespmem:v14+s22+$0x0] =	vst.idx.msk $0xffff, v19  }
0x1ae: {  	v14 =	vand.u32 $0xFFFFFFF8, v42;
	[tilespmem:v15+s22+$0x0] =	vst.idx.msk $0xffff, v23  }
0x1af: {  	v15 =	vand.u32 $0x7, v42;
	v43 =	vadd.s32 v5, v14;
	[tilespmem:v20+s22+$0x0] =	vst.idx.msk $0xffff, v24  }
0x1b0: {  	v44 =	vadd.s32 v7, v14;
	[tilespmem:v13+s22+$0x0] =	vst.idx.msk $0xffff, v35;
	v13 =	vor.u32 v15, v43  }
0x1b1: {  	v46 =	vadd.s32 v8, v14;
	v16 =	vor.u32 v15, v44  }
0x1b2: {  	v14 =	vadd.s32 v9, v14;
	v20 =	vor.u32 v15, v46;
	v45 =	vld [tilespmem:s0+$0x40]  }
0x1b3: {  	v14 =	vor.u32 v15, v14;
	v23 =	vld [tilespmem:s0+$0x50]  }
0x1b4: {  	s14 =	sadd.s32 $0xFFFFFFFE, s31;
	v24 =	vld [tilespmem:s0+$0x60]  }
0x1b5: {  	v47 =	vadd.s32 s14, v4;
	v15 =	vld [tilespmem:s0+$0x70];
	[tilespmem:v13+s22+$0x0] =	vst.idx.msk $0xffff, v39  }
0x1b6: {  	v13 =	vand.u32 $0xFFFFFFF8, v47;
	[tilespmem:v16+s22+$0x0] =	vst.idx.msk $0xffff, v21  }
0x1b7: {  	v48 =	vand.u32 $0x7, v47;
	v49 =	vadd.s32 v5, v13;
	[tilespmem:v20+s22+$0x0] =	vst.idx.msk $0xffff, v22  }
0x1b8: {  	v50 =	vadd.s32 v7, v13;
	[tilespmem:v14+s22+$0x0] =	vst.idx.msk $0xffff, v41;
	v14 =	vor.u32 v48, v49  }
0x1b9: {  	v52 =	vadd.s32 v8, v13;
	v17 =	vor.u32 v48, v50  }
0x1ba: {  	v13 =	vadd.s32 v9, v13;
	v20 =	vor.u32 v48, v52;
	v51 =	vld [tilespmem:s0+$0x80]  }
0x1bb: {  	v13 =	vor.u32 v48, v13;
	v21 =	vld [tilespmem:s0+$0x90]  }
0x1bc: {  	s20 =	sadd.s32 $0xFFFFFFFF, s31;
	v22 =	vld [tilespmem:s0+$0xA0]  }
0x1bd: {  	v54 =	vadd.s32 s20, v4;
	v53 =	vld [tilespmem:s0+$0xB0];
	[tilespmem:v14+s22+$0x0] =	vst.idx.msk $0xffff, v45  }
0x1be: {  	v14 =	vand.u32 $0xFFFFFFF8, v54;
	[tilespmem:v17+s22+$0x0] =	vst.idx.msk $0xffff, v23  }
0x1bf: {  	v55 =	vand.u32 $0x7, v54;
	v56 =	vadd.s32 v5, v14;
	[tilespmem:v20+s22+$0x0] =	vst.idx.msk $0xffff, v24  }
0x1c0: {  	[tilespmem:v13+s22+$0x0] =	vst.idx.msk $0xffff, v15;
	v13 =	vor.u32 v55, v56;
	v15 =	vadd.s32 v7, v14  }
0x1c1: {  	v57 =	vadd.s32 s31, v4;
	v58 =	vadd.s32 v8, v14;
	v15 =	vor.u32 v55, v15  }
0x1c2: {  	v59 =	vand.u32 $0xFFFFFFF8, v57;
	v23 =	vor.u32 v55, v58;
	v14 =	vadd.s32 v9, v14;
	v20 =	vld [tilespmem:s0+$0xC0]  }
0x1c3: {  	v60 =	vand.u32 $0x7, v57;
	v61 =	vadd.s32 v5, v59;
	v24 =	vld [tilespmem:s0+$0xD0];
	v14 =	vor.u32 v55, v14  }
0x1c4: {  	v28 =	vadd.s32 v7, v59;
	v19 =	vor.u32 v60, v61;
	v26 =	vld [tilespmem:s0+$0xE0]  }
0x1c5: {  	v62 =	vadd.s32 v8, v59;
	v27 =	vld [tilespmem:s0+$0xF0];
	[tilespmem:v13+s22+$0x0] =	vst.idx.msk $0xffff, v51;
	v13 =	vor.u32 v60, v28  }
0x1c6: {  	v63 =	vadd.s32 v9, v59;
	[tilespmem:v15+s22+$0x0] =	vst.idx.msk $0xffff, v21;
	v15 =	vor.u32 v60, v62  }
0x1c7: {  	p0 =	sne.s32 s31, $0x7F;
	v17 =	vor.u32 v60, v63;
	[tilespmem:v23+s22+$0x0] =	vst.idx.msk $0xffff, v22  }
.Ltmp6:
0x1c8: {  	[tilespmem:v14+s22+$0x0] =	vst.idx.msk $0xffff, v53;
	(pc) =	sbr.rel @p0 .LBB2_15-.Ltmp6, $4  }
0x1c9: {  	[tilespmem:v19+s22+$0x0] =	vst.idx.msk $0xffff, v20  }
0x1ca: {  	[tilespmem:v13+s22+$0x0] =	vst.idx.msk $0xffff, v24  }
0x1cb: {  	[tilespmem:v15+s22+$0x0] =	vst.idx.msk $0xffff, v26  }
0x1cc: {  	s31 =	sadd.s32 $0x8, s31;
	s0 =	sadd.s32 $0x200, s0;
	[tilespmem:v17+s22+$0x0] =	vst.idx.msk $0xffff, v27  }
0x1cd: {  	s20 =	sadd.s32 s29, s8;
	s0 =	simm.s32 $0x7B00  }
0x1ce: {  	[hbm4b:s20+s3] =	stream.linear.scatter [tilespmem:s0], [sflag:$0x4], $0x80, $0x38;
	[tilespmem:$0x9D00] =	vst v63  }
0x1cf: {  	s14 =	simm.s32 $0x7B88;
	s1 =	sadd.s32 $0x10, s20  }
0x1d0: {  	[hbm4b:s1+s3] =	stream.linear.scatter [tilespmem:s14], [sflag:$0x4], $0x80, $0x38;
	[tilespmem:$0x9D00] =	vst v63  }
0x1d1: {  	s1 =	simm.s32 $0x7C10;
	s14 =	sadd.s32 $0x20, s20  }
0x1d2: {  	[hbm4b:s14+s3] =	stream.linear.scatter [tilespmem:s1], [sflag:$0x4], $0x80, $0x38;
	[tilespmem:$0x9D00] =	vst v63  }
0x1d3: {  	s1 =	simm.s32 $0x7C98;
	s14 =	sadd.s32 $0x30, s20  }
0x1d4: {  	[hbm4b:s14+s3] =	stream.linear.scatter [tilespmem:s1], [sflag:$0x4], $0x80, $0x38;
	[tilespmem:$0x9D00] =	vst v63  }
0x1d5: {  	s1 =	simm.s32 $0x7D20;
	s14 =	sadd.s32 $0x40, s20  }
0x1d6: {  	[hbm4b:s14+s3] =	stream.linear.scatter [tilespmem:s1], [sflag:$0x4], $0x80, $0x38;
	[tilespmem:$0x9D00] =	vst v63  }
0x1d7: {  	s31 =	simm.s32 $0x2200;
	s1 =	simm.s32 $0x7DA8;
	s14 =	sadd.s32 $0x50, s20  }
0x1d8: {  	[hbm4b:s14+s3] =	stream.linear.scatter [tilespmem:s1], [sflag:$0x4], $0x80, $0x38;
	[tilespmem:$0x9D00] =	vst v63  }
0x1d9: {  	s0 =	simm.s32 $0x440;
	s1 =	simm.s32 $0x7E30;
	s14 =	sadd.s32 $0x60, s20  }
0x1da: {  	[hbm4b:s14+s3] =	stream.linear.scatter [tilespmem:s1], [sflag:$0x4], $0x80, $0x38;
	[tilespmem:$0x9D00] =	vst v63  }
0x1db: {  	s29 =	sadd.s32 $0x1000, s20;
	s1 =	simm.s32 $0x7EB8;
	s14 =	sadd.s32 $0x70, s20  }
.LBB2_17:
0x1dc: {  	[hbm4b:s14+s3] =	stream.linear.scatter [tilespmem:s1], [sflag:$0x4], $0x80, $0x38;
	[tilespmem:$0x9D00] =	vst v63  }
0x1dd: {  	s1 =	smov.u32 s0;
	s0 =	smov.u32 s31  }
0x1de: {  	s20 =	sadd.s32 $0x1100, s31;
	s0 =	sshra.s32 s0, $0x2;
	s14 =	sadd.s32 $0x7B00, s1  }
0x1df: {  	[hbm4b:s29+s3] =	stream.linear.scatter [tilespmem:s14], [sflag:$0x4], $0x80, $0x38;
	[tilespmem:$0x9D00] =	vst v63  }
0x1e0: {  	p0 =	sne.s32 s31, $0x7700;
	s31 =	sadd.s32 $0x10, s29;
	s14 =	sadd.s32 $0x7B88, s1  }
0x1e1: {  	[hbm4b:s31+s3] =	stream.linear.scatter [tilespmem:s14], [sflag:$0x4], $0x80, $0x38;
	[tilespmem:$0x9D00] =	vst v63  }
0x1e2: {  	s14 =	sadd.s32 $0x7C10, s1;
	s31 =	sadd.s32 $0x20, s29  }
0x1e3: {  	[hbm4b:s31+s3] =	stream.linear.scatter [tilespmem:s14], [sflag:$0x4], $0x80, $0x38;
	[tilespmem:$0x9D00] =	vst v63  }
0x1e4: {  	s14 =	sadd.s32 $0x7C98, s1;
	s31 =	sadd.s32 $0x30, s29  }
0x1e5: {  	[hbm4b:s31+s3] =	stream.linear.scatter [tilespmem:s14], [sflag:$0x4], $0x80, $0x38;
	[tilespmem:$0x9D00] =	vst v63  }
0x1e6: {  	s14 =	sadd.s32 $0x7D20, s1;
	s31 =	sadd.s32 $0x40, s29  }
0x1e7: {  	[hbm4b:s31+s3] =	stream.linear.scatter [tilespmem:s14], [sflag:$0x4], $0x80, $0x38;
	[tilespmem:$0x9D00] =	vst v63  }
.Ltmp7:
0x1e8: {  	s14 =	sadd.s32 $0x7DA8, s1;
	s31 =	sadd.s32 $0x50, s29;
	(pc) =	sbr.rel @p0 .LBB2_17-.Ltmp7, $4  }
0x1e9: {  	[hbm4b:s31+s3] =	stream.linear.scatter [tilespmem:s14], [sflag:$0x4], $0x80, $0x38;
	[tilespmem:$0x9D00] =	vst v63  }
0x1ea: {  	s14 =	sadd.s32 $0x7E30, s1;
	s31 =	sadd.s32 $0x60, s29;
	s1 =	sadd.s32 $0x7EB8, s1  }
0x1eb: {  	[hbm4b:s31+s3] =	stream.linear.scatter [tilespmem:s14], [sflag:$0x4], $0x80, $0x38;
	[tilespmem:$0x9D00] =	vst v63  }
0x1ec: {  	s14 =	sadd.s32 $0x70, s29;
	s29 =	sadd.s32 $0x1000, s29;
	s31 =	smov.u32 s20  }
0x1ed: {  	[hbm4b:s14+s3] =	stream.linear.scatter [tilespmem:s1], [sflag:$0x4], $0x80, $0x38;
	[tilespmem:$0x9D00] =	vst v63  }
0x1ee: {  	s14 =	sadd.s32 $0x7B00, s0  }
0x1ef: {  	[hbm4b:s29+s3] =	stream.linear.scatter [tilespmem:s14], [sflag:$0x4], $0x80, $0x38;
	[tilespmem:$0x9D00] =	vst v63  }
0x1f0: {  	s20 =	sadd.s32 $0x7B88, s0;
	s31 =	sadd.s32 $0x10, s29  }
0x1f1: {  	[hbm4b:s31+s3] =	stream.linear.scatter [tilespmem:s20], [sflag:$0x4], $0x80, $0x38;
	[tilespmem:$0x9D00] =	vst v63  }
0x1f2: {  	s20 =	sadd.s32 $0x7C10, s0;
	s31 =	sadd.s32 $0x20, s29  }
0x1f3: {  	[hbm4b:s31+s3] =	stream.linear.scatter [tilespmem:s20], [sflag:$0x4], $0x80, $0x38;
	[tilespmem:$0x9D00] =	vst v63  }
0x1f4: {  	s20 =	sadd.s32 $0x7C98, s0;
	s31 =	sadd.s32 $0x30, s29  }
0x1f5: {  	[hbm4b:s31+s3] =	stream.linear.scatter [tilespmem:s20], [sflag:$0x4], $0x80, $0x38;
	[tilespmem:$0x9D00] =	vst v63  }
0x1f6: {  	s20 =	sadd.s32 $0x7D20, s0;
	s31 =	sadd.s32 $0x40, s29  }
0x1f7: {  	[hbm4b:s31+s3] =	stream.linear.scatter [tilespmem:s20], [sflag:$0x4], $0x80, $0x38;
	[tilespmem:$0x9D00] =	vst v63  }
0x1f8: {  	s28 =	sadd.s32 $0x1, s28;
	s20 =	sadd.s32 $0x7DA8, s0;
	s31 =	sadd.s32 $0x50, s29  }
0x1f9: {  	[hbm4b:s31+s3] =	stream.linear.scatter [tilespmem:s20], [sflag:$0x4], $0x80, $0x38;
	[tilespmem:$0x9D00] =	vst v63  }
0x1fa: {  	p0 =	sne.s32 s28, $0x18;
	s20 =	sadd.s32 $0x7E30, s0;
	s31 =	sadd.s32 $0x60, s29  }
0x1fb: {  	[hbm4b:s31+s3] =	stream.linear.scatter [tilespmem:s20], [sflag:$0x4], $0x80, $0x38;
	[tilespmem:$0x9D00] =	vst v63  }
.Ltmp8:
0x1fc: {  	_ = 	snop;
	(pc) =	sbr.rel @p0 .LBB2_10-.Ltmp8, $4  }
0x1fd: {  	s29 =	sadd.s32 $0x70, s29;
	s20 =	sadd.s32 $0x7EB8, s0  }
0x1fe: {  	[hbm4b:s29+s3] =	stream.linear.scatter [tilespmem:s20], [sflag:$0x4], $0x80, $0x38;
	[tilespmem:$0x9D00] =	vst v63  }
0x1ff: {  	s31 =	sadd.s32 $0x180, s30  }
0x200: {  	[tilespmem:s17], [sflag:$0x2] =	stream.indirect.gather [hbm4b:s4+s13], $0x40, s31, s13, $0xb8;
	[tilespmem:$0x9D00] =	vst v63  }
0x201: {  	_ =	swait.ge [sflag:s18], $0x2000  }
0x202: {  	[sflag:s18] =	ssyncset.done $0x0  }
0x203: {  	[sflag:s18] =	ssyncadd.s32 $0xFFFFE000  }
0x204: {  	_ =	swait.ge [sflag:s24], $0x2000  }
0x205: {  	[sflag:s24] =	ssyncset.done $0x0  }
0x206: {  	s28 =	simm.s32 $0x7;
	s0 =	simm.s32 $0x1A00;
	[sflag:s24] =	ssyncadd.s32 $0xFFFFE000  }
.LBB2_20:
0x207: {  	s1 =	sadd.s32 $0xFFFFFFF9, s28  }
0x208: {  	v13 =	vld [tilespmem:s0+$0xFFFFFF00];
	v14 =	vadd.s32 s1, v4  }
0x209: {  	v15 =	vld [tilespmem:s0+$0xFFFFFF10];
	v14 =	vand.u32 $0xFFFFFFF8, v14  }
0x20a: {  	v16 =	vld [tilespmem:s0+$0xFFFFFF20];
	v18 =	vadd.s32 v6, v14  }
0x20b: {  	v17 =	vld [tilespmem:s0+$0xFFFFFF30];
	v20 =	vadd.s32 v10, v14  }
0x20c: {  	v19 =	vld [tilespmem:s0+$0xFFFFFF40];
	v22 =	vadd.s32 v11, v14  }
0x20d: {  	v21 =	vld [tilespmem:s0+$0xFFFFFF50];
	v14 =	vadd.s32 v12, v14  }
0x20e: {  	v23 =	vld [tilespmem:s0+$0xFFFFFF60];
	s31 =	sadd.s32 $0xFFFFFFFA, s28  }
0x20f: {  	v24 =	vld [tilespmem:s0+$0xFFFFFF70];
	v25 =	vadd.s32 s31, v4;
	[tilespmem:v18+s19+$0x0] =	vst.idx.msk $0xffff, v13  }
0x210: {  	v13 =	vand.u32 $0xFFFFFFF8, v25;
	[tilespmem:v20+s19+$0x0] =	vst.idx.msk $0xffff, v15  }
0x211: {  	v15 =	vand.u32 $0x7, v25;
	v27 =	vadd.s32 v5, v13;
	[tilespmem:v22+s19+$0x0] =	vst.idx.msk $0xffff, v16  }
0x212: {  	v28 =	vadd.s32 v7, v13;
	[tilespmem:v14+s19+$0x0] =	vst.idx.msk $0xffff, v17;
	v14 =	vor.u32 v15, v27  }
0x213: {  	v29 =	vadd.s32 v8, v13;
	v16 =	vor.u32 v15, v28  }
0x214: {  	v13 =	vadd.s32 v9, v13;
	v18 =	vor.u32 v15, v29;
	v17 =	vld [tilespmem:s0+$0xFFFFFF80]  }
0x215: {  	v13 =	vor.u32 v15, v13;
	v20 =	vld [tilespmem:s0+$0xFFFFFF90]  }
0x216: {  	s14 =	sadd.s32 $0xFFFFFFFB, s28;
	v22 =	vld [tilespmem:s0+$0xFFFFFFA0]  }
0x217: {  	v30 =	vadd.s32 s14, v4;
	v15 =	vld [tilespmem:s0+$0xFFFFFFB0];
	[tilespmem:v14+s19+$0x0] =	vst.idx.msk $0xffff, v19  }
0x218: {  	v14 =	vand.u32 $0xFFFFFFF8, v30;
	[tilespmem:v16+s19+$0x0] =	vst.idx.msk $0xffff, v21  }
0x219: {  	v31 =	vand.u32 $0x7, v30;
	v32 =	vadd.s32 v5, v14;
	[tilespmem:v18+s19+$0x0] =	vst.idx.msk $0xffff, v23  }
0x21a: {  	v33 =	vadd.s32 v7, v14;
	[tilespmem:v13+s19+$0x0] =	vst.idx.msk $0xffff, v24;
	v13 =	vor.u32 v31, v32  }
0x21b: {  	v34 =	vadd.s32 v8, v14;
	v18 =	vor.u32 v31, v33  }
0x21c: {  	v14 =	vadd.s32 v9, v14;
	v21 =	vor.u32 v31, v34;
	v19 =	vld [tilespmem:s0+$0xFFFFFFC0]  }
0x21d: {  	v14 =	vor.u32 v31, v14;
	v23 =	vld [tilespmem:s0+$0xFFFFFFD0]  }
0x21e: {  	s20 =	sadd.s32 $0xFFFFFFFC, s28;
	v24 =	vld [tilespmem:s0+$0xFFFFFFE0]  }
0x21f: {  	v36 =	vadd.s32 s20, v4;
	v35 =	vld [tilespmem:s0+$0xFFFFFFF0];
	[tilespmem:v13+s19+$0x0] =	vst.idx.msk $0xffff, v17  }
0x220: {  	v13 =	vand.u32 $0xFFFFFFF8, v36;
	[tilespmem:v18+s19+$0x0] =	vst.idx.msk $0xffff, v20  }
0x221: {  	v37 =	vand.u32 $0x7, v36;
	v38 =	vadd.s32 v5, v13;
	[tilespmem:v21+s19+$0x0] =	vst.idx.msk $0xffff, v22  }
0x222: {  	[tilespmem:v14+s19+$0x0] =	vst.idx.msk $0xffff, v15;
	v14 =	vor.u32 v37, v38;
	v15 =	vadd.s32 v7, v13  }
0x223: {  	v40 =	vadd.s32 v8, v13;
	v15 =	vor.u32 v37, v15  }
0x224: {  	v20 =	vor.u32 v37, v40;
	v13 =	vadd.s32 v9, v13;
	v39 =	vld [tilespmem:s0+$0x0]  }
0x225: {  	v21 =	vld [tilespmem:s0+$0x10];
	v13 =	vor.u32 v37, v13  }
0x226: {  	s29 =	sadd.s32 $0xFFFFFFFD, s28;
	v22 =	vld [tilespmem:s0+$0x20]  }
0x227: {  	v42 =	vadd.s32 s29, v4;
	v41 =	vld [tilespmem:s0+$0x30];
	[tilespmem:v14+s19+$0x0] =	vst.idx.msk $0xffff, v19  }
0x228: {  	v14 =	vand.u32 $0xFFFFFFF8, v42;
	[tilespmem:v15+s19+$0x0] =	vst.idx.msk $0xffff, v23  }
0x229: {  	v15 =	vand.u32 $0x7, v42;
	v43 =	vadd.s32 v5, v14;
	[tilespmem:v20+s19+$0x0] =	vst.idx.msk $0xffff, v24  }
0x22a: {  	v44 =	vadd.s32 v7, v14;
	[tilespmem:v13+s19+$0x0] =	vst.idx.msk $0xffff, v35;
	v13 =	vor.u32 v15, v43  }
0x22b: {  	v46 =	vadd.s32 v8, v14;
	v16 =	vor.u32 v15, v44  }
0x22c: {  	v14 =	vadd.s32 v9, v14;
	v20 =	vor.u32 v15, v46;
	v45 =	vld [tilespmem:s0+$0x40]  }
0x22d: {  	v14 =	vor.u32 v15, v14;
	v23 =	vld [tilespmem:s0+$0x50]  }
0x22e: {  	s30 =	sadd.s32 $0xFFFFFFFE, s28;
	v24 =	vld [tilespmem:s0+$0x60]  }
0x22f: {  	v47 =	vadd.s32 s30, v4;
	v15 =	vld [tilespmem:s0+$0x70];
	[tilespmem:v13+s19+$0x0] =	vst.idx.msk $0xffff, v39  }
0x230: {  	v13 =	vand.u32 $0xFFFFFFF8, v47;
	[tilespmem:v16+s19+$0x0] =	vst.idx.msk $0xffff, v21  }
0x231: {  	v48 =	vand.u32 $0x7, v47;
	v49 =	vadd.s32 v5, v13;
	[tilespmem:v20+s19+$0x0] =	vst.idx.msk $0xffff, v22  }
0x232: {  	v50 =	vadd.s32 v7, v13;
	[tilespmem:v14+s19+$0x0] =	vst.idx.msk $0xffff, v41;
	v14 =	vor.u32 v48, v49  }
0x233: {  	v52 =	vadd.s32 v8, v13;
	v17 =	vor.u32 v48, v50  }
0x234: {  	v13 =	vadd.s32 v9, v13;
	v20 =	vor.u32 v48, v52;
	v51 =	vld [tilespmem:s0+$0x80]  }
0x235: {  	v13 =	vor.u32 v48, v13;
	v21 =	vld [tilespmem:s0+$0x90]  }
0x236: {  	s31 =	sadd.s32 $0xFFFFFFFF, s28;
	v22 =	vld [tilespmem:s0+$0xA0]  }
0x237: {  	v54 =	vadd.s32 s31, v4;
	v53 =	vld [tilespmem:s0+$0xB0];
	[tilespmem:v14+s19+$0x0] =	vst.idx.msk $0xffff, v45  }
0x238: {  	v14 =	vand.u32 $0xFFFFFFF8, v54;
	[tilespmem:v17+s19+$0x0] =	vst.idx.msk $0xffff, v23  }
0x239: {  	v55 =	vand.u32 $0x7, v54;
	v56 =	vadd.s32 v5, v14;
	[tilespmem:v20+s19+$0x0] =	vst.idx.msk $0xffff, v24  }
0x23a: {  	[tilespmem:v13+s19+$0x0] =	vst.idx.msk $0xffff, v15;
	v13 =	vor.u32 v55, v56;
	v15 =	vadd.s32 v7, v14  }
0x23b: {  	v57 =	vadd.s32 s28, v4;
	v58 =	vadd.s32 v8, v14;
	v15 =	vor.u32 v55, v15  }
0x23c: {  	v59 =	vand.u32 $0xFFFFFFF8, v57;
	v23 =	vor.u32 v55, v58;
	v14 =	vadd.s32 v9, v14;
	v20 =	vld [tilespmem:s0+$0xC0]  }
0x23d: {  	v60 =	vand.u32 $0x7, v57;
	v61 =	vadd.s32 v5, v59;
	v24 =	vld [tilespmem:s0+$0xD0];
	v14 =	vor.u32 v55, v14  }
0x23e: {  	v28 =	vadd.s32 v7, v59;
	v19 =	vor.u32 v60, v61;
	v26 =	vld [tilespmem:s0+$0xE0]  }
0x23f: {  	v62 =	vadd.s32 v8, v59;
	v27 =	vld [tilespmem:s0+$0xF0];
	[tilespmem:v13+s19+$0x0] =	vst.idx.msk $0xffff, v51;
	v13 =	vor.u32 v60, v28  }
0x240: {  	v63 =	vadd.s32 v9, v59;
	[tilespmem:v15+s19+$0x0] =	vst.idx.msk $0xffff, v21;
	v15 =	vor.u32 v60, v62  }
0x241: {  	p0 =	sne.s32 s28, $0x7F;
	v17 =	vor.u32 v60, v63;
	[tilespmem:v23+s19+$0x0] =	vst.idx.msk $0xffff, v22  }
.Ltmp9:
0x242: {  	[tilespmem:v14+s19+$0x0] =	vst.idx.msk $0xffff, v53;
	(pc) =	sbr.rel @p0 .LBB2_20-.Ltmp9, $4  }
0x243: {  	[tilespmem:v19+s19+$0x0] =	vst.idx.msk $0xffff, v20  }
0x244: {  	[tilespmem:v13+s19+$0x0] =	vst.idx.msk $0xffff, v24  }
0x245: {  	[tilespmem:v15+s19+$0x0] =	vst.idx.msk $0xffff, v26  }
0x246: {  	s28 =	sadd.s32 $0x8, s28;
	s0 =	sadd.s32 $0x200, s0;
	[tilespmem:v17+s19+$0x0] =	vst.idx.msk $0xffff, v27  }
0x247: {  	s0 =	simm.s32 $0x5900  }
0x248: {  	[hbm4b:s10+s3] =	stream.linear.scatter [tilespmem:s0], [sflag:$0x3], $0x80, $0x38;
	[tilespmem:$0x9D00] =	vst v63  }
0x249: {  	s20 =	simm.s32 $0x5988;
	s1 =	sadd.s32 $0x10, s10  }
0x24a: {  	[hbm4b:s1+s3] =	stream.linear.scatter [tilespmem:s20], [sflag:$0x3], $0x80, $0x38;
	[tilespmem:$0x9D00] =	vst v63  }
0x24b: {  	s30 =	simm.s32 $0x5A10;
	s31 =	sadd.s32 $0x20, s10;
	s14 =	simm.s32 $0x5A98  }
0x24c: {  	[hbm4b:s31+s3] =	stream.linear.scatter [tilespmem:s30], [sflag:$0x3], $0x80, $0x38;
	[tilespmem:$0x9D00] =	vst v63  }
0x24d: {  	s29 =	simm.s32 $0x2200;
	s28 =	sadd.s32 $0x1000, s10;
	s20 =	sadd.s32 $0x30, s10  }
0x24e: {  	[hbm4b:s20+s3] =	stream.linear.scatter [tilespmem:s14], [sflag:$0x3], $0x80, $0x38;
	[tilespmem:$0x9D00] =	vst v63  }
0x24f: {  	s0 =	simm.s32 $0x440;
	s30 =	simm.s32 $0x5B20;
	s31 =	sadd.s32 $0x40, s10  }
0x250: {  	[hbm4b:s31+s3] =	stream.linear.scatter [tilespmem:s30], [sflag:$0x3], $0x80, $0x38;
	[tilespmem:$0x9D00] =	vst v63  }
0x251: {  	s1 =	simm.s32 $0x5CB8;
	s14 =	simm.s32 $0x5BA8;
	s20 =	sadd.s32 $0x50, s10  }
0x252: {  	[hbm4b:s20+s3] =	stream.linear.scatter [tilespmem:s14], [sflag:$0x3], $0x80, $0x38;
	[tilespmem:$0x9D00] =	vst v63  }
0x253: {  	s30 =	simm.s32 $0x5C30;
	s31 =	sadd.s32 $0x60, s10;
	s14 =	sadd.s32 $0x70, s10  }
0x254: {  	[hbm4b:s31+s3] =	stream.linear.scatter [tilespmem:s30], [sflag:$0x3], $0x80, $0x38;
	[tilespmem:$0x9D00] =	vst v63  }
.LBB2_22:
0x255: {  	[hbm4b:s14+s3] =	stream.linear.scatter [tilespmem:s1], [sflag:$0x3], $0x80, $0x38;
	[tilespmem:$0x9D00] =	vst v63  }
0x256: {  	s1 =	smov.u32 s0;
	s0 =	smov.u32 s29  }
0x257: {  	s20 =	sadd.s32 $0x1100, s29;
	s0 =	sshra.s32 s0, $0x2;
	s14 =	sadd.s32 $0x5900, s1  }
0x258: {  	[hbm4b:s28+s3] =	stream.linear.scatter [tilespmem:s14], [sflag:$0x3], $0x80, $0x38;
	[tilespmem:$0x9D00] =	vst v63  }
0x259: {  	p0 =	sne.s32 s29, $0x7700;
	s29 =	sadd.s32 $0x10, s28;
	s14 =	sadd.s32 $0x5988, s1  }
0x25a: {  	[hbm4b:s29+s3] =	stream.linear.scatter [tilespmem:s14], [sflag:$0x3], $0x80, $0x38;
	[tilespmem:$0x9D00] =	vst v63  }
0x25b: {  	s14 =	sadd.s32 $0x5A10, s1;
	s29 =	sadd.s32 $0x20, s28  }
0x25c: {  	[hbm4b:s29+s3] =	stream.linear.scatter [tilespmem:s14], [sflag:$0x3], $0x80, $0x38;
	[tilespmem:$0x9D00] =	vst v63  }
0x25d: {  	s14 =	sadd.s32 $0x5A98, s1;
	s29 =	sadd.s32 $0x30, s28  }
0x25e: {  	[hbm4b:s29+s3] =	stream.linear.scatter [tilespmem:s14], [sflag:$0x3], $0x80, $0x38;
	[tilespmem:$0x9D00] =	vst v63  }
0x25f: {  	s14 =	sadd.s32 $0x5B20, s1;
	s29 =	sadd.s32 $0x40, s28  }
0x260: {  	[hbm4b:s29+s3] =	stream.linear.scatter [tilespmem:s14], [sflag:$0x3], $0x80, $0x38;
	[tilespmem:$0x9D00] =	vst v63  }
.Ltmp10:
0x261: {  	s14 =	sadd.s32 $0x5BA8, s1;
	s29 =	sadd.s32 $0x50, s28;
	(pc) =	sbr.rel @p0 .LBB2_22-.Ltmp10, $4  }
0x262: {  	[hbm4b:s29+s3] =	stream.linear.scatter [tilespmem:s14], [sflag:$0x3], $0x80, $0x38;
	[tilespmem:$0x9D00] =	vst v63  }
0x263: {  	s14 =	sadd.s32 $0x5C30, s1;
	s29 =	sadd.s32 $0x60, s28;
	s1 =	sadd.s32 $0x5CB8, s1  }
0x264: {  	[hbm4b:s29+s3] =	stream.linear.scatter [tilespmem:s14], [sflag:$0x3], $0x80, $0x38;
	[tilespmem:$0x9D00] =	vst v63  }
0x265: {  	s14 =	sadd.s32 $0x70, s28;
	s28 =	sadd.s32 $0x1000, s28;
	s29 =	smov.u32 s20  }
0x266: {  	[hbm4b:s14+s3] =	stream.linear.scatter [tilespmem:s1], [sflag:$0x3], $0x80, $0x38;
	[tilespmem:$0x9D00] =	vst v63  }
0x267: {  	s29 =	sadd.s32 $0x5900, s0  }
0x268: {  	[hbm4b:s28+s3] =	stream.linear.scatter [tilespmem:s29], [sflag:$0x3], $0x80, $0x38;
	[tilespmem:$0x9D00] =	vst v63  }
0x269: {  	s30 =	sadd.s32 $0x5988, s0;
	s31 =	sadd.s32 $0x10, s28  }
0x26a: {  	[hbm4b:s31+s3] =	stream.linear.scatter [tilespmem:s30], [sflag:$0x3], $0x80, $0x38;
	[tilespmem:$0x9D00] =	vst v63  }
0x26b: {  	s20 =	sadd.s32 $0x5A10, s0;
	s29 =	sadd.s32 $0x20, s28  }
0x26c: {  	[hbm4b:s29+s3] =	stream.linear.scatter [tilespmem:s20], [sflag:$0x3], $0x80, $0x38;
	[tilespmem:$0x9D00] =	vst v63  }
0x26d: {  	s30 =	sadd.s32 $0x5A98, s0;
	s31 =	sadd.s32 $0x30, s28  }
0x26e: {  	[hbm4b:s31+s3] =	stream.linear.scatter [tilespmem:s30], [sflag:$0x3], $0x80, $0x38;
	[tilespmem:$0x9D00] =	vst v63  }
0x26f: {  	s20 =	sadd.s32 $0x5B20, s0;
	s29 =	sadd.s32 $0x40, s28  }
0x270: {  	[hbm4b:s29+s3] =	stream.linear.scatter [tilespmem:s20], [sflag:$0x3], $0x80, $0x38;
	[tilespmem:$0x9D00] =	vst v63  }
0x271: {  	s30 =	sadd.s32 $0x5BA8, s0;
	s31 =	sadd.s32 $0x50, s28  }
0x272: {  	[hbm4b:s31+s3] =	stream.linear.scatter [tilespmem:s30], [sflag:$0x3], $0x80, $0x38;
	[tilespmem:$0x9D00] =	vst v63  }
0x273: {  	s20 =	sadd.s32 $0x5C30, s0;
	s29 =	sadd.s32 $0x60, s28  }
0x274: {  	[hbm4b:s29+s3] =	stream.linear.scatter [tilespmem:s20], [sflag:$0x3], $0x80, $0x38;
	[tilespmem:$0x9D00] =	vst v63  }
0x275: {  	s30 =	sadd.s32 $0x5CB8, s0;
	s31 =	sadd.s32 $0x70, s28  }
0x276: {  	[hbm4b:s31+s3] =	stream.linear.scatter [tilespmem:s30], [sflag:$0x3], $0x80, $0x38;
	[tilespmem:$0x9D00] =	vst v63  }
0x277: {  	_ =	swait.ge [sflag:s21], $0x2000  }
0x278: {  	[sflag:s21] =	ssyncset.done $0x0  }
0x279: {  	[sflag:s21] =	ssyncadd.s32 $0xFFFFE000  }
0x27a: {  	_ =	swait.ge [sflag:s25], $0x2000  }
0x27b: {  	[sflag:s25] =	ssyncset.done $0x0  }
0x27c: {  	s28 =	simm.s32 $0x7;
	s0 =	simm.s32 $0x3A00;
	[sflag:s25] =	ssyncadd.s32 $0xFFFFE000  }
.LBB2_24:
0x27d: {  	s1 =	sadd.s32 $0xFFFFFFF9, s28  }
0x27e: {  	v13 =	vld [tilespmem:s0+$0xFFFFFF00];
	v14 =	vadd.s32 s1, v4  }
0x27f: {  	v15 =	vld [tilespmem:s0+$0xFFFFFF10];
	v14 =	vand.u32 $0xFFFFFFF8, v14  }
0x280: {  	v16 =	vld [tilespmem:s0+$0xFFFFFF20];
	v18 =	vadd.s32 v6, v14  }
0x281: {  	v17 =	vld [tilespmem:s0+$0xFFFFFF30];
	v20 =	vadd.s32 v10, v14  }
0x282: {  	v19 =	vld [tilespmem:s0+$0xFFFFFF40];
	v22 =	vadd.s32 v11, v14  }
0x283: {  	v21 =	vld [tilespmem:s0+$0xFFFFFF50];
	v14 =	vadd.s32 v12, v14  }
0x284: {  	v23 =	vld [tilespmem:s0+$0xFFFFFF60];
	s31 =	sadd.s32 $0xFFFFFFFA, s28  }
0x285: {  	v24 =	vld [tilespmem:s0+$0xFFFFFF70];
	v25 =	vadd.s32 s31, v4;
	[tilespmem:v18+s22+$0x0] =	vst.idx.msk $0xffff, v13  }
0x286: {  	v13 =	vand.u32 $0xFFFFFFF8, v25;
	[tilespmem:v20+s22+$0x0] =	vst.idx.msk $0xffff, v15  }
0x287: {  	v15 =	vand.u32 $0x7, v25;
	v27 =	vadd.s32 v5, v13;
	[tilespmem:v22+s22+$0x0] =	vst.idx.msk $0xffff, v16  }
0x288: {  	v28 =	vadd.s32 v7, v13;
	[tilespmem:v14+s22+$0x0] =	vst.idx.msk $0xffff, v17;
	v14 =	vor.u32 v15, v27  }
0x289: {  	v29 =	vadd.s32 v8, v13;
	v16 =	vor.u32 v15, v28  }
0x28a: {  	v13 =	vadd.s32 v9, v13;
	v18 =	vor.u32 v15, v29;
	v17 =	vld [tilespmem:s0+$0xFFFFFF80]  }
0x28b: {  	v13 =	vor.u32 v15, v13;
	v20 =	vld [tilespmem:s0+$0xFFFFFF90]  }
0x28c: {  	s14 =	sadd.s32 $0xFFFFFFFB, s28;
	v22 =	vld [tilespmem:s0+$0xFFFFFFA0]  }
0x28d: {  	v30 =	vadd.s32 s14, v4;
	v15 =	vld [tilespmem:s0+$0xFFFFFFB0];
	[tilespmem:v14+s22+$0x0] =	vst.idx.msk $0xffff, v19  }
0x28e: {  	v14 =	vand.u32 $0xFFFFFFF8, v30;
	[tilespmem:v16+s22+$0x0] =	vst.idx.msk $0xffff, v21  }
0x28f: {  	v31 =	vand.u32 $0x7, v30;
	v32 =	vadd.s32 v5, v14;
	[tilespmem:v18+s22+$0x0] =	vst.idx.msk $0xffff, v23  }
0x290: {  	v33 =	vadd.s32 v7, v14;
	[tilespmem:v13+s22+$0x0] =	vst.idx.msk $0xffff, v24;
	v13 =	vor.u32 v31, v32  }
0x291: {  	v34 =	vadd.s32 v8, v14;
	v18 =	vor.u32 v31, v33  }
0x292: {  	v14 =	vadd.s32 v9, v14;
	v21 =	vor.u32 v31, v34;
	v19 =	vld [tilespmem:s0+$0xFFFFFFC0]  }
0x293: {  	v14 =	vor.u32 v31, v14;
	v23 =	vld [tilespmem:s0+$0xFFFFFFD0]  }
0x294: {  	s20 =	sadd.s32 $0xFFFFFFFC, s28;
	v24 =	vld [tilespmem:s0+$0xFFFFFFE0]  }
0x295: {  	v36 =	vadd.s32 s20, v4;
	v35 =	vld [tilespmem:s0+$0xFFFFFFF0];
	[tilespmem:v13+s22+$0x0] =	vst.idx.msk $0xffff, v17  }
0x296: {  	v13 =	vand.u32 $0xFFFFFFF8, v36;
	[tilespmem:v18+s22+$0x0] =	vst.idx.msk $0xffff, v20  }
0x297: {  	v37 =	vand.u32 $0x7, v36;
	v38 =	vadd.s32 v5, v13;
	[tilespmem:v21+s22+$0x0] =	vst.idx.msk $0xffff, v22  }
0x298: {  	[tilespmem:v14+s22+$0x0] =	vst.idx.msk $0xffff, v15;
	v14 =	vor.u32 v37, v38;
	v15 =	vadd.s32 v7, v13  }
0x299: {  	v40 =	vadd.s32 v8, v13;
	v15 =	vor.u32 v37, v15  }
0x29a: {  	v20 =	vor.u32 v37, v40;
	v13 =	vadd.s32 v9, v13;
	v39 =	vld [tilespmem:s0+$0x0]  }
0x29b: {  	v21 =	vld [tilespmem:s0+$0x10];
	v13 =	vor.u32 v37, v13  }
0x29c: {  	s29 =	sadd.s32 $0xFFFFFFFD, s28;
	v22 =	vld [tilespmem:s0+$0x20]  }
0x29d: {  	v42 =	vadd.s32 s29, v4;
	v41 =	vld [tilespmem:s0+$0x30];
	[tilespmem:v14+s22+$0x0] =	vst.idx.msk $0xffff, v19  }
0x29e: {  	v14 =	vand.u32 $0xFFFFFFF8, v42;
	[tilespmem:v15+s22+$0x0] =	vst.idx.msk $0xffff, v23  }
0x29f: {  	v15 =	vand.u32 $0x7, v42;
	v43 =	vadd.s32 v5, v14;
	[tilespmem:v20+s22+$0x0] =	vst.idx.msk $0xffff, v24  }
0x2a0: {  	v44 =	vadd.s32 v7, v14;
	[tilespmem:v13+s22+$0x0] =	vst.idx.msk $0xffff, v35;
	v13 =	vor.u32 v15, v43  }
0x2a1: {  	v46 =	vadd.s32 v8, v14;
	v16 =	vor.u32 v15, v44  }
0x2a2: {  	v14 =	vadd.s32 v9, v14;
	v20 =	vor.u32 v15, v46;
	v45 =	vld [tilespmem:s0+$0x40]  }
0x2a3: {  	v14 =	vor.u32 v15, v14;
	v23 =	vld [tilespmem:s0+$0x50]  }
0x2a4: {  	s30 =	sadd.s32 $0xFFFFFFFE, s28;
	v24 =	vld [tilespmem:s0+$0x60]  }
0x2a5: {  	v47 =	vadd.s32 s30, v4;
	v15 =	vld [tilespmem:s0+$0x70];
	[tilespmem:v13+s22+$0x0] =	vst.idx.msk $0xffff, v39  }
0x2a6: {  	v13 =	vand.u32 $0xFFFFFFF8, v47;
	[tilespmem:v16+s22+$0x0] =	vst.idx.msk $0xffff, v21  }
0x2a7: {  	v48 =	vand.u32 $0x7, v47;
	v49 =	vadd.s32 v5, v13;
	[tilespmem:v20+s22+$0x0] =	vst.idx.msk $0xffff, v22  }
0x2a8: {  	v50 =	vadd.s32 v7, v13;
	[tilespmem:v14+s22+$0x0] =	vst.idx.msk $0xffff, v41;
	v14 =	vor.u32 v48, v49  }
0x2a9: {  	v52 =	vadd.s32 v8, v13;
	v17 =	vor.u32 v48, v50  }
0x2aa: {  	v13 =	vadd.s32 v9, v13;
	v20 =	vor.u32 v48, v52;
	v51 =	vld [tilespmem:s0+$0x80]  }
0x2ab: {  	v13 =	vor.u32 v48, v13;
	v21 =	vld [tilespmem:s0+$0x90]  }
0x2ac: {  	s31 =	sadd.s32 $0xFFFFFFFF, s28;
	v22 =	vld [tilespmem:s0+$0xA0]  }
0x2ad: {  	v54 =	vadd.s32 s31, v4;
	v53 =	vld [tilespmem:s0+$0xB0];
	[tilespmem:v14+s22+$0x0] =	vst.idx.msk $0xffff, v45  }
0x2ae: {  	v14 =	vand.u32 $0xFFFFFFF8, v54;
	[tilespmem:v17+s22+$0x0] =	vst.idx.msk $0xffff, v23  }
0x2af: {  	v55 =	vand.u32 $0x7, v54;
	v56 =	vadd.s32 v5, v14;
	[tilespmem:v20+s22+$0x0] =	vst.idx.msk $0xffff, v24  }
0x2b0: {  	[tilespmem:v13+s22+$0x0] =	vst.idx.msk $0xffff, v15;
	v13 =	vor.u32 v55, v56;
	v15 =	vadd.s32 v7, v14  }
0x2b1: {  	v57 =	vadd.s32 s28, v4;
	v58 =	vadd.s32 v8, v14;
	v15 =	vor.u32 v55, v15  }
0x2b2: {  	v59 =	vand.u32 $0xFFFFFFF8, v57;
	v23 =	vor.u32 v55, v58;
	v14 =	vadd.s32 v9, v14;
	v20 =	vld [tilespmem:s0+$0xC0]  }
0x2b3: {  	v60 =	vand.u32 $0x7, v57;
	v61 =	vadd.s32 v5, v59;
	v24 =	vld [tilespmem:s0+$0xD0];
	v14 =	vor.u32 v55, v14  }
0x2b4: {  	v28 =	vadd.s32 v7, v59;
	v19 =	vor.u32 v60, v61;
	v26 =	vld [tilespmem:s0+$0xE0]  }
0x2b5: {  	v62 =	vadd.s32 v8, v59;
	v27 =	vld [tilespmem:s0+$0xF0];
	[tilespmem:v13+s22+$0x0] =	vst.idx.msk $0xffff, v51;
	v13 =	vor.u32 v60, v28  }
0x2b6: {  	v63 =	vadd.s32 v9, v59;
	[tilespmem:v15+s22+$0x0] =	vst.idx.msk $0xffff, v21;
	v15 =	vor.u32 v60, v62  }
0x2b7: {  	p0 =	sne.s32 s28, $0x7F;
	v17 =	vor.u32 v60, v63;
	[tilespmem:v23+s22+$0x0] =	vst.idx.msk $0xffff, v22  }
.Ltmp11:
0x2b8: {  	[tilespmem:v14+s22+$0x0] =	vst.idx.msk $0xffff, v53;
	(pc) =	sbr.rel @p0 .LBB2_24-.Ltmp11, $4  }
0x2b9: {  	[tilespmem:v19+s22+$0x0] =	vst.idx.msk $0xffff, v20  }
0x2ba: {  	[tilespmem:v13+s22+$0x0] =	vst.idx.msk $0xffff, v24  }
0x2bb: {  	[tilespmem:v15+s22+$0x0] =	vst.idx.msk $0xffff, v26  }
0x2bc: {  	s28 =	sadd.s32 $0x8, s28;
	s0 =	sadd.s32 $0x200, s0;
	[tilespmem:v17+s22+$0x0] =	vst.idx.msk $0xffff, v27  }
0x2bd: {  	s0 =	simm.s32 $0x7B00  }
0x2be: {  	[hbm4b:s11+s3] =	stream.linear.scatter [tilespmem:s0], [sflag:$0x4], $0x80, $0x38;
	[tilespmem:$0x9D00] =	vst v63  }
0x2bf: {  	s20 =	simm.s32 $0x7B88;
	s1 =	sadd.s32 $0x10, s11  }
0x2c0: {  	[hbm4b:s1+s3] =	stream.linear.scatter [tilespmem:s20], [sflag:$0x4], $0x80, $0x38;
	[tilespmem:$0x9D00] =	vst v63  }
0x2c1: {  	s30 =	simm.s32 $0x7C10;
	s31 =	sadd.s32 $0x20, s11;
	s14 =	simm.s32 $0x7C98  }
0x2c2: {  	[hbm4b:s31+s3] =	stream.linear.scatter [tilespmem:s30], [sflag:$0x4], $0x80, $0x38;
	[tilespmem:$0x9D00] =	vst v63  }
0x2c3: {  	s29 =	simm.s32 $0x2200;
	s28 =	sadd.s32 $0x1000, s11;
	s20 =	sadd.s32 $0x30, s11  }
0x2c4: {  	[hbm4b:s20+s3] =	stream.linear.scatter [tilespmem:s14], [sflag:$0x4], $0x80, $0x38;
	[tilespmem:$0x9D00] =	vst v63  }
0x2c5: {  	s0 =	simm.s32 $0x440;
	s30 =	simm.s32 $0x7D20;
	s31 =	sadd.s32 $0x40, s11  }
0x2c6: {  	[hbm4b:s31+s3] =	stream.linear.scatter [tilespmem:s30], [sflag:$0x4], $0x80, $0x38;
	[tilespmem:$0x9D00] =	vst v63  }
0x2c7: {  	s1 =	simm.s32 $0x7EB8;
	s14 =	simm.s32 $0x7DA8;
	s20 =	sadd.s32 $0x50, s11  }
0x2c8: {  	[hbm4b:s20+s3] =	stream.linear.scatter [tilespmem:s14], [sflag:$0x4], $0x80, $0x38;
	[tilespmem:$0x9D00] =	vst v63  }
0x2c9: {  	s30 =	simm.s32 $0x7E30;
	s31 =	sadd.s32 $0x60, s11;
	s14 =	sadd.s32 $0x70, s11  }
0x2ca: {  	[hbm4b:s31+s3] =	stream.linear.scatter [tilespmem:s30], [sflag:$0x4], $0x80, $0x38;
	[tilespmem:$0x9D00] =	vst v63  }
.LBB2_26:
0x2cb: {  	[hbm4b:s14+s3] =	stream.linear.scatter [tilespmem:s1], [sflag:$0x4], $0x80, $0x38;
	[tilespmem:$0x9D00] =	vst v63  }
0x2cc: {  	s1 =	smov.u32 s0;
	s0 =	smov.u32 s29  }
0x2cd: {  	s20 =	sadd.s32 $0x1100, s29;
	s0 =	sshra.s32 s0, $0x2;
	s14 =	sadd.s32 $0x7B00, s1  }
0x2ce: {  	[hbm4b:s28+s3] =	stream.linear.scatter [tilespmem:s14], [sflag:$0x4], $0x80, $0x38;
	[tilespmem:$0x9D00] =	vst v63  }
0x2cf: {  	p0 =	sne.s32 s29, $0x7700;
	s29 =	sadd.s32 $0x10, s28;
	s14 =	sadd.s32 $0x7B88, s1  }
0x2d0: {  	[hbm4b:s29+s3] =	stream.linear.scatter [tilespmem:s14], [sflag:$0x4], $0x80, $0x38;
	[tilespmem:$0x9D00] =	vst v63  }
0x2d1: {  	s14 =	sadd.s32 $0x7C10, s1;
	s29 =	sadd.s32 $0x20, s28  }
0x2d2: {  	[hbm4b:s29+s3] =	stream.linear.scatter [tilespmem:s14], [sflag:$0x4], $0x80, $0x38;
	[tilespmem:$0x9D00] =	vst v63  }
0x2d3: {  	s14 =	sadd.s32 $0x7C98, s1;
	s29 =	sadd.s32 $0x30, s28  }
0x2d4: {  	[hbm4b:s29+s3] =	stream.linear.scatter [tilespmem:s14], [sflag:$0x4], $0x80, $0x38;
	[tilespmem:$0x9D00] =	vst v63  }
0x2d5: {  	s14 =	sadd.s32 $0x7D20, s1;
	s29 =	sadd.s32 $0x40, s28  }
0x2d6: {  	[hbm4b:s29+s3] =	stream.linear.scatter [tilespmem:s14], [sflag:$0x4], $0x80, $0x38;
	[tilespmem:$0x9D00] =	vst v63  }
.Ltmp12:
0x2d7: {  	s14 =	sadd.s32 $0x7DA8, s1;
	s29 =	sadd.s32 $0x50, s28;
	(pc) =	sbr.rel @p0 .LBB2_26-.Ltmp12, $4  }
0x2d8: {  	[hbm4b:s29+s3] =	stream.linear.scatter [tilespmem:s14], [sflag:$0x4], $0x80, $0x38;
	[tilespmem:$0x9D00] =	vst v63  }
0x2d9: {  	s14 =	sadd.s32 $0x7E30, s1;
	s29 =	sadd.s32 $0x60, s28;
	s1 =	sadd.s32 $0x7EB8, s1  }
0x2da: {  	[hbm4b:s29+s3] =	stream.linear.scatter [tilespmem:s14], [sflag:$0x4], $0x80, $0x38;
	[tilespmem:$0x9D00] =	vst v63  }
0x2db: {  	s14 =	sadd.s32 $0x70, s28;
	s28 =	sadd.s32 $0x1000, s28;
	s29 =	smov.u32 s20  }
0x2dc: {  	[hbm4b:s14+s3] =	stream.linear.scatter [tilespmem:s1], [sflag:$0x4], $0x80, $0x38;
	[tilespmem:$0x9D00] =	vst v63  }
0x2dd: {  	s29 =	sadd.s32 $0x7B00, s0  }
0x2de: {  	[hbm4b:s28+s3] =	stream.linear.scatter [tilespmem:s29], [sflag:$0x4], $0x80, $0x38;
	[tilespmem:$0x9D00] =	vst v63  }
0x2df: {  	s30 =	sadd.s32 $0x7B88, s0;
	s31 =	sadd.s32 $0x10, s28  }
0x2e0: {  	[hbm4b:s31+s3] =	stream.linear.scatter [tilespmem:s30], [sflag:$0x4], $0x80, $0x38;
	[tilespmem:$0x9D00] =	vst v63  }
0x2e1: {  	s20 =	sadd.s32 $0x7C10, s0;
	s29 =	sadd.s32 $0x20, s28  }
0x2e2: {  	[hbm4b:s29+s3] =	stream.linear.scatter [tilespmem:s20], [sflag:$0x4], $0x80, $0x38;
	[tilespmem:$0x9D00] =	vst v63  }
0x2e3: {  	s30 =	sadd.s32 $0x7C98, s0;
	s31 =	sadd.s32 $0x30, s28  }
0x2e4: {  	[hbm4b:s31+s3] =	stream.linear.scatter [tilespmem:s30], [sflag:$0x4], $0x80, $0x38;
	[tilespmem:$0x9D00] =	vst v63  }
0x2e5: {  	s20 =	sadd.s32 $0x7D20, s0;
	s29 =	sadd.s32 $0x40, s28  }
0x2e6: {  	[hbm4b:s29+s3] =	stream.linear.scatter [tilespmem:s20], [sflag:$0x4], $0x80, $0x38;
	[tilespmem:$0x9D00] =	vst v63  }
0x2e7: {  	s30 =	sadd.s32 $0x7DA8, s0;
	s31 =	sadd.s32 $0x50, s28  }
0x2e8: {  	[hbm4b:s31+s3] =	stream.linear.scatter [tilespmem:s30], [sflag:$0x4], $0x80, $0x38;
	[tilespmem:$0x9D00] =	vst v63  }
0x2e9: {  	s20 =	sadd.s32 $0x7E30, s0;
	s29 =	sadd.s32 $0x60, s28  }
0x2ea: {  	[hbm4b:s29+s3] =	stream.linear.scatter [tilespmem:s20], [sflag:$0x4], $0x80, $0x38;
	[tilespmem:$0x9D00] =	vst v63  }
0x2eb: {  	s26 =	sadd.s32 $0x1, s26;
	s30 =	sadd.s32 $0x7EB8, s0;
	s31 =	sadd.s32 $0x70, s28  }
0x2ec: {  	[hbm4b:s31+s3] =	stream.linear.scatter [tilespmem:s30], [sflag:$0x4], $0x80, $0x38;
	[tilespmem:$0x9D00] =	vst v63  }
0x2ed: {  	p0 =	sne.s32 s26, s12;
	_ =	swait.ge [sflag:s24], $0x2000  }
.Ltmp13:
0x2ee: {  	[sflag:s24] =	ssyncset.done $0x0;
	(pc) =	sbr.rel @p0 .LBB2_1-.Ltmp13, $4  }
0x2ef: {  	[sflag:s24] =	ssyncadd.s32 $0xFFFFE000  }
0x2f0: {  	_ =	swait.ge [sflag:s25], $0x2000  }
0x2f1: {  	[sflag:s25] =	ssyncset.done $0x0  }
0x2f2: {  	[sflag:s25] =	ssyncadd.s32 $0xFFFFE000  }
0x2f3: {  	_ =	sfence.sel $0x180000  }
0x2f4: {  	[bflag:$0x0] =	sbarrier.arrive $0xFFFF  }
0x2f5: {  	_ =	strace $0x90000047  }
0x2f6: {  	s0 =	stileid.u32;
	[bflag:$0x2] =	sbarrier.arrive $0xFFFF  }
0x2f7: {  	p0 =	sne.s32 s0, $0x0;
	s0 =	rddreg [dreg:$0x2]  }
0x2f8: {  	s0 =	sadd.s32 @!p0 $0x100000, s0  }
0x2f9: {  	[sflag:s0] =	ssyncadd.tile.s32 @!p0 $0x1;
	_ =	shalt  }
.Lfunc_end2:
_tile_overlayer_lowered:
.L_overlay_start_2:
0x2fa: {  	(tag) =	ssettag $0x2  }
0x2fb: {  	s0 =	rddreg [dreg:$0x0];
	s2 =	stileid.u32  }
0x2fc: {  	s1 =	rddreg [dreg:$0x1];
	p0 =	sne.s32 s2, $0x0  }
0x2fd: {  	s3 =	rddreg [dreg:$0x2];
	[bflag:$0x3] =	sbarrier.arrive $0xFFFF;
	s2 =	simm.s32 @!p0 $0x1C05  }
0x2fe: {  	[timem:s3], [sflag:s2] =	dma.local @!p0 [hbm:s0], s1  }
0x2ff: {  	s0 =	simm.s32 @!p0 $0x5  }
0x300: {  	_ =	swait.ge @!p0 [sflag:s0], s1  }
0x301: {  	s1 =	ssub.s32 @!p0 $0x0, s1;
	[sflag:s0] =	ssyncset.done @!p0 $0x0  }
0x302: {  	[sflag:s0] =	ssyncadd.s32 @!p0 s1  }
0x303: {  	[bflag:$0x3] =	sbarrier.arrive $0xFFFF  }
0x304: {  	_ =	shalt  }

</sc_bundles>
